<compile_context>
chip_gen: v7x
topology: tpu7x:2x2x1
jax: 0.10.2.dev20260603
libtpu: 0.0.44.dev20260713+nightly
codegen_flags: <defaults>
</compile_context>

<pallas_src>
import functools

import jax
import jax.numpy as jnp
from jax import lax
from jax.experimental import pallas as pl
from jax.experimental.pallas import tpu as pltpu
from jax.experimental.pallas import tpu_sc as plsc

N_ATOM_BASIS = 128
N_FILTERS = 128
N_GAUSS = 25
CUTOFF = 5.0
T = 3
NA = 10000
E = 320000

NC = 2
NS = 16
NW = NC * NS
EPT = E // NW
LOG2 = 0.6931471805599453
GWIDTH = CUTOFF / (N_GAUSS - 1)

_sc_mesh = functools.partial(
    plsc.VectorSubcoreMesh, core_axis_name="c", subcore_axis_name="s",
    num_cores=NC, num_subcores=NS)


def _ssp(x):
    return jnp.maximum(x, 0.0) + jnp.log(1.0 + jnp.exp(-jnp.abs(x))) - LOG2


_DCH = 2000


def _sc_dist_body(x_hbm, y_hbm, z_hbm, src_hbm, dst_hbm, s_out,
                  xv, yv, zv, isrc, idst, sv):
    c = lax.axis_index("c")
    s = lax.axis_index("s")
    base = (c * NS + s) * EPT
    pltpu.sync_copy(x_hbm, xv)
    pltpu.sync_copy(y_hbm, yv)
    pltpu.sync_copy(z_hbm, zv)

    def chunk(ci, carry):
        off = base + ci * _DCH
        pltpu.sync_copy(src_hbm.at[pl.ds(off, _DCH)], isrc)
        pltpu.sync_copy(dst_hbm.at[pl.ds(off, _DCH)], idst)

        def grp(g, carry2):
            sl = pl.ds(g * 16, 16)
            i_d = idst[sl]
            i_s = isrc[sl]
            dx = plsc.load_gather(xv, [i_d]) - plsc.load_gather(xv, [i_s])
            dy = plsc.load_gather(yv, [i_d]) - plsc.load_gather(yv, [i_s])
            dz = plsc.load_gather(zv, [i_d]) - plsc.load_gather(zv, [i_s])
            sv[sl] = dx * dx + dy * dy + dz * dz
            return carry2

        lax.fori_loop(0, _DCH // 16, grp, 0)
        pltpu.sync_copy(sv, s_out.at[pl.ds(off, _DCH)])
        return carry

    lax.fori_loop(0, EPT // _DCH, chunk, 0)


def _sc_dist(x, y, z, src, dst):
    return pl.kernel(
        _sc_dist_body,
        out_type=jax.ShapeDtypeStruct((E,), jnp.float32),
        mesh=_sc_mesh(),
        scratch_types=[
            pltpu.VMEM((NA,), jnp.float32),
            pltpu.VMEM((NA,), jnp.float32),
            pltpu.VMEM((NA,), jnp.float32),
            pltpu.VMEM((_DCH,), jnp.int32),
            pltpu.VMEM((_DCH,), jnp.int32),
            pltpu.VMEM((_DCH,), jnp.float32),
        ],
        compiler_params=pltpu.CompilerParams(needs_layout_passes=False),
    )(x, y, z, src, dst)


_MCH = 80
_NMCH = EPT // _MCH


def _sc_msg_body(t, xn_hbm, w_hbm, src_hbm, dst_hbm, zeros_hbm, out_hbm,
                 isrc, idst, wv, xv, aggs, sem):
    c = lax.axis_index("c")
    s = lax.axis_index("s")
    base = (c * NS + s) * EPT

    @pl.when(s == 0)
    def _zero():
        pltpu.sync_copy(zeros_hbm, aggs)

    plsc.subcore_barrier()

    def chunk(ci, carry):
        off = base + ci * _MCH
        pltpu.sync_copy(src_hbm.at[pl.ds(off, _MCH)], isrc)
        pltpu.sync_copy(dst_hbm.at[pl.ds(off, _MCH)], idst)
        cp = pltpu.async_copy(xn_hbm.at[isrc], xv, sem)
        pltpu.sync_copy(w_hbm.at[t, pl.ds(off, _MCH), :], wv)
        cp.wait()

        def mul(j, carry2):
            for k in range(8):
                sl = pl.ds(k * 16, 16)
                wv[j, sl] = wv[j, sl] * xv[j, sl]
            return carry2

        lax.fori_loop(0, _MCH, mul, 0)
        pltpu.sync_copy(wv, aggs.at[idst], add=True)
        return carry

    lax.fori_loop(0, _NMCH, chunk, 0)
    plsc.subcore_barrier()

    @pl.when(s < NS - 1)
    def _out_main():
        pltpu.sync_copy(aggs.at[pl.ds(s * 640, 640), :],
                        out_hbm.at[c, pl.ds(s * 640, 640), :])

    @pl.when(s == NS - 1)
    def _out_tail():
        pltpu.sync_copy(aggs.at[pl.ds(9600, 400), :],
                        out_hbm.at[c, pl.ds(9600, 400), :])


def _sc_msg(t, xn, w_all, src, dst, zeros):
    return pl.kernel(
        functools.partial(_sc_msg_body, t),
        out_type=jax.ShapeDtypeStruct((NC, NA, N_FILTERS), jnp.float32),
        mesh=_sc_mesh(),
        scratch_types=[
            pltpu.VMEM((_MCH,), jnp.int32),
            pltpu.VMEM((_MCH,), jnp.int32),
            pltpu.VMEM((_MCH, N_FILTERS), jnp.float32),
            pltpu.VMEM((_MCH, N_FILTERS), jnp.float32),
            pltpu.VMEM_SHARED((NA, N_FILTERS), jnp.float32),
            pltpu.SemaphoreType.DMA,
        ],
    )(xn, w_all, src, dst, zeros)


_BN = 1000


def _tc_embed_body(r_ref, emb_ref, win_ref, h_ref, xn_ref):
    rv = r_ref[...]
    ids = lax.broadcasted_iota(jnp.int32, (_BN, 128), 1)
    onehot = (ids == rv).astype(jnp.float32)
    h = jnp.dot(onehot, emb_ref[...], preferred_element_type=jnp.float32)
    h_ref[...] = h
    xn_ref[...] = jnp.dot(h, win_ref[...], preferred_element_type=jnp.float32)


def _tc_embed(r, emb_pad, w_in0):
    return pl.pallas_call(
        _tc_embed_body,
        grid=(NA // _BN,),
        in_specs=[
            pl.BlockSpec((_BN, 1), lambda i: (i, 0)),
            pl.BlockSpec((128, 128), lambda i: (0, 0)),
            pl.BlockSpec((128, 128), lambda i: (0, 0)),
        ],
        out_specs=[
            pl.BlockSpec((_BN, 128), lambda i: (i, 0)),
            pl.BlockSpec((_BN, 128), lambda i: (i, 0)),
        ],
        out_shape=[
            jax.ShapeDtypeStruct((NA, 128), jnp.float32),
            jax.ShapeDtypeStruct((NA, 128), jnp.float32),
        ],
    )(r, emb_pad, w_in0)


_BE = 1000


def _tc_filter_body(s_ref, wf1_ref, bf1_ref, wf2_ref, bf2_ref, out_ref):
    e = jnp.sqrt(s_ref[...])
    off = lax.broadcasted_iota(jnp.int32, (1, 128), 1).astype(jnp.float32) * GWIDTH
    d = e - off
    g = jnp.exp((-0.5 / (GWIDTH * GWIDTH)) * d * d)
    w1 = _ssp(jnp.dot(g, wf1_ref[0], preferred_element_type=jnp.float32)
              + bf1_ref[0])
    w2 = jnp.dot(w1, wf2_ref[0], preferred_element_type=jnp.float32) + bf2_ref[0]
    fcut = 0.5 * (jnp.cos((jnp.pi / CUTOFF) * e) + 1.0)
    fcut = fcut * (e < CUTOFF).astype(jnp.float32)
    out_ref[0] = w2 * fcut


def _tc_filter(s2, wf1p, bf1, wf2, bf2):
    return pl.pallas_call(
        _tc_filter_body,
        grid=(T, E // _BE),
        in_specs=[
            pl.BlockSpec((_BE, 1), lambda t, i: (i, 0)),
            pl.BlockSpec((1, 128, 128), lambda t, i: (t, 0, 0)),
            pl.BlockSpec((1, 1, 128), lambda t, i: (t, 0, 0)),
            pl.BlockSpec((1, 128, 128), lambda t, i: (t, 0, 0)),
            pl.BlockSpec((1, 1, 128), lambda t, i: (t, 0, 0)),
        ],
        out_specs=pl.BlockSpec((1, _BE, 128), lambda t, i: (t, i, 0)),
        out_shape=jax.ShapeDtypeStruct((T, E, 128), jnp.float32),
    )(s2, wf1p, bf1, wf2, bf2)


def _tc_update_body(p0_ref, p1_ref, h_ref, wo1_ref, bo1_ref, wo2_ref, bo2_ref,
                    win_ref, hn_ref, xn_ref):
    agg = p0_ref[0] + p1_ref[0]
    t1 = _ssp(jnp.dot(agg, wo1_ref[...], preferred_element_type=jnp.float32)
              + bo1_ref[...])
    dr = jnp.dot(t1, wo2_ref[...], preferred_element_type=jnp.float32) + bo2_ref[...]
    hn = h_ref[...] + dr
    hn_ref[...] = hn
    xn_ref[...] = jnp.dot(hn, win_ref[...], preferred_element_type=jnp.float32)


def _tc_update(parts, h, wo1, bo1, wo2, bo2, w_in_next):
    return pl.pallas_call(
        _tc_update_body,
        grid=(NA // _BN,),
        in_specs=[
            pl.BlockSpec((1, _BN, 128), lambda i: (0, i, 0)),
            pl.BlockSpec((1, _BN, 128), lambda i: (1, i, 0)),
            pl.BlockSpec((_BN, 128), lambda i: (i, 0)),
            pl.BlockSpec((128, 128), lambda i: (0, 0)),
            pl.BlockSpec((1, 128), lambda i: (0, 0)),
            pl.BlockSpec((128, 128), lambda i: (0, 0)),
            pl.BlockSpec((1, 128), lambda i: (0, 0)),
            pl.BlockSpec((128, 128), lambda i: (0, 0)),
        ],
        out_specs=[
            pl.BlockSpec((_BN, 128), lambda i: (i, 0)),
            pl.BlockSpec((_BN, 128), lambda i: (i, 0)),
        ],
        out_shape=[
            jax.ShapeDtypeStruct((NA, 128), jnp.float32),
            jax.ShapeDtypeStruct((NA, 128), jnp.float32),
        ],
    )(parts, parts, h, wo1, bo1, wo2, bo2, w_in_next)


def _tc_head_body(h_ref, wa1_ref, ba1_ref, wa2_ref, ba2_ref, cn_ref, out_ref):
    i = pl.program_id(0)

    @pl.when(i == 0)
    def _init():
        out_ref[...] = jnp.zeros_like(out_ref)

    t1 = _ssp(jnp.dot(h_ref[...], wa1_ref[...],
                      preferred_element_type=jnp.float32) + ba1_ref[...])
    y = jnp.dot(t1, wa2_ref[...], preferred_element_type=jnp.float32)
    rows = i * _BN + lax.broadcasted_iota(jnp.int32, (_BN, 1), 0)
    m0 = (rows < cn_ref[0, 0]).astype(jnp.float32)
    s_all = jnp.sum(y)
    s0 = jnp.sum(y * m0)
    upd = jnp.concatenate(
        [jnp.full((1, 1), s0, jnp.float32),
         jnp.full((1, 1), s_all - s0, jnp.float32)], axis=0)
    out_ref[...] = out_ref[...] + upd


def _tc_head(h, wa1, ba1, wa2, ba2, cn):
    return pl.pallas_call(
        _tc_head_body,
        grid=(NA // _BN,),
        in_specs=[
            pl.BlockSpec((_BN, 128), lambda i: (i, 0)),
            pl.BlockSpec((128, 64), lambda i: (0, 0)),
            pl.BlockSpec((1, 64), lambda i: (0, 0)),
            pl.BlockSpec((64, 1), lambda i: (0, 0)),
            pl.BlockSpec((1, 1), lambda i: (0, 0)),
            pl.BlockSpec((1, 1), lambda i: (0, 0)),
        ],
        out_specs=pl.BlockSpec((2, 1), lambda i: (0, 0)),
        out_shape=jax.ShapeDtypeStruct((2, 1), jnp.float32),
    )(h, wa1, ba1, wa2, ba2, cn)


def kernel(r, xyz, a, N, embed, W_in, Wf1, bf1, Wf2, bf2, Wo1, bo1, Wo2, bo2,
           Wa1, ba1, Wa2, ba2):
    a = a.astype(jnp.int32)
    dst = a[:, 0]
    src = a[:, 1]
    x = xyz[:, 0]
    y = xyz[:, 1]
    z = xyz[:, 2]

    s2 = _sc_dist(x, y, z, src, dst)
    s2 = s2.reshape(E, 1)

    wf1p = jnp.pad(Wf1, ((0, 0), (0, 128 - N_GAUSS), (0, 0)))
    w_all = _tc_filter(s2, wf1p, bf1.reshape(T, 1, 128), Wf2,
                       bf2.reshape(T, 1, 128))

    emb_pad = jnp.pad(embed, ((0, 28), (0, 0)))
    r2 = r.astype(jnp.int32)
    h, xn = _tc_embed(r2, emb_pad, W_in[0])

    zeros = jnp.zeros((NA, N_FILTERS), jnp.float32)
    for t in range(T):
        parts = _sc_msg(t, xn, w_all, src, dst, zeros)
        w_in_next = W_in[t + 1] if t + 1 < T else W_in[0]
        h, xn = _tc_update(parts, h, Wo1[t], bo1[t].reshape(1, 128),
                           Wo2[t], bo2[t].reshape(1, 128), w_in_next)

    cn = N[0].astype(jnp.int32).reshape(1, 1)
    out = _tc_head(h, Wa1, ba1.reshape(1, 64), Wa2, ba2.reshape(1, 1), cn)
    nvec = N.astype(jnp.float32).reshape(2, 1)
    return out + nvec * ba2[0]

# --- scband reference (transcript-rebuilt; emitter-appended) ---
"""Pipeline reference for scband-net-37323265802379 (READ-ONLY COPY).

The authoritative reference and input builder live on the scoring server;
editing this copy changes nothing except your own understanding.
"""

import jax, jax.numpy as jnp
import numpy as np

N_ATOM_BASIS = 128
N_FILTERS = 128
N_GAUSS = 25
CUTOFF = 5.0
T = 3
N_ATOMS = 10000
N_EDGES = 320000


def _ssp(x):
    # shifted softplus: softplus(x) - log(2)
    return jnp.logaddexp(x, 0.0) - jnp.log(2.0)


def setup_inputs(seed: int = 0):
    key = jax.random.key(seed)
    ks = [jax.random.fold_in(key, i) for i in range(16)]

    def s(k, shape, fan):
        return jax.random.normal(k, shape, dtype=jnp.float32) / np.sqrt(fan)

    r = jax.random.randint(ks[0], (N_ATOMS, 1), 1, 100)  # atomic numbers, avoid padding_idx=0
    xyz = jax.random.uniform(ks[1], (N_ATOMS, 3), dtype=jnp.float32, minval=0.0, maxval=4.0)
    a = jax.random.randint(ks[2], (N_EDGES, 2), 0, N_ATOMS)
    N = np.array([4096, 5904], dtype=np.int64)  # two graphs of different sizes -> else branch

    embed = jax.random.normal(ks[3], (100, N_ATOM_BASIS), dtype=jnp.float32) * 0.1
    embed = embed.at[0].set(0.0)  # padding_idx=0

    W_in = s(ks[4], (T, N_ATOM_BASIS, N_FILTERS), N_ATOM_BASIS)
    Wf1 = s(ks[5], (T, N_GAUSS, N_FILTERS), N_GAUSS)
    bf1 = jnp.zeros((T, N_FILTERS), dtype=jnp.float32)
    Wf2 = s(ks[6], (T, N_FILTERS, N_FILTERS), N_FILTERS)
    bf2 = jnp.zeros((T, N_FILTERS), dtype=jnp.float32)
    Wo1 = s(ks[7], (T, N_FILTERS, N_ATOM_BASIS), N_FILTERS)
    bo1 = jnp.zeros((T, N_ATOM_BASIS), dtype=jnp.float32)
    Wo2 = s(ks[8], (T, N_ATOM_BASIS, N_ATOM_BASIS), N_ATOM_BASIS)
    bo2 = jnp.zeros((T, N_ATOM_BASIS), dtype=jnp.float32)
    Wa1 = s(ks[9], (N_ATOM_BASIS, N_ATOM_BASIS // 2), N_ATOM_BASIS)
    ba1 = jnp.zeros((N_ATOM_BASIS // 2,), dtype=jnp.float32)
    Wa2 = s(ks[10], (N_ATOM_BASIS // 2, 1), N_ATOM_BASIS // 2)
    ba2 = jnp.zeros((1,), dtype=jnp.float32)

    return {"r": r, "xyz": xyz, "a": a, "N": N, "embed": embed,
            "W_in": W_in, "Wf1": Wf1, "bf1": bf1, "Wf2": Wf2, "bf2": bf2,
            "Wo1": Wo1, "bo1": bo1, "Wo2": Wo2, "bo2": bo2,
            "Wa1": Wa1, "ba1": ba1, "Wa2": Wa2, "ba2": ba2}


def reference(r, xyz, a, N, embed, W_in, Wf1, bf1, Wf2, bf2, Wo1, bo1, Wo2, bo2, Wa1, ba1, Wa2, ba2):
    # graph-input branch of Net.forward (len(set(N)) != 1)
    h = embed[r[:, 0]]                          # atomEmbed(r).squeeze() -> [N_atoms, d]
    dst = a[:, 0]
    src = a[:, 1]
    diff = xyz[dst] - xyz[src]                  # (xyz[a[:,0]] - xyz[a[:,1]])
    e = jnp.sqrt(jnp.sum(diff * diff, axis=1))[:, None]   # [E, 1]

    offsets = jnp.linspace(0.0, CUTOFF, N_GAUSS)
    width = offsets[1] - offsets[0]
    g = jnp.exp(-0.5 / (width ** 2) * (e - offsets[None, :]) ** 2)   # gaussian smearing [E, G]
    fcut = 0.5 * (jnp.cos(jnp.pi * e / CUTOFF) + 1.0) * (e < CUTOFF).astype(e.dtype)

    n_atoms = h.shape[0]
    for t in range(T):
        # continuous-filter convolution (InteractionBlock)
        W = _ssp(g @ Wf1[t] + bf1[t]) @ Wf2[t] + bf2[t]   # filter network [E, F]
        W = W * fcut
        xn = h @ W_in[t]                                   # in2f [N_atoms, F]
        m = xn[src] * W                                    # edge messages (gather)
        agg = jnp.zeros((n_atoms, N_FILTERS), dtype=h.dtype).at[dst].add(m)  # scatter-add
        dr = _ssp(agg @ Wo1[t] + bo1[t]) @ Wo2[t] + bo2[t]
        h = h + dr                                         # residual update

    y = _ssp(h @ Wa1 + ba1) @ Wa2 + ba2                    # atomwise1/atomwise2 -> [N_atoms, 1]

    cum = jnp.cumsum(N)
    seg = jnp.searchsorted(cum, jnp.arange(n_atoms), side='right')   # torch.split + per-graph sum
    return jax.ops.segment_sum(y, seg, num_segments=N.shape[0])   # [B, 1]

if __name__ == "__main__":
    import jax
    _d = setup_inputs()
    print(jax.jit(kernel)(*tuple(_d.values())))

</pallas_src>

<mosaic_0001>
#map = affine_map<(d0, d1) -> (0)>
module attributes {stable_mosaic.version = 14 : i64} {
  func.func @_sc_dist_body(%arg0: i32, %arg1: i32, %arg2: memref<10000xf32, #tpu.memory_space<hbm>>, %arg3: memref<10000xf32, #tpu.memory_space<hbm>>, %arg4: memref<10000xf32, #tpu.memory_space<hbm>>, %arg5: memref<320000xi32, #tpu.memory_space<hbm>>, %arg6: memref<320000xi32, #tpu.memory_space<hbm>>, %arg7: memref<320000xf32, #tpu.memory_space<hbm>>, %arg8: memref<10000xf32, #tpu.memory_space<vmem>>, %arg9: memref<10000xf32, #tpu.memory_space<vmem>>, %arg10: memref<10000xf32, #tpu.memory_space<vmem>>, %arg11: memref<2000xi32, #tpu.memory_space<vmem>>, %arg12: memref<2000xi32, #tpu.memory_space<vmem>>, %arg13: memref<2000xf32, #tpu.memory_space<vmem>>) attributes {dimension_semantics = [#tpu.dimension_semantics<core_parallel>, #tpu.dimension_semantics<subcore_parallel>], iteration_bounds = array<i64: 2, 16>, scalar_prefetch = 0 : i64, scratch_operands = 6 : i64, tpu.core_type = #tpu.core_type<sc_vector_subcore>, window_params = [{transform_indices = #map}, {transform_indices = #map}, {transform_indices = #map}, {transform_indices = #map}, {transform_indices = #map}, {transform_indices = #map}]} {
    %mul3A = arith.constant 16 : i32
    %mul3A_0 = arith.muli %arg0, %mul3A : i32
    %add3A = arith.addi %mul3A_0, %arg1 : i32
    %mul3A_1 = arith.constant 10000 : i32
    %mul3A_2 = arith.muli %add3A, %mul3A_1 : i32
    "tpu.region"() ({
      %run_scoped3A = tpu.sem_alloc : memref<!tpu.dma_semaphore, #tpu.memory_space<semaphore_mem>>
      tpu.enqueue_dma source(%arg2 : memref<10000xf32, #tpu.memory_space<hbm>>) target(%arg8 : memref<10000xf32, #tpu.memory_space<vmem>>) target_semaphore(%run_scoped3A : memref<!tpu.dma_semaphore, #tpu.memory_space<semaphore_mem>>)
      tpu.wait_dma2 semaphore(%run_scoped3A : memref<!tpu.dma_semaphore, #tpu.memory_space<semaphore_mem>>) src(%arg2 : memref<10000xf32, #tpu.memory_space<hbm>>) dst(%arg8 : memref<10000xf32, #tpu.memory_space<vmem>>)
      tpu.yield
    }) : () -> ()
    "tpu.region"() ({
      %run_scoped3A = tpu.sem_alloc : memref<!tpu.dma_semaphore, #tpu.memory_space<semaphore_mem>>
      tpu.enqueue_dma source(%arg3 : memref<10000xf32, #tpu.memory_space<hbm>>) target(%arg9 : memref<10000xf32, #tpu.memory_space<vmem>>) target_semaphore(%run_scoped3A : memref<!tpu.dma_semaphore, #tpu.memory_space<semaphore_mem>>)
      tpu.wait_dma2 semaphore(%run_scoped3A : memref<!tpu.dma_semaphore, #tpu.memory_space<semaphore_mem>>) src(%arg3 : memref<10000xf32, #tpu.memory_space<hbm>>) dst(%arg9 : memref<10000xf32, #tpu.memory_space<vmem>>)
      tpu.yield
    }) : () -> ()
    "tpu.region"() ({
      %run_scoped3A = tpu.sem_alloc : memref<!tpu.dma_semaphore, #tpu.memory_space<semaphore_mem>>
      tpu.enqueue_dma source(%arg4 : memref<10000xf32, #tpu.memory_space<hbm>>) target(%arg10 : memref<10000xf32, #tpu.memory_space<vmem>>) target_semaphore(%run_scoped3A : memref<!tpu.dma_semaphore, #tpu.memory_space<semaphore_mem>>)
      tpu.wait_dma2 semaphore(%run_scoped3A : memref<!tpu.dma_semaphore, #tpu.memory_space<semaphore_mem>>) src(%arg4 : memref<10000xf32, #tpu.memory_space<hbm>>) dst(%arg10 : memref<10000xf32, #tpu.memory_space<vmem>>)
      tpu.yield
    }) : () -> ()
    %scan3A = arith.constant 0 : i32
    %scan3A_3 = arith.constant 0 : i32
    %scan3A_4 = arith.constant 5 : i32
    %scan3A_5 = arith.addi %scan3A_3, %scan3A_4 : i32
    %scan3A_6 = arith.constant 1 : i32
    scf.for %scan3A_8 = %scan3A_3 to %scan3A_5 step %scan3A_6  : i32 {
      %mul3A_9 = arith.constant 2000 : i32
      %mul3A_10 = arith.muli %scan3A_8, %mul3A_9 : i32
      %add3A_11 = arith.addi %mul3A_2, %mul3A_10 : i32
      "tpu.region"() ({
        %run_scoped3A = tpu.sem_alloc : memref<!tpu.dma_semaphore, #tpu.memory_space<semaphore_mem>>
        %dma_start3A = tpu.memref_slice %arg5[%add3A_11] : memref<320000xi32, #tpu.memory_space<hbm>> -> memref<2000xi32, #tpu.memory_space<hbm>>
        %dma_start3A_18 = tpu.memref_slice %arg5[%add3A_11] : memref<320000xi32, #tpu.memory_space<hbm>> -> memref<2000xi32, #tpu.memory_space<hbm>>
        tpu.enqueue_dma source(%dma_start3A_18 : memref<2000xi32, #tpu.memory_space<hbm>>) target(%arg11 : memref<2000xi32, #tpu.memory_space<vmem>>) target_semaphore(%run_scoped3A : memref<!tpu.dma_semaphore, #tpu.memory_space<semaphore_mem>>)
        %dma_wait3A = tpu.memref_slice %arg5[%add3A_11] : memref<320000xi32, #tpu.memory_space<hbm>> -> memref<2000xi32, #tpu.memory_space<hbm>>
        %dma_wait3A_19 = tpu.memref_slice %arg5[%add3A_11] : memref<320000xi32, #tpu.memory_space<hbm>> -> memref<2000xi32, #tpu.memory_space<hbm>>
        tpu.wait_dma2 semaphore(%run_scoped3A : memref<!tpu.dma_semaphore, #tpu.memory_space<semaphore_mem>>) src(%dma_wait3A_19 : memref<2000xi32, #tpu.memory_space<hbm>>) dst(%arg11 : memref<2000xi32, #tpu.memory_space<vmem>>)
        tpu.yield
      }) : () -> ()
      "tpu.region"() ({
        %run_scoped3A = tpu.sem_alloc : memref<!tpu.dma_semaphore, #tpu.memory_space<semaphore_mem>>
        %dma_start3A = tpu.memref_slice %arg6[%add3A_11] : memref<320000xi32, #tpu.memory_space<hbm>> -> memref<2000xi32, #tpu.memory_space<hbm>>
        %dma_start3A_18 = tpu.memref_slice %arg6[%add3A_11] : memref<320000xi32, #tpu.memory_space<hbm>> -> memref<2000xi32, #tpu.memory_space<hbm>>
        tpu.enqueue_dma source(%dma_start3A_18 : memref<2000xi32, #tpu.memory_space<hbm>>) target(%arg12 : memref<2000xi32, #tpu.memory_space<vmem>>) target_semaphore(%run_scoped3A : memref<!tpu.dma_semaphore, #tpu.memory_space<semaphore_mem>>)
        %dma_wait3A = tpu.memref_slice %arg6[%add3A_11] : memref<320000xi32, #tpu.memory_space<hbm>> -> memref<2000xi32, #tpu.memory_space<hbm>>
        %dma_wait3A_19 = tpu.memref_slice %arg6[%add3A_11] : memref<320000xi32, #tpu.memory_space<hbm>> -> memref<2000xi32, #tpu.memory_space<hbm>>
        tpu.wait_dma2 semaphore(%run_scoped3A : memref<!tpu.dma_semaphore, #tpu.memory_space<semaphore_mem>>) src(%dma_wait3A_19 : memref<2000xi32, #tpu.memory_space<hbm>>) dst(%arg12 : memref<2000xi32, #tpu.memory_space<vmem>>)
        tpu.yield
      }) : () -> ()
      %scan3A_12 = arith.constant 0 : i32
      %scan3A_13 = arith.constant 0 : i32
      %scan3A_14 = arith.constant 125 : i32
      %scan3A_15 = arith.addi %scan3A_13, %scan3A_14 : i32
      %scan3A_16 = arith.constant 1 : i32
      scf.for %scan3A_18 = %scan3A_13 to %scan3A_15 step %scan3A_16  : i32 {
        %mul3A_19 = arith.constant 16 : i32
        %mul3A_20 = arith.muli %scan3A_18, %mul3A_19 : i32
        %get3A = arith.index_cast %mul3A_20 : i32 to index
        %get3A_21 = tpu.vector_load %arg12[%get3A] {strides = array<i32>} : memref<2000xi32, #tpu.memory_space<vmem>>, vector<16xi32>,
        %get3A_22 = arith.index_cast %mul3A_20 : i32 to index
        %get3A_23 = tpu.vector_load %arg11[%get3A_22] {strides = array<i32>} : memref<2000xi32, #tpu.memory_space<vmem>>, vector<16xi32>,
        %gather3A = tpu.vector_load_idx %arg8[%get3A_21] : memref<10000xf32, #tpu.memory_space<vmem>>[vector<16xi32>], vector<16xf32>,
        %gather3A_24 = tpu.vector_load_idx %arg8[%get3A_23] : memref<10000xf32, #tpu.memory_space<vmem>>[vector<16xi32>], vector<16xf32>,
        %sub3A = arith.subf %gather3A, %gather3A_24 : vector<16xf32>
        %gather3A_25 = tpu.vector_load_idx %arg9[%get3A_21] : memref<10000xf32, #tpu.memory_space<vmem>>[vector<16xi32>], vector<16xf32>,
        %gather3A_26 = tpu.vector_load_idx %arg9[%get3A_23] : memref<10000xf32, #tpu.memory_space<vmem>>[vector<16xi32>], vector<16xf32>,
        %sub3A_27 = arith.subf %gather3A_25, %gather3A_26 : vector<16xf32>
        %gather3A_28 = tpu.vector_load_idx %arg10[%get3A_21] : memref<10000xf32, #tpu.memory_space<vmem>>[vector<16xi32>], vector<16xf32>,
        %gather3A_29 = tpu.vector_load_idx %arg10[%get3A_23] : memref<10000xf32, #tpu.memory_space<vmem>>[vector<16xi32>], vector<16xf32>,
        %sub3A_30 = arith.subf %gather3A_28, %gather3A_29 : vector<16xf32>
        %mul3A_31 = arith.mulf %sub3A, %sub3A : vector<16xf32>
        %mul3A_32 = arith.mulf %sub3A_27, %sub3A_27 : vector<16xf32>
        %add3A_33 = arith.addf %mul3A_31, %mul3A_32 : vector<16xf32>
        %mul3A_34 = arith.mulf %sub3A_30, %sub3A_30 : vector<16xf32>
        %add3A_35 = arith.addf %add3A_33, %mul3A_34 : vector<16xf32>
        %swap3A = arith.index_cast %mul3A_20 : i32 to index
        %swap3A_36 = tpu.vector_load %arg13[%swap3A] {strides = array<i32>} : memref<2000xf32, #tpu.memory_space<vmem>>, vector<16xf32>,
        tpu.vector_store %arg13[%swap3A], %add3A_35 {strides = array<i32>} : memref<2000xf32, #tpu.memory_space<vmem>>, vector<16xf32>,
      }
      %scan3A_17 = arith.constant 125 : i32
      "tpu.region"() ({
        %run_scoped3A = tpu.sem_alloc : memref<!tpu.dma_semaphore, #tpu.memory_space<semaphore_mem>>
        %dma_start3A = tpu.memref_slice %arg7[%add3A_11] : memref<320000xf32, #tpu.memory_space<hbm>> -> memref<2000xf32, #tpu.memory_space<hbm>>
        %dma_start3A_18 = tpu.memref_slice %arg7[%add3A_11] : memref<320000xf32, #tpu.memory_space<hbm>> -> memref<2000xf32, #tpu.memory_space<hbm>>
        tpu.enqueue_dma source(%arg13 : memref<2000xf32, #tpu.memory_space<vmem>>) target(%dma_start3A_18 : memref<2000xf32, #tpu.memory_space<hbm>>) target_semaphore(%run_scoped3A : memref<!tpu.dma_semaphore, #tpu.memory_space<semaphore_mem>>)
        %dma_wait3A = tpu.memref_slice %arg7[%add3A_11] : memref<320000xf32, #tpu.memory_space<hbm>> -> memref<2000xf32, #tpu.memory_space<hbm>>
        %dma_wait3A_19 = tpu.memref_slice %arg7[%add3A_11] : memref<320000xf32, #tpu.memory_space<hbm>> -> memref<2000xf32, #tpu.memory_space<hbm>>
        tpu.wait_dma2 semaphore(%run_scoped3A : memref<!tpu.dma_semaphore, #tpu.memory_space<semaphore_mem>>) src(%arg13 : memref<2000xf32, #tpu.memory_space<vmem>>) dst(%dma_wait3A_19 : memref<2000xf32, #tpu.memory_space<hbm>>)
        tpu.yield
      }) : () -> ()
    }
    %scan3A_7 = arith.constant 5 : i32
    return
  }
}

#map = affine_map<(d0, d1) -> (0, 0)>
#map1 = affine_map<(d0, d1) -> (0, 0, 0)>
#map2 = affine_map<(d0, d1) -> (0)>
module attributes {stable_mosaic.version = 14 : i64} {
  func.func @_sc_msg_body(%arg0: i32, %arg1: i32, %arg2: memref<10000x128xf32, #tpu.memory_space<hbm>>, %arg3: memref<3x320000x128xf32, #tpu.memory_space<hbm>>, %arg4: memref<320000xi32, #tpu.memory_space<hbm>>, %arg5: memref<320000xi32, #tpu.memory_space<hbm>>, %arg6: memref<10000x128xf32, #tpu.memory_space<hbm>>, %arg7: memref<2x10000x128xf32, #tpu.memory_space<hbm>>, %arg8: memref<80xi32, #tpu.memory_space<vmem>>, %arg9: memref<80xi32, #tpu.memory_space<vmem>>, %arg10: memref<80x128xf32, #tpu.memory_space<vmem>>, %arg11: memref<80x128xf32, #tpu.memory_space<vmem>>, %arg12: memref<10000x128xf32, #tpu.memory_space<vmem_shared>>, %arg13: memref<!tpu.dma_semaphore, #tpu.memory_space<semaphore_mem>>) attributes {dimension_semantics = [#tpu.dimension_semantics<core_parallel>, #tpu.dimension_semantics<subcore_parallel>], iteration_bounds = array<i64: 2, 16>, scalar_prefetch = 0 : i64, scratch_operands = 6 : i64, tpu.core_type = #tpu.core_type<sc_vector_subcore>, window_params = [{transform_indices = #map}, {transform_indices = #map1}, {transform_indices = #map2}, {transform_indices = #map2}, {transform_indices = #map}, {transform_indices = #map1}]} {
    %mul3A = arith.constant 16 : i32
    %mul3A_0 = arith.muli %arg0, %mul3A : i32
    %add3A = arith.addi %mul3A_0, %arg1 : i32
    %mul3A_1 = arith.constant 10000 : i32
    %mul3A_2 = arith.muli %add3A, %mul3A_1 : i32
    %eq3A = arith.constant 0 : i32
    %eq3A_3 = arith.cmpi eq, %arg1, %eq3A : i32
    %convert_element_type3A = arith.extui %eq3A_3 : i1 to i32
    %cond3A = arith.constant 0 : i32
    %cond3A_4 = arith.cmpi ne, %convert_element_type3A, %cond3A : i32
    scf.if %cond3A_4 {
      "tpu.region"() ({
        %run_scoped3A = tpu.sem_alloc : memref<!tpu.dma_semaphore, #tpu.memory_space<semaphore_mem>>
        tpu.enqueue_dma source(%arg6 : memref<10000x128xf32, #tpu.memory_space<hbm>>) target(%arg12 : memref<10000x128xf32, #tpu.memory_space<vmem_shared>>) target_semaphore(%run_scoped3A : memref<!tpu.dma_semaphore, #tpu.memory_space<semaphore_mem>>)
        tpu.wait_dma2 semaphore(%run_scoped3A : memref<!tpu.dma_semaphore, #tpu.memory_space<semaphore_mem>>) src(%arg6 : memref<10000x128xf32, #tpu.memory_space<hbm>>) dst(%arg12 : memref<10000x128xf32, #tpu.memory_space<vmem_shared>>)
        tpu.yield
      }) : () -> ()
    } else {
    }
    %barrier3A = arith.constant 0 : index
    tpu.barrier barrier_id(%barrier3A)
    %scan3A = arith.constant 0 : i32
    %scan3A_5 = arith.constant 0 : i32
    %scan3A_6 = arith.constant 125 : i32
    %scan3A_7 = arith.addi %scan3A_5, %scan3A_6 : i32
    %scan3A_8 = arith.constant 1 : i32
    scf.for %scan3A_20 = %scan3A_5 to %scan3A_7 step %scan3A_8  : i32 {
      %mul3A_21 = arith.constant 80 : i32
      %mul3A_22 = arith.muli %scan3A_20, %mul3A_21 : i32
      %add3A_23 = arith.addi %mul3A_2, %mul3A_22 : i32
      "tpu.region"() ({
        %run_scoped3A_34 = tpu.sem_alloc : memref<!tpu.dma_semaphore, #tpu.memory_space<semaphore_mem>>
        %dma_start3A_35 = tpu.memref_slice %arg4[%add3A_23] : memref<320000xi32, #tpu.memory_space<hbm>> -> memref<80xi32, #tpu.memory_space<hbm>>
        %dma_start3A_36 = tpu.memref_slice %arg4[%add3A_23] : memref<320000xi32, #tpu.memory_space<hbm>> -> memref<80xi32, #tpu.memory_space<hbm>>
        tpu.enqueue_dma source(%dma_start3A_36 : memref<80xi32, #tpu.memory_space<hbm>>) target(%arg8 : memref<80xi32, #tpu.memory_space<vmem>>) target_semaphore(%run_scoped3A_34 : memref<!tpu.dma_semaphore, #tpu.memory_space<semaphore_mem>>)
        %dma_wait3A_37 = tpu.memref_slice %arg4[%add3A_23] : memref<320000xi32, #tpu.memory_space<hbm>> -> memref<80xi32, #tpu.memory_space<hbm>>
        %dma_wait3A_38 = tpu.memref_slice %arg4[%add3A_23] : memref<320000xi32, #tpu.memory_space<hbm>> -> memref<80xi32, #tpu.memory_space<hbm>>
        tpu.wait_dma2 semaphore(%run_scoped3A_34 : memref<!tpu.dma_semaphore, #tpu.memory_space<semaphore_mem>>) src(%dma_wait3A_38 : memref<80xi32, #tpu.memory_space<hbm>>) dst(%arg8 : memref<80xi32, #tpu.memory_space<vmem>>)
        tpu.yield
      }) : () -> ()
      "tpu.region"() ({
        %run_scoped3A_34 = tpu.sem_alloc : memref<!tpu.dma_semaphore, #tpu.memory_space<semaphore_mem>>
        %dma_start3A_35 = tpu.memref_slice %arg5[%add3A_23] : memref<320000xi32, #tpu.memory_space<hbm>> -> memref<80xi32, #tpu.memory_space<hbm>>
        %dma_start3A_36 = tpu.memref_slice %arg5[%add3A_23] : memref<320000xi32, #tpu.memory_space<hbm>> -> memref<80xi32, #tpu.memory_space<hbm>>
        tpu.enqueue_dma source(%dma_start3A_36 : memref<80xi32, #tpu.memory_space<hbm>>) target(%arg9 : memref<80xi32, #tpu.memory_space<vmem>>) target_semaphore(%run_scoped3A_34 : memref<!tpu.dma_semaphore, #tpu.memory_space<semaphore_mem>>)
        %dma_wait3A_37 = tpu.memref_slice %arg5[%add3A_23] : memref<320000xi32, #tpu.memory_space<hbm>> -> memref<80xi32, #tpu.memory_space<hbm>>
        %dma_wait3A_38 = tpu.memref_slice %arg5[%add3A_23] : memref<320000xi32, #tpu.memory_space<hbm>> -> memref<80xi32, #tpu.memory_space<hbm>>
        tpu.wait_dma2 semaphore(%run_scoped3A_34 : memref<!tpu.dma_semaphore, #tpu.memory_space<semaphore_mem>>) src(%dma_wait3A_38 : memref<80xi32, #tpu.memory_space<hbm>>) dst(%arg9 : memref<80xi32, #tpu.memory_space<vmem>>)
        tpu.yield
      }) : () -> ()
      %dma_start3A = arith.constant 0 : i32
      %dma_start3A_24 = arith.constant 0 : i32
      %dma_start3A_25 = tpu.memref_slice %arg2[%dma_start3A, %dma_start3A_24] : memref<10000x128xf32, #tpu.memory_space<hbm>> -> memref<10000x128xf32, #tpu.memory_space<hbm>>
      tpu.enqueue_indirect_dma source(%dma_start3A_25 : memref<10000x128xf32, #tpu.memory_space<hbm>>) target(%arg11 : memref<80x128xf32, #tpu.memory_space<vmem>>) offsets(%arg8 : memref<80xi32, #tpu.memory_space<vmem>>) semaphore(%arg13 : memref<!tpu.dma_semaphore, #tpu.memory_space<semaphore_mem>>)
      %run_scoped3A = arith.constant 1 : i32
      "tpu.region"() ({
        %run_scoped3A_34 = tpu.sem_alloc : memref<!tpu.dma_semaphore, #tpu.memory_space<semaphore_mem>>
        %dma_start3A_35 = arith.constant 0 : i32
        %dma_start3A_36 = tpu.memref_slice %arg3[%run_scoped3A, %add3A_23, %dma_start3A_35] : memref<3x320000x128xf32, #tpu.memory_space<hbm>> -> memref<1x80x128xf32, #tpu.memory_space<hbm>>
        %dma_start3A_37 = tpu.memref_squeeze %dma_start3A_36 : memref<1x80x128xf32, #tpu.memory_space<hbm>> -> memref<80x128xf32, #tpu.memory_space<hbm>>
        %dma_start3A_38 = arith.constant 0 : i32
        %dma_start3A_39 = tpu.memref_slice %arg3[%run_scoped3A, %add3A_23, %dma_start3A_38] : memref<3x320000x128xf32, #tpu.memory_space<hbm>> -> memref<1x80x128xf32, #tpu.memory_space<hbm>>
        %dma_start3A_40 = tpu.memref_squeeze %dma_start3A_39 : memref<1x80x128xf32, #tpu.memory_space<hbm>> -> memref<80x128xf32, #tpu.memory_space<hbm>>
        tpu.enqueue_dma source(%dma_start3A_40 : memref<80x128xf32, #tpu.memory_space<hbm>>) target(%arg10 : memref<80x128xf32, #tpu.memory_space<vmem>>) target_semaphore(%run_scoped3A_34 : memref<!tpu.dma_semaphore, #tpu.memory_space<semaphore_mem>>)
        %dma_wait3A_41 = arith.constant 0 : i32
        %dma_wait3A_42 = tpu.memref_slice %arg3[%run_scoped3A, %add3A_23, %dma_wait3A_41] : memref<3x320000x128xf32, #tpu.memory_space<hbm>> -> memref<1x80x128xf32, #tpu.memory_space<hbm>>
        %dma_wait3A_43 = tpu.memref_squeeze %dma_wait3A_42 : memref<1x80x128xf32, #tpu.memory_space<hbm>> -> memref<80x128xf32, #tpu.memory_space<hbm>>
        %dma_wait3A_44 = arith.constant 0 : i32
        %dma_wait3A_45 = tpu.memref_slice %arg3[%run_scoped3A, %add3A_23, %dma_wait3A_44] : memref<3x320000x128xf32, #tpu.memory_space<hbm>> -> memref<1x80x128xf32, #tpu.memory_space<hbm>>
        %dma_wait3A_46 = tpu.memref_squeeze %dma_wait3A_45 : memref<1x80x128xf32, #tpu.memory_space<hbm>> -> memref<80x128xf32, #tpu.memory_space<hbm>>
        tpu.wait_dma2 semaphore(%run_scoped3A_34 : memref<!tpu.dma_semaphore, #tpu.memory_space<semaphore_mem>>) src(%dma_wait3A_46 : memref<80x128xf32, #tpu.memory_space<hbm>>) dst(%arg10 : memref<80x128xf32, #tpu.memory_space<vmem>>)
        tpu.yield
      }) : () -> ()
      %dma_wait3A = arith.constant 0 : i32
      %dma_wait3A_26 = arith.constant 0 : i32
      %dma_wait3A_27 = tpu.memref_slice %arg2[%dma_wait3A, %dma_wait3A_26] : memref<10000x128xf32, #tpu.memory_space<hbm>> -> memref<10000x128xf32, #tpu.memory_space<hbm>>
      tpu.wait_indirect_dma semaphore(%arg13 : memref<!tpu.dma_semaphore, #tpu.memory_space<semaphore_mem>>) src(%dma_wait3A_27 : memref<10000x128xf32, #tpu.memory_space<hbm>>) dst(%arg11 : memref<80x128xf32, #tpu.memory_space<vmem>>)
      %scan3A_28 = arith.constant 0 : i32
      %scan3A_29 = arith.constant 0 : i32
      %scan3A_30 = arith.constant 80 : i32
      %scan3A_31 = arith.addi %scan3A_29, %scan3A_30 : i32
      %scan3A_32 = arith.constant 1 : i32
      scf.for %scan3A_34 = %scan3A_29 to %scan3A_31 step %scan3A_32  : i32 {
        %get3A = arith.index_cast %scan3A_34 : i32 to index
        %get3A_35 = arith.constant 0 : index
        %get3A_36 = tpu.vector_load %arg10[%get3A, %get3A_35] {strides = array<i32>} : memref<80x128xf32, #tpu.memory_space<vmem>>, vector<1x16xf32>,
        %get3A_37 = vector.shape_cast %get3A_36 : vector<1x16xf32> to vector<16xf32>
        %get3A_38 = arith.index_cast %scan3A_34 : i32 to index
        %get3A_39 = arith.constant 0 : index
        %get3A_40 = tpu.vector_load %arg11[%get3A_38, %get3A_39] {strides = array<i32>} : memref<80x128xf32, #tpu.memory_space<vmem>>, vector<1x16xf32>,
        %get3A_41 = vector.shape_cast %get3A_40 : vector<1x16xf32> to vector<16xf32>
        %mul3A_42 = arith.mulf %get3A_37, %get3A_41 : vector<16xf32>
        %swap3A = arith.index_cast %scan3A_34 : i32 to index
        %swap3A_43 = arith.constant 0 : index
        %swap3A_44 = tpu.vector_load %arg10[%swap3A, %swap3A_43] {strides = array<i32>} : memref<80x128xf32, #tpu.memory_space<vmem>>, vector<1x16xf32>,
        %swap3A_45 = vector.shape_cast %swap3A_44 : vector<1x16xf32> to vector<16xf32>
        %swap3A_46 = vector.shape_cast %mul3A_42 : vector<16xf32> to vector<1x16xf32>
        tpu.vector_store %arg10[%swap3A, %swap3A_43], %swap3A_46 {strides = array<i32>} : memref<80x128xf32, #tpu.memory_space<vmem>>, vector<1x16xf32>,
        %get3A_47 = arith.index_cast %scan3A_34 : i32 to index
        %get3A_48 = arith.constant 16 : index
        %get3A_49 = tpu.vector_load %arg10[%get3A_47, %get3A_48] {strides = array<i32>} : memref<80x128xf32, #tpu.memory_space<vmem>>, vector<1x16xf32>,
        %get3A_50 = vector.shape_cast %get3A_49 : vector<1x16xf32> to vector<16xf32>
        %get3A_51 = arith.index_cast %scan3A_34 : i32 to index
        %get3A_52 = arith.constant 16 : index
        %get3A_53 = tpu.vector_load %arg11[%get3A_51, %get3A_52] {strides = array<i32>} : memref<80x128xf32, #tpu.memory_space<vmem>>, vector<1x16xf32>,
        %get3A_54 = vector.shape_cast %get3A_53 : vector<1x16xf32> to vector<16xf32>
        %mul3A_55 = arith.mulf %get3A_50, %get3A_54 : vector<16xf32>
        %swap3A_56 = arith.index_cast %scan3A_34 : i32 to index
        %swap3A_57 = arith.constant 16 : index
        %swap3A_58 = tpu.vector_load %arg10[%swap3A_56, %swap3A_57] {strides = array<i32>} : memref<80x128xf32, #tpu.memory_space<vmem>>, vector<1x16xf32>,
        %swap3A_59 = vector.shape_cast %swap3A_58 : vector<1x16xf32> to vector<16xf32>
        %swap3A_60 = vector.shape_cast %mul3A_55 : vector<16xf32> to vector<1x16xf32>
        tpu.vector_store %arg10[%swap3A_56, %swap3A_57], %swap3A_60 {strides = array<i32>} : memref<80x128xf32, #tpu.memory_space<vmem>>, vector<1x16xf32>,
        %get3A_61 = arith.index_cast %scan3A_34 : i32 to index
        %get3A_62 = arith.constant 32 : index
        %get3A_63 = tpu.vector_load %arg10[%get3A_61, %get3A_62] {strides = array<i32>} : memref<80x128xf32, #tpu.memory_space<vmem>>, vector<1x16xf32>,
        %get3A_64 = vector.shape_cast %get3A_63 : vector<1x16xf32> to vector<16xf32>
        %get3A_65 = arith.index_cast %scan3A_34 : i32 to index
        %get3A_66 = arith.constant 32 : index
        %get3A_67 = tpu.vector_load %arg11[%get3A_65, %get3A_66] {strides = array<i32>} : memref<80x128xf32, #tpu.memory_space<vmem>>, vector<1x16xf32>,
        %get3A_68 = vector.shape_cast %get3A_67 : vector<1x16xf32> to vector<16xf32>
        %mul3A_69 = arith.mulf %get3A_64, %get3A_68 : vector<16xf32>
        %swap3A_70 = arith.index_cast %scan3A_34 : i32 to index
        %swap3A_71 = arith.constant 32 : index
        %swap3A_72 = tpu.vector_load %arg10[%swap3A_70, %swap3A_71] {strides = array<i32>} : memref<80x128xf32, #tpu.memory_space<vmem>>, vector<1x16xf32>,
        %swap3A_73 = vector.shape_cast %swap3A_72 : vector<1x16xf32> to vector<16xf32>
        %swap3A_74 = vector.shape_cast %mul3A_69 : vector<16xf32> to vector<1x16xf32>
        tpu.vector_store %arg10[%swap3A_70, %swap3A_71], %swap3A_74 {strides = array<i32>} : memref<80x128xf32, #tpu.memory_space<vmem>>, vector<1x16xf32>,
        %get3A_75 = arith.index_cast %scan3A_34 : i32 to index
        %get3A_76 = arith.constant 48 : index
        %get3A_77 = tpu.vector_load %arg10[%get3A_75, %get3A_76] {strides = array<i32>} : memref<80x128xf32, #tpu.memory_space<vmem>>, vector<1x16xf32>,
        %get3A_78 = vector.shape_cast %get3A_77 : vector<1x16xf32> to vector<16xf32>
        %get3A_79 = arith.index_cast %scan3A_34 : i32 to index
        %get3A_80 = arith.constant 48 : index
        %get3A_81 = tpu.vector_load %arg11[%get3A_79, %get3A_80] {strides = array<i32>} : memref<80x128xf32, #tpu.memory_space<vmem>>, vector<1x16xf32>,
        %get3A_82 = vector.shape_cast %get3A_81 : vector<1x16xf32> to vector<16xf32>
        %mul3A_83 = arith.mulf %get3A_78, %get3A_82 : vector<16xf32>
        %swap3A_84 = arith.index_cast %scan3A_34 : i32 to index
        %swap3A_85 = arith.constant 48 : index
        %swap3A_86 = tpu.vector_load %arg10[%swap3A_84, %swap3A_85] {strides = array<i32>} : memref<80x128xf32, #tpu.memory_space<vmem>>, vector<1x16xf32>,
        %swap3A_87 = vector.shape_cast %swap3A_86 : vector<1x16xf32> to vector<16xf32>
        %swap3A_88 = vector.shape_cast %mul3A_83 : vector<16xf32> to vector<1x16xf32>
        tpu.vector_store %arg10[%swap3A_84, %swap3A_85], %swap3A_88 {strides = array<i32>} : memref<80x128xf32, #tpu.memory_space<vmem>>, vector<1x16xf32>,
        %get3A_89 = arith.index_cast %scan3A_34 : i32 to index
        %get3A_90 = arith.constant 64 : index
        %get3A_91 = tpu.vector_load %arg10[%get3A_89, %get3A_90] {strides = array<i32>} : memref<80x128xf32, #tpu.memory_space<vmem>>, vector<1x16xf32>,
        %get3A_92 = vector.shape_cast %get3A_91 : vector<1x16xf32> to vector<16xf32>
        %get3A_93 = arith.index_cast %scan3A_34 : i32 to index
        %get3A_94 = arith.constant 64 : index
        %get3A_95 = tpu.vector_load %arg11[%get3A_93, %get3A_94] {strides = array<i32>} : memref<80x128xf32, #tpu.memory_space<vmem>>, vector<1x16xf32>,
        %get3A_96 = vector.shape_cast %get3A_95 : vector<1x16xf32> to vector<16xf32>
        %mul3A_97 = arith.mulf %get3A_92, %get3A_96 : vector<16xf32>
        %swap3A_98 = arith.index_cast %scan3A_34 : i32 to index
        %swap3A_99 = arith.constant 64 : index
        %swap3A_100 = tpu.vector_load %arg10[%swap3A_98, %swap3A_99] {strides = array<i32>} : memref<80x128xf32, #tpu.memory_space<vmem>>, vector<1x16xf32>,
        %swap3A_101 = vector.shape_cast %swap3A_100 : vector<1x16xf32> to vector<16xf32>
        %swap3A_102 = vector.shape_cast %mul3A_97 : vector<16xf32> to vector<1x16xf32>
        tpu.vector_store %arg10[%swap3A_98, %swap3A_99], %swap3A_102 {strides = array<i32>} : memref<80x128xf32, #tpu.memory_space<vmem>>, vector<1x16xf32>,
        %get3A_103 = arith.index_cast %scan3A_34 : i32 to index
        %get3A_104 = arith.constant 80 : index
        %get3A_105 = tpu.vector_load %arg10[%get3A_103, %get3A_104] {strides = array<i32>} : memref<80x128xf32, #tpu.memory_space<vmem>>, vector<1x16xf32>,
        %get3A_106 = vector.shape_cast %get3A_105 : vector<1x16xf32> to vector<16xf32>
        %get3A_107 = arith.index_cast %scan3A_34 : i32 to index
        %get3A_108 = arith.constant 80 : index
        %get3A_109 = tpu.vector_load %arg11[%get3A_107, %get3A_108] {strides = array<i32>} : memref<80x128xf32, #tpu.memory_space<vmem>>, vector<1x16xf32>,
        %get3A_110 = vector.shape_cast %get3A_109 : vector<1x16xf32> to vector<16xf32>
        %mul3A_111 = arith.mulf %get3A_106, %get3A_110 : vector<16xf32>
        %swap3A_112 = arith.index_cast %scan3A_34 : i32 to index
        %swap3A_113 = arith.constant 80 : index
        %swap3A_114 = tpu.vector_load %arg10[%swap3A_112, %swap3A_113] {strides = array<i32>} : memref<80x128xf32, #tpu.memory_space<vmem>>, vector<1x16xf32>,
        %swap3A_115 = vector.shape_cast %swap3A_114 : vector<1x16xf32> to vector<16xf32>
        %swap3A_116 = vector.shape_cast %mul3A_111 : vector<16xf32> to vector<1x16xf32>
        tpu.vector_store %arg10[%swap3A_112, %swap3A_113], %swap3A_116 {strides = array<i32>} : memref<80x128xf32, #tpu.memory_space<vmem>>, vector<1x16xf32>,
        %get3A_117 = arith.index_cast %scan3A_34 : i32 to index
        %get3A_118 = arith.constant 96 : index
        %get3A_119 = tpu.vector_load %arg10[%get3A_117, %get3A_118] {strides = array<i32>} : memref<80x128xf32, #tpu.memory_space<vmem>>, vector<1x16xf32>,
        %get3A_120 = vector.shape_cast %get3A_119 : vector<1x16xf32> to vector<16xf32>
        %get3A_121 = arith.index_cast %scan3A_34 : i32 to index
        %get3A_122 = arith.constant 96 : index
        %get3A_123 = tpu.vector_load %arg11[%get3A_121, %get3A_122] {strides = array<i32>} : memref<80x128xf32, #tpu.memory_space<vmem>>, vector<1x16xf32>,
        %get3A_124 = vector.shape_cast %get3A_123 : vector<1x16xf32> to vector<16xf32>
        %mul3A_125 = arith.mulf %get3A_120, %get3A_124 : vector<16xf32>
        %swap3A_126 = arith.index_cast %scan3A_34 : i32 to index
        %swap3A_127 = arith.constant 96 : index
        %swap3A_128 = tpu.vector_load %arg10[%swap3A_126, %swap3A_127] {strides = array<i32>} : memref<80x128xf32, #tpu.memory_space<vmem>>, vector<1x16xf32>,
        %swap3A_129 = vector.shape_cast %swap3A_128 : vector<1x16xf32> to vector<16xf32>
        %swap3A_130 = vector.shape_cast %mul3A_125 : vector<16xf32> to vector<1x16xf32>
        tpu.vector_store %arg10[%swap3A_126, %swap3A_127], %swap3A_130 {strides = array<i32>} : memref<80x128xf32, #tpu.memory_space<vmem>>, vector<1x16xf32>,
        %get3A_131 = arith.index_cast %scan3A_34 : i32 to index
        %get3A_132 = arith.constant 112 : index
        %get3A_133 = tpu.vector_load %arg10[%get3A_131, %get3A_132] {strides = array<i32>} : memref<80x128xf32, #tpu.memory_space<vmem>>, vector<1x16xf32>,
        %get3A_134 = vector.shape_cast %get3A_133 : vector<1x16xf32> to vector<16xf32>
        %get3A_135 = arith.index_cast %scan3A_34 : i32 to index
        %get3A_136 = arith.constant 112 : index
        %get3A_137 = tpu.vector_load %arg11[%get3A_135, %get3A_136] {strides = array<i32>} : memref<80x128xf32, #tpu.memory_space<vmem>>, vector<1x16xf32>,
        %get3A_138 = vector.shape_cast %get3A_137 : vector<1x16xf32> to vector<16xf32>
        %mul3A_139 = arith.mulf %get3A_134, %get3A_138 : vector<16xf32>
        %swap3A_140 = arith.index_cast %scan3A_34 : i32 to index
        %swap3A_141 = arith.constant 112 : index
        %swap3A_142 = tpu.vector_load %arg10[%swap3A_140, %swap3A_141] {strides = array<i32>} : memref<80x128xf32, #tpu.memory_space<vmem>>, vector<1x16xf32>,
        %swap3A_143 = vector.shape_cast %swap3A_142 : vector<1x16xf32> to vector<16xf32>
        %swap3A_144 = vector.shape_cast %mul3A_139 : vector<16xf32> to vector<1x16xf32>
        tpu.vector_store %arg10[%swap3A_140, %swap3A_141], %swap3A_144 {strides = array<i32>} : memref<80x128xf32, #tpu.memory_space<vmem>>, vector<1x16xf32>,
      }
      %scan3A_33 = arith.constant 80 : i32
      "tpu.region"() ({
        %run_scoped3A_34 = tpu.sem_alloc : memref<!tpu.dma_semaphore, #tpu.memory_space<semaphore_mem>>
        %dma_start3A_35 = arith.constant 0 : i32
        %dma_start3A_36 = arith.constant 0 : i32
        %dma_start3A_37 = tpu.memref_slice %arg12[%dma_start3A_35, %dma_start3A_36] : memref<10000x128xf32, #tpu.memory_space<vmem_shared>> -> memref<10000x128xf32, #tpu.memory_space<vmem_shared>>
        tpu.enqueue_indirect_dma source(%arg10 : memref<80x128xf32, #tpu.memory_space<vmem>>) target(%dma_start3A_37 : memref<10000x128xf32, #tpu.memory_space<vmem_shared>>) offsets(%arg9 : memref<80xi32, #tpu.memory_space<vmem>>) semaphore(%run_scoped3A_34 : memref<!tpu.dma_semaphore, #tpu.memory_space<semaphore_mem>>) {add = true}
        %dma_wait3A_38 = arith.constant 0 : i32
        %dma_wait3A_39 = arith.constant 0 : i32
        %dma_wait3A_40 = tpu.memref_slice %arg12[%dma_wait3A_38, %dma_wait3A_39] : memref<10000x128xf32, #tpu.memory_space<vmem_shared>> -> memref<10000x128xf32, #tpu.memory_space<vmem_shared>>
        tpu.wait_indirect_dma semaphore(%run_scoped3A_34 : memref<!tpu.dma_semaphore, #tpu.memory_space<semaphore_mem>>) src(%arg10 : memref<80x128xf32, #tpu.memory_space<vmem>>) dst(%dma_wait3A_40 : memref<10000x128xf32, #tpu.memory_space<vmem_shared>>)
        tpu.yield
      }) : () -> ()
    }
    %scan3A_9 = arith.constant 125 : i32
    %barrier3A_10 = arith.constant 0 : index
    tpu.barrier barrier_id(%barrier3A_10)
    %lt3A = arith.constant 15 : i32
    %lt3A_11 = arith.cmpi slt, %arg1, %lt3A : i32
    %convert_element_type3A_12 = arith.extui %lt3A_11 : i1 to i32
    %cond3A_13 = arith.constant 0 : i32
    %cond3A_14 = arith.cmpi ne, %convert_element_type3A_12, %cond3A_13 : i32
    scf.if %cond3A_14 {
      %mul3A_20 = arith.constant 640 : i32
      %mul3A_21 = arith.muli %arg1, %mul3A_20 : i32
      %mul3A_22 = arith.constant 640 : i32
      %mul3A_23 = arith.muli %arg1, %mul3A_22 : i32
      "tpu.region"() ({
        %run_scoped3A = tpu.sem_alloc : memref<!tpu.dma_semaphore, #tpu.memory_space<semaphore_mem>>
        %dma_start3A = arith.constant 0 : i32
        %dma_start3A_24 = tpu.memref_slice %arg7[%arg0, %mul3A_23, %dma_start3A] : memref<2x10000x128xf32, #tpu.memory_space<hbm>> -> memref<1x640x128xf32, #tpu.memory_space<hbm>>
        %dma_start3A_25 = tpu.memref_squeeze %dma_start3A_24 : memref<1x640x128xf32, #tpu.memory_space<hbm>> -> memref<640x128xf32, #tpu.memory_space<hbm>>
        %dma_start3A_26 = arith.constant 0 : i32
        %dma_start3A_27 = tpu.memref_slice %arg12[%mul3A_21, %dma_start3A_26] : memref<10000x128xf32, #tpu.memory_space<vmem_shared>> -> memref<640x128xf32, #tpu.memory_space<vmem_shared>>
        tpu.enqueue_dma source(%dma_start3A_27 : memref<640x128xf32, #tpu.memory_space<vmem_shared>>) target(%dma_start3A_25 : memref<640x128xf32, #tpu.memory_space<hbm>>) target_semaphore(%run_scoped3A : memref<!tpu.dma_semaphore, #tpu.memory_space<semaphore_mem>>)
        %dma_wait3A = arith.constant 0 : i32
        %dma_wait3A_28 = tpu.memref_slice %arg7[%arg0, %mul3A_23, %dma_wait3A] : memref<2x10000x128xf32, #tpu.memory_space<hbm>> -> memref<1x640x128xf32, #tpu.memory_space<hbm>>
        %dma_wait3A_29 = tpu.memref_squeeze %dma_wait3A_28 : memref<1x640x128xf32, #tpu.memory_space<hbm>> -> memref<640x128xf32, #tpu.memory_space<hbm>>
        %dma_wait3A_30 = arith.constant 0 : i32
        %dma_wait3A_31 = tpu.memref_slice %arg12[%mul3A_21, %dma_wait3A_30] : memref<10000x128xf32, #tpu.memory_space<vmem_shared>> -> memref<640x128xf32, #tpu.memory_space<vmem_shared>>
        tpu.wait_dma2 semaphore(%run_scoped3A : memref<!tpu.dma_semaphore, #tpu.memory_space<semaphore_mem>>) src(%dma_wait3A_31 : memref<640x128xf32, #tpu.memory_space<vmem_shared>>) dst(%dma_wait3A_29 : memref<640x128xf32, #tpu.memory_space<hbm>>)
        tpu.yield
      }) : () -> ()
    } else {
    }
    %eq3A_15 = arith.constant 15 : i32
    %eq3A_16 = arith.cmpi eq, %arg1, %eq3A_15 : i32
    %convert_element_type3A_17 = arith.extui %eq3A_16 : i1 to i32
    %cond3A_18 = arith.constant 0 : i32
    %cond3A_19 = arith.cmpi ne, %convert_element_type3A_17, %cond3A_18 : i32
    scf.if %cond3A_19 {
      "tpu.region"() ({
        %run_scoped3A = tpu.sem_alloc : memref<!tpu.dma_semaphore, #tpu.memory_space<semaphore_mem>>
        %dma_start3A = arith.constant 9600 : i32
        %dma_start3A_20 = arith.constant 0 : i32
        %dma_start3A_21 = tpu.memref_slice %arg7[%arg0, %dma_start3A, %dma_start3A_20] : memref<2x10000x128xf32, #tpu.memory_space<hbm>> -> memref<1x400x128xf32, #tpu.memory_space<hbm>>
        %dma_start3A_22 = tpu.memref_squeeze %dma_start3A_21 : memref<1x400x128xf32, #tpu.memory_space<hbm>> -> memref<400x128xf32, #tpu.memory_space<hbm>>
        %dma_start3A_23 = arith.constant 9600 : i32
        %dma_start3A_24 = arith.constant 0 : i32
        %dma_start3A_25 = tpu.memref_slice %arg12[%dma_start3A_23, %dma_start3A_24] : memref<10000x128xf32, #tpu.memory_space<vmem_shared>> -> memref<400x128xf32, #tpu.memory_space<vmem_shared>>
        tpu.enqueue_dma source(%dma_start3A_25 : memref<400x128xf32, #tpu.memory_space<vmem_shared>>) target(%dma_start3A_22 : memref<400x128xf32, #tpu.memory_space<hbm>>) target_semaphore(%run_scoped3A : memref<!tpu.dma_semaphore, #tpu.memory_space<semaphore_mem>>)
        %dma_wait3A = arith.constant 9600 : i32
        %dma_wait3A_26 = arith.constant 0 : i32
        %dma_wait3A_27 = tpu.memref_slice %arg7[%arg0, %dma_wait3A, %dma_wait3A_26] : memref<2x10000x128xf32, #tpu.memory_space<hbm>> -> memref<1x400x128xf32, #tpu.memory_space<hbm>>
        %dma_wait3A_28 = tpu.memref_squeeze %dma_wait3A_27 : memref<1x400x128xf32, #tpu.memory_space<hbm>> -> memref<400x128xf32, #tpu.memory_space<hbm>>
        %dma_wait3A_29 = arith.constant 9600 : i32
        %dma_wait3A_30 = arith.constant 0 : i32
        %dma_wait3A_31 = tpu.memref_slice %arg12[%dma_wait3A_29, %dma_wait3A_30] : memref<10000x128xf32, #tpu.memory_space<vmem_shared>> -> memref<400x128xf32, #tpu.memory_space<vmem_shared>>
        tpu.wait_dma2 semaphore(%run_scoped3A : memref<!tpu.dma_semaphore, #tpu.memory_space<semaphore_mem>>) src(%dma_wait3A_31 : memref<400x128xf32, #tpu.memory_space<vmem_shared>>) dst(%dma_wait3A_28 : memref<400x128xf32, #tpu.memory_space<hbm>>)
        tpu.yield
      }) : () -> ()
    } else {
    }
    return
  }
}

#map = affine_map<(d0, d1) -> (0, 0)>
#map1 = affine_map<(d0, d1) -> (0, 0, 0)>
#map2 = affine_map<(d0, d1) -> (0)>
module attributes {stable_mosaic.version = 14 : i64} {
  func.func @_sc_msg_body(%arg0: i32, %arg1: i32, %arg2: memref<10000x128xf32, #tpu.memory_space<hbm>>, %arg3: memref<3x320000x128xf32, #tpu.memory_space<hbm>>, %arg4: memref<320000xi32, #tpu.memory_space<hbm>>, %arg5: memref<320000xi32, #tpu.memory_space<hbm>>, %arg6: memref<10000x128xf32, #tpu.memory_space<hbm>>, %arg7: memref<2x10000x128xf32, #tpu.memory_space<hbm>>, %arg8: memref<80xi32, #tpu.memory_space<vmem>>, %arg9: memref<80xi32, #tpu.memory_space<vmem>>, %arg10: memref<80x128xf32, #tpu.memory_space<vmem>>, %arg11: memref<80x128xf32, #tpu.memory_space<vmem>>, %arg12: memref<10000x128xf32, #tpu.memory_space<vmem_shared>>, %arg13: memref<!tpu.dma_semaphore, #tpu.memory_space<semaphore_mem>>) attributes {dimension_semantics = [#tpu.dimension_semantics<core_parallel>, #tpu.dimension_semantics<subcore_parallel>], iteration_bounds = array<i64: 2, 16>, scalar_prefetch = 0 : i64, scratch_operands = 6 : i64, tpu.core_type = #tpu.core_type<sc_vector_subcore>, window_params = [{transform_indices = #map}, {transform_indices = #map1}, {transform_indices = #map2}, {transform_indices = #map2}, {transform_indices = #map}, {transform_indices = #map1}]} {
    %mul3A = arith.constant 16 : i32
    %mul3A_0 = arith.muli %arg0, %mul3A : i32
    %add3A = arith.addi %mul3A_0, %arg1 : i32
    %mul3A_1 = arith.constant 10000 : i32
    %mul3A_2 = arith.muli %add3A, %mul3A_1 : i32
    %eq3A = arith.constant 0 : i32
    %eq3A_3 = arith.cmpi eq, %arg1, %eq3A : i32
    %convert_element_type3A = arith.extui %eq3A_3 : i1 to i32
    %cond3A = arith.constant 0 : i32
    %cond3A_4 = arith.cmpi ne, %convert_element_type3A, %cond3A : i32
    scf.if %cond3A_4 {
      "tpu.region"() ({
        %run_scoped3A = tpu.sem_alloc : memref<!tpu.dma_semaphore, #tpu.memory_space<semaphore_mem>>
        tpu.enqueue_dma source(%arg6 : memref<10000x128xf32, #tpu.memory_space<hbm>>) target(%arg12 : memref<10000x128xf32, #tpu.memory_space<vmem_shared>>) target_semaphore(%run_scoped3A : memref<!tpu.dma_semaphore, #tpu.memory_space<semaphore_mem>>)
        tpu.wait_dma2 semaphore(%run_scoped3A : memref<!tpu.dma_semaphore, #tpu.memory_space<semaphore_mem>>) src(%arg6 : memref<10000x128xf32, #tpu.memory_space<hbm>>) dst(%arg12 : memref<10000x128xf32, #tpu.memory_space<vmem_shared>>)
        tpu.yield
      }) : () -> ()
    } else {
    }
    %barrier3A = arith.constant 0 : index
    tpu.barrier barrier_id(%barrier3A)
    %scan3A = arith.constant 0 : i32
    %scan3A_5 = arith.constant 0 : i32
    %scan3A_6 = arith.constant 125 : i32
    %scan3A_7 = arith.addi %scan3A_5, %scan3A_6 : i32
    %scan3A_8 = arith.constant 1 : i32
    scf.for %scan3A_20 = %scan3A_5 to %scan3A_7 step %scan3A_8  : i32 {
      %mul3A_21 = arith.constant 80 : i32
      %mul3A_22 = arith.muli %scan3A_20, %mul3A_21 : i32
      %add3A_23 = arith.addi %mul3A_2, %mul3A_22 : i32
      "tpu.region"() ({
        %run_scoped3A_34 = tpu.sem_alloc : memref<!tpu.dma_semaphore, #tpu.memory_space<semaphore_mem>>
        %dma_start3A_35 = tpu.memref_slice %arg4[%add3A_23] : memref<320000xi32, #tpu.memory_space<hbm>> -> memref<80xi32, #tpu.memory_space<hbm>>
        %dma_start3A_36 = tpu.memref_slice %arg4[%add3A_23] : memref<320000xi32, #tpu.memory_space<hbm>> -> memref<80xi32, #tpu.memory_space<hbm>>
        tpu.enqueue_dma source(%dma_start3A_36 : memref<80xi32, #tpu.memory_space<hbm>>) target(%arg8 : memref<80xi32, #tpu.memory_space<vmem>>) target_semaphore(%run_scoped3A_34 : memref<!tpu.dma_semaphore, #tpu.memory_space<semaphore_mem>>)
        %dma_wait3A_37 = tpu.memref_slice %arg4[%add3A_23] : memref<320000xi32, #tpu.memory_space<hbm>> -> memref<80xi32, #tpu.memory_space<hbm>>
        %dma_wait3A_38 = tpu.memref_slice %arg4[%add3A_23] : memref<320000xi32, #tpu.memory_space<hbm>> -> memref<80xi32, #tpu.memory_space<hbm>>
        tpu.wait_dma2 semaphore(%run_scoped3A_34 : memref<!tpu.dma_semaphore, #tpu.memory_space<semaphore_mem>>) src(%dma_wait3A_38 : memref<80xi32, #tpu.memory_space<hbm>>) dst(%arg8 : memref<80xi32, #tpu.memory_space<vmem>>)
        tpu.yield
      }) : () -> ()
      "tpu.region"() ({
        %run_scoped3A_34 = tpu.sem_alloc : memref<!tpu.dma_semaphore, #tpu.memory_space<semaphore_mem>>
        %dma_start3A_35 = tpu.memref_slice %arg5[%add3A_23] : memref<320000xi32, #tpu.memory_space<hbm>> -> memref<80xi32, #tpu.memory_space<hbm>>
        %dma_start3A_36 = tpu.memref_slice %arg5[%add3A_23] : memref<320000xi32, #tpu.memory_space<hbm>> -> memref<80xi32, #tpu.memory_space<hbm>>
        tpu.enqueue_dma source(%dma_start3A_36 : memref<80xi32, #tpu.memory_space<hbm>>) target(%arg9 : memref<80xi32, #tpu.memory_space<vmem>>) target_semaphore(%run_scoped3A_34 : memref<!tpu.dma_semaphore, #tpu.memory_space<semaphore_mem>>)
        %dma_wait3A_37 = tpu.memref_slice %arg5[%add3A_23] : memref<320000xi32, #tpu.memory_space<hbm>> -> memref<80xi32, #tpu.memory_space<hbm>>
        %dma_wait3A_38 = tpu.memref_slice %arg5[%add3A_23] : memref<320000xi32, #tpu.memory_space<hbm>> -> memref<80xi32, #tpu.memory_space<hbm>>
        tpu.wait_dma2 semaphore(%run_scoped3A_34 : memref<!tpu.dma_semaphore, #tpu.memory_space<semaphore_mem>>) src(%dma_wait3A_38 : memref<80xi32, #tpu.memory_space<hbm>>) dst(%arg9 : memref<80xi32, #tpu.memory_space<vmem>>)
        tpu.yield
      }) : () -> ()
      %dma_start3A = arith.constant 0 : i32
      %dma_start3A_24 = arith.constant 0 : i32
      %dma_start3A_25 = tpu.memref_slice %arg2[%dma_start3A, %dma_start3A_24] : memref<10000x128xf32, #tpu.memory_space<hbm>> -> memref<10000x128xf32, #tpu.memory_space<hbm>>
      tpu.enqueue_indirect_dma source(%dma_start3A_25 : memref<10000x128xf32, #tpu.memory_space<hbm>>) target(%arg11 : memref<80x128xf32, #tpu.memory_space<vmem>>) offsets(%arg8 : memref<80xi32, #tpu.memory_space<vmem>>) semaphore(%arg13 : memref<!tpu.dma_semaphore, #tpu.memory_space<semaphore_mem>>)
      %run_scoped3A = arith.constant 0 : i32
      "tpu.region"() ({
        %run_scoped3A_34 = tpu.sem_alloc : memref<!tpu.dma_semaphore, #tpu.memory_space<semaphore_mem>>
        %dma_start3A_35 = arith.constant 0 : i32
        %dma_start3A_36 = tpu.memref_slice %arg3[%run_scoped3A, %add3A_23, %dma_start3A_35] : memref<3x320000x128xf32, #tpu.memory_space<hbm>> -> memref<1x80x128xf32, #tpu.memory_space<hbm>>
        %dma_start3A_37 = tpu.memref_squeeze %dma_start3A_36 : memref<1x80x128xf32, #tpu.memory_space<hbm>> -> memref<80x128xf32, #tpu.memory_space<hbm>>
        %dma_start3A_38 = arith.constant 0 : i32
        %dma_start3A_39 = tpu.memref_slice %arg3[%run_scoped3A, %add3A_23, %dma_start3A_38] : memref<3x320000x128xf32, #tpu.memory_space<hbm>> -> memref<1x80x128xf32, #tpu.memory_space<hbm>>
        %dma_start3A_40 = tpu.memref_squeeze %dma_start3A_39 : memref<1x80x128xf32, #tpu.memory_space<hbm>> -> memref<80x128xf32, #tpu.memory_space<hbm>>
        tpu.enqueue_dma source(%dma_start3A_40 : memref<80x128xf32, #tpu.memory_space<hbm>>) target(%arg10 : memref<80x128xf32, #tpu.memory_space<vmem>>) target_semaphore(%run_scoped3A_34 : memref<!tpu.dma_semaphore, #tpu.memory_space<semaphore_mem>>)
        %dma_wait3A_41 = arith.constant 0 : i32
        %dma_wait3A_42 = tpu.memref_slice %arg3[%run_scoped3A, %add3A_23, %dma_wait3A_41] : memref<3x320000x128xf32, #tpu.memory_space<hbm>> -> memref<1x80x128xf32, #tpu.memory_space<hbm>>
        %dma_wait3A_43 = tpu.memref_squeeze %dma_wait3A_42 : memref<1x80x128xf32, #tpu.memory_space<hbm>> -> memref<80x128xf32, #tpu.memory_space<hbm>>
        %dma_wait3A_44 = arith.constant 0 : i32
        %dma_wait3A_45 = tpu.memref_slice %arg3[%run_scoped3A, %add3A_23, %dma_wait3A_44] : memref<3x320000x128xf32, #tpu.memory_space<hbm>> -> memref<1x80x128xf32, #tpu.memory_space<hbm>>
        %dma_wait3A_46 = tpu.memref_squeeze %dma_wait3A_45 : memref<1x80x128xf32, #tpu.memory_space<hbm>> -> memref<80x128xf32, #tpu.memory_space<hbm>>
        tpu.wait_dma2 semaphore(%run_scoped3A_34 : memref<!tpu.dma_semaphore, #tpu.memory_space<semaphore_mem>>) src(%dma_wait3A_46 : memref<80x128xf32, #tpu.memory_space<hbm>>) dst(%arg10 : memref<80x128xf32, #tpu.memory_space<vmem>>)
        tpu.yield
      }) : () -> ()
      %dma_wait3A = arith.constant 0 : i32
      %dma_wait3A_26 = arith.constant 0 : i32
      %dma_wait3A_27 = tpu.memref_slice %arg2[%dma_wait3A, %dma_wait3A_26] : memref<10000x128xf32, #tpu.memory_space<hbm>> -> memref<10000x128xf32, #tpu.memory_space<hbm>>
      tpu.wait_indirect_dma semaphore(%arg13 : memref<!tpu.dma_semaphore, #tpu.memory_space<semaphore_mem>>) src(%dma_wait3A_27 : memref<10000x128xf32, #tpu.memory_space<hbm>>) dst(%arg11 : memref<80x128xf32, #tpu.memory_space<vmem>>)
      %scan3A_28 = arith.constant 0 : i32
      %scan3A_29 = arith.constant 0 : i32
      %scan3A_30 = arith.constant 80 : i32
      %scan3A_31 = arith.addi %scan3A_29, %scan3A_30 : i32
      %scan3A_32 = arith.constant 1 : i32
      scf.for %scan3A_34 = %scan3A_29 to %scan3A_31 step %scan3A_32  : i32 {
        %get3A = arith.index_cast %scan3A_34 : i32 to index
        %get3A_35 = arith.constant 0 : index
        %get3A_36 = tpu.vector_load %arg10[%get3A, %get3A_35] {strides = array<i32>} : memref<80x128xf32, #tpu.memory_space<vmem>>, vector<1x16xf32>,
        %get3A_37 = vector.shape_cast %get3A_36 : vector<1x16xf32> to vector<16xf32>
        %get3A_38 = arith.index_cast %scan3A_34 : i32 to index
        %get3A_39 = arith.constant 0 : index
        %get3A_40 = tpu.vector_load %arg11[%get3A_38, %get3A_39] {strides = array<i32>} : memref<80x128xf32, #tpu.memory_space<vmem>>, vector<1x16xf32>,
        %get3A_41 = vector.shape_cast %get3A_40 : vector<1x16xf32> to vector<16xf32>
        %mul3A_42 = arith.mulf %get3A_37, %get3A_41 : vector<16xf32>
        %swap3A = arith.index_cast %scan3A_34 : i32 to index
        %swap3A_43 = arith.constant 0 : index
        %swap3A_44 = tpu.vector_load %arg10[%swap3A, %swap3A_43] {strides = array<i32>} : memref<80x128xf32, #tpu.memory_space<vmem>>, vector<1x16xf32>,
        %swap3A_45 = vector.shape_cast %swap3A_44 : vector<1x16xf32> to vector<16xf32>
        %swap3A_46 = vector.shape_cast %mul3A_42 : vector<16xf32> to vector<1x16xf32>
        tpu.vector_store %arg10[%swap3A, %swap3A_43], %swap3A_46 {strides = array<i32>} : memref<80x128xf32, #tpu.memory_space<vmem>>, vector<1x16xf32>,
        %get3A_47 = arith.index_cast %scan3A_34 : i32 to index
        %get3A_48 = arith.constant 16 : index
        %get3A_49 = tpu.vector_load %arg10[%get3A_47, %get3A_48] {strides = array<i32>} : memref<80x128xf32, #tpu.memory_space<vmem>>, vector<1x16xf32>,
        %get3A_50 = vector.shape_cast %get3A_49 : vector<1x16xf32> to vector<16xf32>
        %get3A_51 = arith.index_cast %scan3A_34 : i32 to index
        %get3A_52 = arith.constant 16 : index
        %get3A_53 = tpu.vector_load %arg11[%get3A_51, %get3A_52] {strides = array<i32>} : memref<80x128xf32, #tpu.memory_space<vmem>>, vector<1x16xf32>,
        %get3A_54 = vector.shape_cast %get3A_53 : vector<1x16xf32> to vector<16xf32>
        %mul3A_55 = arith.mulf %get3A_50, %get3A_54 : vector<16xf32>
        %swap3A_56 = arith.index_cast %scan3A_34 : i32 to index
        %swap3A_57 = arith.constant 16 : index
        %swap3A_58 = tpu.vector_load %arg10[%swap3A_56, %swap3A_57] {strides = array<i32>} : memref<80x128xf32, #tpu.memory_space<vmem>>, vector<1x16xf32>,
        %swap3A_59 = vector.shape_cast %swap3A_58 : vector<1x16xf32> to vector<16xf32>
        %swap3A_60 = vector.shape_cast %mul3A_55 : vector<16xf32> to vector<1x16xf32>
        tpu.vector_store %arg10[%swap3A_56, %swap3A_57], %swap3A_60 {strides = array<i32>} : memref<80x128xf32, #tpu.memory_space<vmem>>, vector<1x16xf32>,
        %get3A_61 = arith.index_cast %scan3A_34 : i32 to index
        %get3A_62 = arith.constant 32 : index
        %get3A_63 = tpu.vector_load %arg10[%get3A_61, %get3A_62] {strides = array<i32>} : memref<80x128xf32, #tpu.memory_space<vmem>>, vector<1x16xf32>,
        %get3A_64 = vector.shape_cast %get3A_63 : vector<1x16xf32> to vector<16xf32>
        %get3A_65 = arith.index_cast %scan3A_34 : i32 to index
        %get3A_66 = arith.constant 32 : index
        %get3A_67 = tpu.vector_load %arg11[%get3A_65, %get3A_66] {strides = array<i32>} : memref<80x128xf32, #tpu.memory_space<vmem>>, vector<1x16xf32>,
        %get3A_68 = vector.shape_cast %get3A_67 : vector<1x16xf32> to vector<16xf32>
        %mul3A_69 = arith.mulf %get3A_64, %get3A_68 : vector<16xf32>
        %swap3A_70 = arith.index_cast %scan3A_34 : i32 to index
        %swap3A_71 = arith.constant 32 : index
        %swap3A_72 = tpu.vector_load %arg10[%swap3A_70, %swap3A_71] {strides = array<i32>} : memref<80x128xf32, #tpu.memory_space<vmem>>, vector<1x16xf32>,
        %swap3A_73 = vector.shape_cast %swap3A_72 : vector<1x16xf32> to vector<16xf32>
        %swap3A_74 = vector.shape_cast %mul3A_69 : vector<16xf32> to vector<1x16xf32>
        tpu.vector_store %arg10[%swap3A_70, %swap3A_71], %swap3A_74 {strides = array<i32>} : memref<80x128xf32, #tpu.memory_space<vmem>>, vector<1x16xf32>,
        %get3A_75 = arith.index_cast %scan3A_34 : i32 to index
        %get3A_76 = arith.constant 48 : index
        %get3A_77 = tpu.vector_load %arg10[%get3A_75, %get3A_76] {strides = array<i32>} : memref<80x128xf32, #tpu.memory_space<vmem>>, vector<1x16xf32>,
        %get3A_78 = vector.shape_cast %get3A_77 : vector<1x16xf32> to vector<16xf32>
        %get3A_79 = arith.index_cast %scan3A_34 : i32 to index
        %get3A_80 = arith.constant 48 : index
        %get3A_81 = tpu.vector_load %arg11[%get3A_79, %get3A_80] {strides = array<i32>} : memref<80x128xf32, #tpu.memory_space<vmem>>, vector<1x16xf32>,
        %get3A_82 = vector.shape_cast %get3A_81 : vector<1x16xf32> to vector<16xf32>
        %mul3A_83 = arith.mulf %get3A_78, %get3A_82 : vector<16xf32>
        %swap3A_84 = arith.index_cast %scan3A_34 : i32 to index
        %swap3A_85 = arith.constant 48 : index
        %swap3A_86 = tpu.vector_load %arg10[%swap3A_84, %swap3A_85] {strides = array<i32>} : memref<80x128xf32, #tpu.memory_space<vmem>>, vector<1x16xf32>,
        %swap3A_87 = vector.shape_cast %swap3A_86 : vector<1x16xf32> to vector<16xf32>
        %swap3A_88 = vector.shape_cast %mul3A_83 : vector<16xf32> to vector<1x16xf32>
        tpu.vector_store %arg10[%swap3A_84, %swap3A_85], %swap3A_88 {strides = array<i32>} : memref<80x128xf32, #tpu.memory_space<vmem>>, vector<1x16xf32>,
        %get3A_89 = arith.index_cast %scan3A_34 : i32 to index
        %get3A_90 = arith.constant 64 : index
        %get3A_91 = tpu.vector_load %arg10[%get3A_89, %get3A_90] {strides = array<i32>} : memref<80x128xf32, #tpu.memory_space<vmem>>, vector<1x16xf32>,
        %get3A_92 = vector.shape_cast %get3A_91 : vector<1x16xf32> to vector<16xf32>
        %get3A_93 = arith.index_cast %scan3A_34 : i32 to index
        %get3A_94 = arith.constant 64 : index
        %get3A_95 = tpu.vector_load %arg11[%get3A_93, %get3A_94] {strides = array<i32>} : memref<80x128xf32, #tpu.memory_space<vmem>>, vector<1x16xf32>,
        %get3A_96 = vector.shape_cast %get3A_95 : vector<1x16xf32> to vector<16xf32>
        %mul3A_97 = arith.mulf %get3A_92, %get3A_96 : vector<16xf32>
        %swap3A_98 = arith.index_cast %scan3A_34 : i32 to index
        %swap3A_99 = arith.constant 64 : index
        %swap3A_100 = tpu.vector_load %arg10[%swap3A_98, %swap3A_99] {strides = array<i32>} : memref<80x128xf32, #tpu.memory_space<vmem>>, vector<1x16xf32>,
        %swap3A_101 = vector.shape_cast %swap3A_100 : vector<1x16xf32> to vector<16xf32>
        %swap3A_102 = vector.shape_cast %mul3A_97 : vector<16xf32> to vector<1x16xf32>
        tpu.vector_store %arg10[%swap3A_98, %swap3A_99], %swap3A_102 {strides = array<i32>} : memref<80x128xf32, #tpu.memory_space<vmem>>, vector<1x16xf32>,
        %get3A_103 = arith.index_cast %scan3A_34 : i32 to index
        %get3A_104 = arith.constant 80 : index
        %get3A_105 = tpu.vector_load %arg10[%get3A_103, %get3A_104] {strides = array<i32>} : memref<80x128xf32, #tpu.memory_space<vmem>>, vector<1x16xf32>,
        %get3A_106 = vector.shape_cast %get3A_105 : vector<1x16xf32> to vector<16xf32>
        %get3A_107 = arith.index_cast %scan3A_34 : i32 to index
        %get3A_108 = arith.constant 80 : index
        %get3A_109 = tpu.vector_load %arg11[%get3A_107, %get3A_108] {strides = array<i32>} : memref<80x128xf32, #tpu.memory_space<vmem>>, vector<1x16xf32>,
        %get3A_110 = vector.shape_cast %get3A_109 : vector<1x16xf32> to vector<16xf32>
        %mul3A_111 = arith.mulf %get3A_106, %get3A_110 : vector<16xf32>
        %swap3A_112 = arith.index_cast %scan3A_34 : i32 to index
        %swap3A_113 = arith.constant 80 : index
        %swap3A_114 = tpu.vector_load %arg10[%swap3A_112, %swap3A_113] {strides = array<i32>} : memref<80x128xf32, #tpu.memory_space<vmem>>, vector<1x16xf32>,
        %swap3A_115 = vector.shape_cast %swap3A_114 : vector<1x16xf32> to vector<16xf32>
        %swap3A_116 = vector.shape_cast %mul3A_111 : vector<16xf32> to vector<1x16xf32>
        tpu.vector_store %arg10[%swap3A_112, %swap3A_113], %swap3A_116 {strides = array<i32>} : memref<80x128xf32, #tpu.memory_space<vmem>>, vector<1x16xf32>,
        %get3A_117 = arith.index_cast %scan3A_34 : i32 to index
        %get3A_118 = arith.constant 96 : index
        %get3A_119 = tpu.vector_load %arg10[%get3A_117, %get3A_118] {strides = array<i32>} : memref<80x128xf32, #tpu.memory_space<vmem>>, vector<1x16xf32>,
        %get3A_120 = vector.shape_cast %get3A_119 : vector<1x16xf32> to vector<16xf32>
        %get3A_121 = arith.index_cast %scan3A_34 : i32 to index
        %get3A_122 = arith.constant 96 : index
        %get3A_123 = tpu.vector_load %arg11[%get3A_121, %get3A_122] {strides = array<i32>} : memref<80x128xf32, #tpu.memory_space<vmem>>, vector<1x16xf32>,
        %get3A_124 = vector.shape_cast %get3A_123 : vector<1x16xf32> to vector<16xf32>
        %mul3A_125 = arith.mulf %get3A_120, %get3A_124 : vector<16xf32>
        %swap3A_126 = arith.index_cast %scan3A_34 : i32 to index
        %swap3A_127 = arith.constant 96 : index
        %swap3A_128 = tpu.vector_load %arg10[%swap3A_126, %swap3A_127] {strides = array<i32>} : memref<80x128xf32, #tpu.memory_space<vmem>>, vector<1x16xf32>,
        %swap3A_129 = vector.shape_cast %swap3A_128 : vector<1x16xf32> to vector<16xf32>
        %swap3A_130 = vector.shape_cast %mul3A_125 : vector<16xf32> to vector<1x16xf32>
        tpu.vector_store %arg10[%swap3A_126, %swap3A_127], %swap3A_130 {strides = array<i32>} : memref<80x128xf32, #tpu.memory_space<vmem>>, vector<1x16xf32>,
        %get3A_131 = arith.index_cast %scan3A_34 : i32 to index
        %get3A_132 = arith.constant 112 : index
        %get3A_133 = tpu.vector_load %arg10[%get3A_131, %get3A_132] {strides = array<i32>} : memref<80x128xf32, #tpu.memory_space<vmem>>, vector<1x16xf32>,
        %get3A_134 = vector.shape_cast %get3A_133 : vector<1x16xf32> to vector<16xf32>
        %get3A_135 = arith.index_cast %scan3A_34 : i32 to index
        %get3A_136 = arith.constant 112 : index
        %get3A_137 = tpu.vector_load %arg11[%get3A_135, %get3A_136] {strides = array<i32>} : memref<80x128xf32, #tpu.memory_space<vmem>>, vector<1x16xf32>,
        %get3A_138 = vector.shape_cast %get3A_137 : vector<1x16xf32> to vector<16xf32>
        %mul3A_139 = arith.mulf %get3A_134, %get3A_138 : vector<16xf32>
        %swap3A_140 = arith.index_cast %scan3A_34 : i32 to index
        %swap3A_141 = arith.constant 112 : index
        %swap3A_142 = tpu.vector_load %arg10[%swap3A_140, %swap3A_141] {strides = array<i32>} : memref<80x128xf32, #tpu.memory_space<vmem>>, vector<1x16xf32>,
        %swap3A_143 = vector.shape_cast %swap3A_142 : vector<1x16xf32> to vector<16xf32>
        %swap3A_144 = vector.shape_cast %mul3A_139 : vector<16xf32> to vector<1x16xf32>
        tpu.vector_store %arg10[%swap3A_140, %swap3A_141], %swap3A_144 {strides = array<i32>} : memref<80x128xf32, #tpu.memory_space<vmem>>, vector<1x16xf32>,
      }
      %scan3A_33 = arith.constant 80 : i32
      "tpu.region"() ({
        %run_scoped3A_34 = tpu.sem_alloc : memref<!tpu.dma_semaphore, #tpu.memory_space<semaphore_mem>>
        %dma_start3A_35 = arith.constant 0 : i32
        %dma_start3A_36 = arith.constant 0 : i32
        %dma_start3A_37 = tpu.memref_slice %arg12[%dma_start3A_35, %dma_start3A_36] : memref<10000x128xf32, #tpu.memory_space<vmem_shared>> -> memref<10000x128xf32, #tpu.memory_space<vmem_shared>>
        tpu.enqueue_indirect_dma source(%arg10 : memref<80x128xf32, #tpu.memory_space<vmem>>) target(%dma_start3A_37 : memref<10000x128xf32, #tpu.memory_space<vmem_shared>>) offsets(%arg9 : memref<80xi32, #tpu.memory_space<vmem>>) semaphore(%run_scoped3A_34 : memref<!tpu.dma_semaphore, #tpu.memory_space<semaphore_mem>>) {add = true}
        %dma_wait3A_38 = arith.constant 0 : i32
        %dma_wait3A_39 = arith.constant 0 : i32
        %dma_wait3A_40 = tpu.memref_slice %arg12[%dma_wait3A_38, %dma_wait3A_39] : memref<10000x128xf32, #tpu.memory_space<vmem_shared>> -> memref<10000x128xf32, #tpu.memory_space<vmem_shared>>
        tpu.wait_indirect_dma semaphore(%run_scoped3A_34 : memref<!tpu.dma_semaphore, #tpu.memory_space<semaphore_mem>>) src(%arg10 : memref<80x128xf32, #tpu.memory_space<vmem>>) dst(%dma_wait3A_40 : memref<10000x128xf32, #tpu.memory_space<vmem_shared>>)
        tpu.yield
      }) : () -> ()
    }
    %scan3A_9 = arith.constant 125 : i32
    %barrier3A_10 = arith.constant 0 : index
    tpu.barrier barrier_id(%barrier3A_10)
    %lt3A = arith.constant 15 : i32
    %lt3A_11 = arith.cmpi slt, %arg1, %lt3A : i32
    %convert_element_type3A_12 = arith.extui %lt3A_11 : i1 to i32
    %cond3A_13 = arith.constant 0 : i32
    %cond3A_14 = arith.cmpi ne, %convert_element_type3A_12, %cond3A_13 : i32
    scf.if %cond3A_14 {
      %mul3A_20 = arith.constant 640 : i32
      %mul3A_21 = arith.muli %arg1, %mul3A_20 : i32
      %mul3A_22 = arith.constant 640 : i32
      %mul3A_23 = arith.muli %arg1, %mul3A_22 : i32
      "tpu.region"() ({
        %run_scoped3A = tpu.sem_alloc : memref<!tpu.dma_semaphore, #tpu.memory_space<semaphore_mem>>
        %dma_start3A = arith.constant 0 : i32
        %dma_start3A_24 = tpu.memref_slice %arg7[%arg0, %mul3A_23, %dma_start3A] : memref<2x10000x128xf32, #tpu.memory_space<hbm>> -> memref<1x640x128xf32, #tpu.memory_space<hbm>>
        %dma_start3A_25 = tpu.memref_squeeze %dma_start3A_24 : memref<1x640x128xf32, #tpu.memory_space<hbm>> -> memref<640x128xf32, #tpu.memory_space<hbm>>
        %dma_start3A_26 = arith.constant 0 : i32
        %dma_start3A_27 = tpu.memref_slice %arg12[%mul3A_21, %dma_start3A_26] : memref<10000x128xf32, #tpu.memory_space<vmem_shared>> -> memref<640x128xf32, #tpu.memory_space<vmem_shared>>
        tpu.enqueue_dma source(%dma_start3A_27 : memref<640x128xf32, #tpu.memory_space<vmem_shared>>) target(%dma_start3A_25 : memref<640x128xf32, #tpu.memory_space<hbm>>) target_semaphore(%run_scoped3A : memref<!tpu.dma_semaphore, #tpu.memory_space<semaphore_mem>>)
        %dma_wait3A = arith.constant 0 : i32
        %dma_wait3A_28 = tpu.memref_slice %arg7[%arg0, %mul3A_23, %dma_wait3A] : memref<2x10000x128xf32, #tpu.memory_space<hbm>> -> memref<1x640x128xf32, #tpu.memory_space<hbm>>
        %dma_wait3A_29 = tpu.memref_squeeze %dma_wait3A_28 : memref<1x640x128xf32, #tpu.memory_space<hbm>> -> memref<640x128xf32, #tpu.memory_space<hbm>>
        %dma_wait3A_30 = arith.constant 0 : i32
        %dma_wait3A_31 = tpu.memref_slice %arg12[%mul3A_21, %dma_wait3A_30] : memref<10000x128xf32, #tpu.memory_space<vmem_shared>> -> memref<640x128xf32, #tpu.memory_space<vmem_shared>>
        tpu.wait_dma2 semaphore(%run_scoped3A : memref<!tpu.dma_semaphore, #tpu.memory_space<semaphore_mem>>) src(%dma_wait3A_31 : memref<640x128xf32, #tpu.memory_space<vmem_shared>>) dst(%dma_wait3A_29 : memref<640x128xf32, #tpu.memory_space<hbm>>)
        tpu.yield
      }) : () -> ()
    } else {
    }
    %eq3A_15 = arith.constant 15 : i32
    %eq3A_16 = arith.cmpi eq, %arg1, %eq3A_15 : i32
    %convert_element_type3A_17 = arith.extui %eq3A_16 : i1 to i32
    %cond3A_18 = arith.constant 0 : i32
    %cond3A_19 = arith.cmpi ne, %convert_element_type3A_17, %cond3A_18 : i32
    scf.if %cond3A_19 {
      "tpu.region"() ({
        %run_scoped3A = tpu.sem_alloc : memref<!tpu.dma_semaphore, #tpu.memory_space<semaphore_mem>>
        %dma_start3A = arith.constant 9600 : i32
        %dma_start3A_20 = arith.constant 0 : i32
        %dma_start3A_21 = tpu.memref_slice %arg7[%arg0, %dma_start3A, %dma_start3A_20] : memref<2x10000x128xf32, #tpu.memory_space<hbm>> -> memref<1x400x128xf32, #tpu.memory_space<hbm>>
        %dma_start3A_22 = tpu.memref_squeeze %dma_start3A_21 : memref<1x400x128xf32, #tpu.memory_space<hbm>> -> memref<400x128xf32, #tpu.memory_space<hbm>>
        %dma_start3A_23 = arith.constant 9600 : i32
        %dma_start3A_24 = arith.constant 0 : i32
        %dma_start3A_25 = tpu.memref_slice %arg12[%dma_start3A_23, %dma_start3A_24] : memref<10000x128xf32, #tpu.memory_space<vmem_shared>> -> memref<400x128xf32, #tpu.memory_space<vmem_shared>>
        tpu.enqueue_dma source(%dma_start3A_25 : memref<400x128xf32, #tpu.memory_space<vmem_shared>>) target(%dma_start3A_22 : memref<400x128xf32, #tpu.memory_space<hbm>>) target_semaphore(%run_scoped3A : memref<!tpu.dma_semaphore, #tpu.memory_space<semaphore_mem>>)
        %dma_wait3A = arith.constant 9600 : i32
        %dma_wait3A_26 = arith.constant 0 : i32
        %dma_wait3A_27 = tpu.memref_slice %arg7[%arg0, %dma_wait3A, %dma_wait3A_26] : memref<2x10000x128xf32, #tpu.memory_space<hbm>> -> memref<1x400x128xf32, #tpu.memory_space<hbm>>
        %dma_wait3A_28 = tpu.memref_squeeze %dma_wait3A_27 : memref<1x400x128xf32, #tpu.memory_space<hbm>> -> memref<400x128xf32, #tpu.memory_space<hbm>>
        %dma_wait3A_29 = arith.constant 9600 : i32
        %dma_wait3A_30 = arith.constant 0 : i32
        %dma_wait3A_31 = tpu.memref_slice %arg12[%dma_wait3A_29, %dma_wait3A_30] : memref<10000x128xf32, #tpu.memory_space<vmem_shared>> -> memref<400x128xf32, #tpu.memory_space<vmem_shared>>
        tpu.wait_dma2 semaphore(%run_scoped3A : memref<!tpu.dma_semaphore, #tpu.memory_space<semaphore_mem>>) src(%dma_wait3A_31 : memref<400x128xf32, #tpu.memory_space<vmem_shared>>) dst(%dma_wait3A_28 : memref<400x128xf32, #tpu.memory_space<hbm>>)
        tpu.yield
      }) : () -> ()
    } else {
    }
    return
  }
}

#map = affine_map<(d0, d1) -> (0, 0)>
#map1 = affine_map<(d0, d1) -> (0, 0, 0)>
#map2 = affine_map<(d0, d1) -> (0)>
module attributes {stable_mosaic.version = 14 : i64} {
  func.func @_sc_msg_body(%arg0: i32, %arg1: i32, %arg2: memref<10000x128xf32, #tpu.memory_space<hbm>>, %arg3: memref<3x320000x128xf32, #tpu.memory_space<hbm>>, %arg4: memref<320000xi32, #tpu.memory_space<hbm>>, %arg5: memref<320000xi32, #tpu.memory_space<hbm>>, %arg6: memref<10000x128xf32, #tpu.memory_space<hbm>>, %arg7: memref<2x10000x128xf32, #tpu.memory_space<hbm>>, %arg8: memref<80xi32, #tpu.memory_space<vmem>>, %arg9: memref<80xi32, #tpu.memory_space<vmem>>, %arg10: memref<80x128xf32, #tpu.memory_space<vmem>>, %arg11: memref<80x128xf32, #tpu.memory_space<vmem>>, %arg12: memref<10000x128xf32, #tpu.memory_space<vmem_shared>>, %arg13: memref<!tpu.dma_semaphore, #tpu.memory_space<semaphore_mem>>) attributes {dimension_semantics = [#tpu.dimension_semantics<core_parallel>, #tpu.dimension_semantics<subcore_parallel>], iteration_bounds = array<i64: 2, 16>, scalar_prefetch = 0 : i64, scratch_operands = 6 : i64, tpu.core_type = #tpu.core_type<sc_vector_subcore>, window_params = [{transform_indices = #map}, {transform_indices = #map1}, {transform_indices = #map2}, {transform_indices = #map2}, {transform_indices = #map}, {transform_indices = #map1}]} {
    %mul3A = arith.constant 16 : i32
    %mul3A_0 = arith.muli %arg0, %mul3A : i32
    %add3A = arith.addi %mul3A_0, %arg1 : i32
    %mul3A_1 = arith.constant 10000 : i32
    %mul3A_2 = arith.muli %add3A, %mul3A_1 : i32
    %eq3A = arith.constant 0 : i32
    %eq3A_3 = arith.cmpi eq, %arg1, %eq3A : i32
    %convert_element_type3A = arith.extui %eq3A_3 : i1 to i32
    %cond3A = arith.constant 0 : i32
    %cond3A_4 = arith.cmpi ne, %convert_element_type3A, %cond3A : i32
    scf.if %cond3A_4 {
      "tpu.region"() ({
        %run_scoped3A = tpu.sem_alloc : memref<!tpu.dma_semaphore, #tpu.memory_space<semaphore_mem>>
        tpu.enqueue_dma source(%arg6 : memref<10000x128xf32, #tpu.memory_space<hbm>>) target(%arg12 : memref<10000x128xf32, #tpu.memory_space<vmem_shared>>) target_semaphore(%run_scoped3A : memref<!tpu.dma_semaphore, #tpu.memory_space<semaphore_mem>>)
        tpu.wait_dma2 semaphore(%run_scoped3A : memref<!tpu.dma_semaphore, #tpu.memory_space<semaphore_mem>>) src(%arg6 : memref<10000x128xf32, #tpu.memory_space<hbm>>) dst(%arg12 : memref<10000x128xf32, #tpu.memory_space<vmem_shared>>)
        tpu.yield
      }) : () -> ()
    } else {
    }
    %barrier3A = arith.constant 0 : index
    tpu.barrier barrier_id(%barrier3A)
    %scan3A = arith.constant 0 : i32
    %scan3A_5 = arith.constant 0 : i32
    %scan3A_6 = arith.constant 125 : i32
    %scan3A_7 = arith.addi %scan3A_5, %scan3A_6 : i32
    %scan3A_8 = arith.constant 1 : i32
    scf.for %scan3A_20 = %scan3A_5 to %scan3A_7 step %scan3A_8  : i32 {
      %mul3A_21 = arith.constant 80 : i32
      %mul3A_22 = arith.muli %scan3A_20, %mul3A_21 : i32
      %add3A_23 = arith.addi %mul3A_2, %mul3A_22 : i32
      "tpu.region"() ({
        %run_scoped3A_34 = tpu.sem_alloc : memref<!tpu.dma_semaphore, #tpu.memory_space<semaphore_mem>>
        %dma_start3A_35 = tpu.memref_slice %arg4[%add3A_23] : memref<320000xi32, #tpu.memory_space<hbm>> -> memref<80xi32, #tpu.memory_space<hbm>>
        %dma_start3A_36 = tpu.memref_slice %arg4[%add3A_23] : memref<320000xi32, #tpu.memory_space<hbm>> -> memref<80xi32, #tpu.memory_space<hbm>>
        tpu.enqueue_dma source(%dma_start3A_36 : memref<80xi32, #tpu.memory_space<hbm>>) target(%arg8 : memref<80xi32, #tpu.memory_space<vmem>>) target_semaphore(%run_scoped3A_34 : memref<!tpu.dma_semaphore, #tpu.memory_space<semaphore_mem>>)
        %dma_wait3A_37 = tpu.memref_slice %arg4[%add3A_23] : memref<320000xi32, #tpu.memory_space<hbm>> -> memref<80xi32, #tpu.memory_space<hbm>>
        %dma_wait3A_38 = tpu.memref_slice %arg4[%add3A_23] : memref<320000xi32, #tpu.memory_space<hbm>> -> memref<80xi32, #tpu.memory_space<hbm>>
        tpu.wait_dma2 semaphore(%run_scoped3A_34 : memref<!tpu.dma_semaphore, #tpu.memory_space<semaphore_mem>>) src(%dma_wait3A_38 : memref<80xi32, #tpu.memory_space<hbm>>) dst(%arg8 : memref<80xi32, #tpu.memory_space<vmem>>)
        tpu.yield
      }) : () -> ()
      "tpu.region"() ({
        %run_scoped3A_34 = tpu.sem_alloc : memref<!tpu.dma_semaphore, #tpu.memory_space<semaphore_mem>>
        %dma_start3A_35 = tpu.memref_slice %arg5[%add3A_23] : memref<320000xi32, #tpu.memory_space<hbm>> -> memref<80xi32, #tpu.memory_space<hbm>>
        %dma_start3A_36 = tpu.memref_slice %arg5[%add3A_23] : memref<320000xi32, #tpu.memory_space<hbm>> -> memref<80xi32, #tpu.memory_space<hbm>>
        tpu.enqueue_dma source(%dma_start3A_36 : memref<80xi32, #tpu.memory_space<hbm>>) target(%arg9 : memref<80xi32, #tpu.memory_space<vmem>>) target_semaphore(%run_scoped3A_34 : memref<!tpu.dma_semaphore, #tpu.memory_space<semaphore_mem>>)
        %dma_wait3A_37 = tpu.memref_slice %arg5[%add3A_23] : memref<320000xi32, #tpu.memory_space<hbm>> -> memref<80xi32, #tpu.memory_space<hbm>>
        %dma_wait3A_38 = tpu.memref_slice %arg5[%add3A_23] : memref<320000xi32, #tpu.memory_space<hbm>> -> memref<80xi32, #tpu.memory_space<hbm>>
        tpu.wait_dma2 semaphore(%run_scoped3A_34 : memref<!tpu.dma_semaphore, #tpu.memory_space<semaphore_mem>>) src(%dma_wait3A_38 : memref<80xi32, #tpu.memory_space<hbm>>) dst(%arg9 : memref<80xi32, #tpu.memory_space<vmem>>)
        tpu.yield
      }) : () -> ()
      %dma_start3A = arith.constant 0 : i32
      %dma_start3A_24 = arith.constant 0 : i32
      %dma_start3A_25 = tpu.memref_slice %arg2[%dma_start3A, %dma_start3A_24] : memref<10000x128xf32, #tpu.memory_space<hbm>> -> memref<10000x128xf32, #tpu.memory_space<hbm>>
      tpu.enqueue_indirect_dma source(%dma_start3A_25 : memref<10000x128xf32, #tpu.memory_space<hbm>>) target(%arg11 : memref<80x128xf32, #tpu.memory_space<vmem>>) offsets(%arg8 : memref<80xi32, #tpu.memory_space<vmem>>) semaphore(%arg13 : memref<!tpu.dma_semaphore, #tpu.memory_space<semaphore_mem>>)
      %run_scoped3A = arith.constant 2 : i32
      "tpu.region"() ({
        %run_scoped3A_34 = tpu.sem_alloc : memref<!tpu.dma_semaphore, #tpu.memory_space<semaphore_mem>>
        %dma_start3A_35 = arith.constant 0 : i32
        %dma_start3A_36 = tpu.memref_slice %arg3[%run_scoped3A, %add3A_23, %dma_start3A_35] : memref<3x320000x128xf32, #tpu.memory_space<hbm>> -> memref<1x80x128xf32, #tpu.memory_space<hbm>>
        %dma_start3A_37 = tpu.memref_squeeze %dma_start3A_36 : memref<1x80x128xf32, #tpu.memory_space<hbm>> -> memref<80x128xf32, #tpu.memory_space<hbm>>
        %dma_start3A_38 = arith.constant 0 : i32
        %dma_start3A_39 = tpu.memref_slice %arg3[%run_scoped3A, %add3A_23, %dma_start3A_38] : memref<3x320000x128xf32, #tpu.memory_space<hbm>> -> memref<1x80x128xf32, #tpu.memory_space<hbm>>
        %dma_start3A_40 = tpu.memref_squeeze %dma_start3A_39 : memref<1x80x128xf32, #tpu.memory_space<hbm>> -> memref<80x128xf32, #tpu.memory_space<hbm>>
        tpu.enqueue_dma source(%dma_start3A_40 : memref<80x128xf32, #tpu.memory_space<hbm>>) target(%arg10 : memref<80x128xf32, #tpu.memory_space<vmem>>) target_semaphore(%run_scoped3A_34 : memref<!tpu.dma_semaphore, #tpu.memory_space<semaphore_mem>>)
        %dma_wait3A_41 = arith.constant 0 : i32
        %dma_wait3A_42 = tpu.memref_slice %arg3[%run_scoped3A, %add3A_23, %dma_wait3A_41] : memref<3x320000x128xf32, #tpu.memory_space<hbm>> -> memref<1x80x128xf32, #tpu.memory_space<hbm>>
        %dma_wait3A_43 = tpu.memref_squeeze %dma_wait3A_42 : memref<1x80x128xf32, #tpu.memory_space<hbm>> -> memref<80x128xf32, #tpu.memory_space<hbm>>
        %dma_wait3A_44 = arith.constant 0 : i32
        %dma_wait3A_45 = tpu.memref_slice %arg3[%run_scoped3A, %add3A_23, %dma_wait3A_44] : memref<3x320000x128xf32, #tpu.memory_space<hbm>> -> memref<1x80x128xf32, #tpu.memory_space<hbm>>
        %dma_wait3A_46 = tpu.memref_squeeze %dma_wait3A_45 : memref<1x80x128xf32, #tpu.memory_space<hbm>> -> memref<80x128xf32, #tpu.memory_space<hbm>>
        tpu.wait_dma2 semaphore(%run_scoped3A_34 : memref<!tpu.dma_semaphore, #tpu.memory_space<semaphore_mem>>) src(%dma_wait3A_46 : memref<80x128xf32, #tpu.memory_space<hbm>>) dst(%arg10 : memref<80x128xf32, #tpu.memory_space<vmem>>)
        tpu.yield
      }) : () -> ()
      %dma_wait3A = arith.constant 0 : i32
      %dma_wait3A_26 = arith.constant 0 : i32
      %dma_wait3A_27 = tpu.memref_slice %arg2[%dma_wait3A, %dma_wait3A_26] : memref<10000x128xf32, #tpu.memory_space<hbm>> -> memref<10000x128xf32, #tpu.memory_space<hbm>>
      tpu.wait_indirect_dma semaphore(%arg13 : memref<!tpu.dma_semaphore, #tpu.memory_space<semaphore_mem>>) src(%dma_wait3A_27 : memref<10000x128xf32, #tpu.memory_space<hbm>>) dst(%arg11 : memref<80x128xf32, #tpu.memory_space<vmem>>)
      %scan3A_28 = arith.constant 0 : i32
      %scan3A_29 = arith.constant 0 : i32
      %scan3A_30 = arith.constant 80 : i32
      %scan3A_31 = arith.addi %scan3A_29, %scan3A_30 : i32
      %scan3A_32 = arith.constant 1 : i32
      scf.for %scan3A_34 = %scan3A_29 to %scan3A_31 step %scan3A_32  : i32 {
        %get3A = arith.index_cast %scan3A_34 : i32 to index
        %get3A_35 = arith.constant 0 : index
        %get3A_36 = tpu.vector_load %arg10[%get3A, %get3A_35] {strides = array<i32>} : memref<80x128xf32, #tpu.memory_space<vmem>>, vector<1x16xf32>,
        %get3A_37 = vector.shape_cast %get3A_36 : vector<1x16xf32> to vector<16xf32>
        %get3A_38 = arith.index_cast %scan3A_34 : i32 to index
        %get3A_39 = arith.constant 0 : index
        %get3A_40 = tpu.vector_load %arg11[%get3A_38, %get3A_39] {strides = array<i32>} : memref<80x128xf32, #tpu.memory_space<vmem>>, vector<1x16xf32>,
        %get3A_41 = vector.shape_cast %get3A_40 : vector<1x16xf32> to vector<16xf32>
        %mul3A_42 = arith.mulf %get3A_37, %get3A_41 : vector<16xf32>
        %swap3A = arith.index_cast %scan3A_34 : i32 to index
        %swap3A_43 = arith.constant 0 : index
        %swap3A_44 = tpu.vector_load %arg10[%swap3A, %swap3A_43] {strides = array<i32>} : memref<80x128xf32, #tpu.memory_space<vmem>>, vector<1x16xf32>,
        %swap3A_45 = vector.shape_cast %swap3A_44 : vector<1x16xf32> to vector<16xf32>
        %swap3A_46 = vector.shape_cast %mul3A_42 : vector<16xf32> to vector<1x16xf32>
        tpu.vector_store %arg10[%swap3A, %swap3A_43], %swap3A_46 {strides = array<i32>} : memref<80x128xf32, #tpu.memory_space<vmem>>, vector<1x16xf32>,
        %get3A_47 = arith.index_cast %scan3A_34 : i32 to index
        %get3A_48 = arith.constant 16 : index
        %get3A_49 = tpu.vector_load %arg10[%get3A_47, %get3A_48] {strides = array<i32>} : memref<80x128xf32, #tpu.memory_space<vmem>>, vector<1x16xf32>,
        %get3A_50 = vector.shape_cast %get3A_49 : vector<1x16xf32> to vector<16xf32>
        %get3A_51 = arith.index_cast %scan3A_34 : i32 to index
        %get3A_52 = arith.constant 16 : index
        %get3A_53 = tpu.vector_load %arg11[%get3A_51, %get3A_52] {strides = array<i32>} : memref<80x128xf32, #tpu.memory_space<vmem>>, vector<1x16xf32>,
        %get3A_54 = vector.shape_cast %get3A_53 : vector<1x16xf32> to vector<16xf32>
        %mul3A_55 = arith.mulf %get3A_50, %get3A_54 : vector<16xf32>
        %swap3A_56 = arith.index_cast %scan3A_34 : i32 to index
        %swap3A_57 = arith.constant 16 : index
        %swap3A_58 = tpu.vector_load %arg10[%swap3A_56, %swap3A_57] {strides = array<i32>} : memref<80x128xf32, #tpu.memory_space<vmem>>, vector<1x16xf32>,
        %swap3A_59 = vector.shape_cast %swap3A_58 : vector<1x16xf32> to vector<16xf32>
        %swap3A_60 = vector.shape_cast %mul3A_55 : vector<16xf32> to vector<1x16xf32>
        tpu.vector_store %arg10[%swap3A_56, %swap3A_57], %swap3A_60 {strides = array<i32>} : memref<80x128xf32, #tpu.memory_space<vmem>>, vector<1x16xf32>,
        %get3A_61 = arith.index_cast %scan3A_34 : i32 to index
        %get3A_62 = arith.constant 32 : index
        %get3A_63 = tpu.vector_load %arg10[%get3A_61, %get3A_62] {strides = array<i32>} : memref<80x128xf32, #tpu.memory_space<vmem>>, vector<1x16xf32>,
        %get3A_64 = vector.shape_cast %get3A_63 : vector<1x16xf32> to vector<16xf32>
        %get3A_65 = arith.index_cast %scan3A_34 : i32 to index
        %get3A_66 = arith.constant 32 : index
        %get3A_67 = tpu.vector_load %arg11[%get3A_65, %get3A_66] {strides = array<i32>} : memref<80x128xf32, #tpu.memory_space<vmem>>, vector<1x16xf32>,
        %get3A_68 = vector.shape_cast %get3A_67 : vector<1x16xf32> to vector<16xf32>
        %mul3A_69 = arith.mulf %get3A_64, %get3A_68 : vector<16xf32>
        %swap3A_70 = arith.index_cast %scan3A_34 : i32 to index
        %swap3A_71 = arith.constant 32 : index
        %swap3A_72 = tpu.vector_load %arg10[%swap3A_70, %swap3A_71] {strides = array<i32>} : memref<80x128xf32, #tpu.memory_space<vmem>>, vector<1x16xf32>,
        %swap3A_73 = vector.shape_cast %swap3A_72 : vector<1x16xf32> to vector<16xf32>
        %swap3A_74 = vector.shape_cast %mul3A_69 : vector<16xf32> to vector<1x16xf32>
        tpu.vector_store %arg10[%swap3A_70, %swap3A_71], %swap3A_74 {strides = array<i32>} : memref<80x128xf32, #tpu.memory_space<vmem>>, vector<1x16xf32>,
        %get3A_75 = arith.index_cast %scan3A_34 : i32 to index
        %get3A_76 = arith.constant 48 : index
        %get3A_77 = tpu.vector_load %arg10[%get3A_75, %get3A_76] {strides = array<i32>} : memref<80x128xf32, #tpu.memory_space<vmem>>, vector<1x16xf32>,
        %get3A_78 = vector.shape_cast %get3A_77 : vector<1x16xf32> to vector<16xf32>
        %get3A_79 = arith.index_cast %scan3A_34 : i32 to index
        %get3A_80 = arith.constant 48 : index
        %get3A_81 = tpu.vector_load %arg11[%get3A_79, %get3A_80] {strides = array<i32>} : memref<80x128xf32, #tpu.memory_space<vmem>>, vector<1x16xf32>,
        %get3A_82 = vector.shape_cast %get3A_81 : vector<1x16xf32> to vector<16xf32>
        %mul3A_83 = arith.mulf %get3A_78, %get3A_82 : vector<16xf32>
        %swap3A_84 = arith.index_cast %scan3A_34 : i32 to index
        %swap3A_85 = arith.constant 48 : index
        %swap3A_86 = tpu.vector_load %arg10[%swap3A_84, %swap3A_85] {strides = array<i32>} : memref<80x128xf32, #tpu.memory_space<vmem>>, vector<1x16xf32>,
        %swap3A_87 = vector.shape_cast %swap3A_86 : vector<1x16xf32> to vector<16xf32>
        %swap3A_88 = vector.shape_cast %mul3A_83 : vector<16xf32> to vector<1x16xf32>
        tpu.vector_store %arg10[%swap3A_84, %swap3A_85], %swap3A_88 {strides = array<i32>} : memref<80x128xf32, #tpu.memory_space<vmem>>, vector<1x16xf32>,
        %get3A_89 = arith.index_cast %scan3A_34 : i32 to index
        %get3A_90 = arith.constant 64 : index
        %get3A_91 = tpu.vector_load %arg10[%get3A_89, %get3A_90] {strides = array<i32>} : memref<80x128xf32, #tpu.memory_space<vmem>>, vector<1x16xf32>,
        %get3A_92 = vector.shape_cast %get3A_91 : vector<1x16xf32> to vector<16xf32>
        %get3A_93 = arith.index_cast %scan3A_34 : i32 to index
        %get3A_94 = arith.constant 64 : index
        %get3A_95 = tpu.vector_load %arg11[%get3A_93, %get3A_94] {strides = array<i32>} : memref<80x128xf32, #tpu.memory_space<vmem>>, vector<1x16xf32>,
        %get3A_96 = vector.shape_cast %get3A_95 : vector<1x16xf32> to vector<16xf32>
        %mul3A_97 = arith.mulf %get3A_92, %get3A_96 : vector<16xf32>
        %swap3A_98 = arith.index_cast %scan3A_34 : i32 to index
        %swap3A_99 = arith.constant 64 : index
        %swap3A_100 = tpu.vector_load %arg10[%swap3A_98, %swap3A_99] {strides = array<i32>} : memref<80x128xf32, #tpu.memory_space<vmem>>, vector<1x16xf32>,
        %swap3A_101 = vector.shape_cast %swap3A_100 : vector<1x16xf32> to vector<16xf32>
        %swap3A_102 = vector.shape_cast %mul3A_97 : vector<16xf32> to vector<1x16xf32>
        tpu.vector_store %arg10[%swap3A_98, %swap3A_99], %swap3A_102 {strides = array<i32>} : memref<80x128xf32, #tpu.memory_space<vmem>>, vector<1x16xf32>,
        %get3A_103 = arith.index_cast %scan3A_34 : i32 to index
        %get3A_104 = arith.constant 80 : index
        %get3A_105 = tpu.vector_load %arg10[%get3A_103, %get3A_104] {strides = array<i32>} : memref<80x128xf32, #tpu.memory_space<vmem>>, vector<1x16xf32>,
        %get3A_106 = vector.shape_cast %get3A_105 : vector<1x16xf32> to vector<16xf32>
        %get3A_107 = arith.index_cast %scan3A_34 : i32 to index
        %get3A_108 = arith.constant 80 : index
        %get3A_109 = tpu.vector_load %arg11[%get3A_107, %get3A_108] {strides = array<i32>} : memref<80x128xf32, #tpu.memory_space<vmem>>, vector<1x16xf32>,
        %get3A_110 = vector.shape_cast %get3A_109 : vector<1x16xf32> to vector<16xf32>
        %mul3A_111 = arith.mulf %get3A_106, %get3A_110 : vector<16xf32>
        %swap3A_112 = arith.index_cast %scan3A_34 : i32 to index
        %swap3A_113 = arith.constant 80 : index
        %swap3A_114 = tpu.vector_load %arg10[%swap3A_112, %swap3A_113] {strides = array<i32>} : memref<80x128xf32, #tpu.memory_space<vmem>>, vector<1x16xf32>,
        %swap3A_115 = vector.shape_cast %swap3A_114 : vector<1x16xf32> to vector<16xf32>
        %swap3A_116 = vector.shape_cast %mul3A_111 : vector<16xf32> to vector<1x16xf32>
        tpu.vector_store %arg10[%swap3A_112, %swap3A_113], %swap3A_116 {strides = array<i32>} : memref<80x128xf32, #tpu.memory_space<vmem>>, vector<1x16xf32>,
        %get3A_117 = arith.index_cast %scan3A_34 : i32 to index
        %get3A_118 = arith.constant 96 : index
        %get3A_119 = tpu.vector_load %arg10[%get3A_117, %get3A_118] {strides = array<i32>} : memref<80x128xf32, #tpu.memory_space<vmem>>, vector<1x16xf32>,
        %get3A_120 = vector.shape_cast %get3A_119 : vector<1x16xf32> to vector<16xf32>
        %get3A_121 = arith.index_cast %scan3A_34 : i32 to index
        %get3A_122 = arith.constant 96 : index
        %get3A_123 = tpu.vector_load %arg11[%get3A_121, %get3A_122] {strides = array<i32>} : memref<80x128xf32, #tpu.memory_space<vmem>>, vector<1x16xf32>,
        %get3A_124 = vector.shape_cast %get3A_123 : vector<1x16xf32> to vector<16xf32>
        %mul3A_125 = arith.mulf %get3A_120, %get3A_124 : vector<16xf32>
        %swap3A_126 = arith.index_cast %scan3A_34 : i32 to index
        %swap3A_127 = arith.constant 96 : index
        %swap3A_128 = tpu.vector_load %arg10[%swap3A_126, %swap3A_127] {strides = array<i32>} : memref<80x128xf32, #tpu.memory_space<vmem>>, vector<1x16xf32>,
        %swap3A_129 = vector.shape_cast %swap3A_128 : vector<1x16xf32> to vector<16xf32>
        %swap3A_130 = vector.shape_cast %mul3A_125 : vector<16xf32> to vector<1x16xf32>
        tpu.vector_store %arg10[%swap3A_126, %swap3A_127], %swap3A_130 {strides = array<i32>} : memref<80x128xf32, #tpu.memory_space<vmem>>, vector<1x16xf32>,
        %get3A_131 = arith.index_cast %scan3A_34 : i32 to index
        %get3A_132 = arith.constant 112 : index
        %get3A_133 = tpu.vector_load %arg10[%get3A_131, %get3A_132] {strides = array<i32>} : memref<80x128xf32, #tpu.memory_space<vmem>>, vector<1x16xf32>,
        %get3A_134 = vector.shape_cast %get3A_133 : vector<1x16xf32> to vector<16xf32>
        %get3A_135 = arith.index_cast %scan3A_34 : i32 to index
        %get3A_136 = arith.constant 112 : index
        %get3A_137 = tpu.vector_load %arg11[%get3A_135, %get3A_136] {strides = array<i32>} : memref<80x128xf32, #tpu.memory_space<vmem>>, vector<1x16xf32>,
        %get3A_138 = vector.shape_cast %get3A_137 : vector<1x16xf32> to vector<16xf32>
        %mul3A_139 = arith.mulf %get3A_134, %get3A_138 : vector<16xf32>
        %swap3A_140 = arith.index_cast %scan3A_34 : i32 to index
        %swap3A_141 = arith.constant 112 : index
        %swap3A_142 = tpu.vector_load %arg10[%swap3A_140, %swap3A_141] {strides = array<i32>} : memref<80x128xf32, #tpu.memory_space<vmem>>, vector<1x16xf32>,
        %swap3A_143 = vector.shape_cast %swap3A_142 : vector<1x16xf32> to vector<16xf32>
        %swap3A_144 = vector.shape_cast %mul3A_139 : vector<16xf32> to vector<1x16xf32>
        tpu.vector_store %arg10[%swap3A_140, %swap3A_141], %swap3A_144 {strides = array<i32>} : memref<80x128xf32, #tpu.memory_space<vmem>>, vector<1x16xf32>,
      }
      %scan3A_33 = arith.constant 80 : i32
      "tpu.region"() ({
        %run_scoped3A_34 = tpu.sem_alloc : memref<!tpu.dma_semaphore, #tpu.memory_space<semaphore_mem>>
        %dma_start3A_35 = arith.constant 0 : i32
        %dma_start3A_36 = arith.constant 0 : i32
        %dma_start3A_37 = tpu.memref_slice %arg12[%dma_start3A_35, %dma_start3A_36] : memref<10000x128xf32, #tpu.memory_space<vmem_shared>> -> memref<10000x128xf32, #tpu.memory_space<vmem_shared>>
        tpu.enqueue_indirect_dma source(%arg10 : memref<80x128xf32, #tpu.memory_space<vmem>>) target(%dma_start3A_37 : memref<10000x128xf32, #tpu.memory_space<vmem_shared>>) offsets(%arg9 : memref<80xi32, #tpu.memory_space<vmem>>) semaphore(%run_scoped3A_34 : memref<!tpu.dma_semaphore, #tpu.memory_space<semaphore_mem>>) {add = true}
        %dma_wait3A_38 = arith.constant 0 : i32
        %dma_wait3A_39 = arith.constant 0 : i32
        %dma_wait3A_40 = tpu.memref_slice %arg12[%dma_wait3A_38, %dma_wait3A_39] : memref<10000x128xf32, #tpu.memory_space<vmem_shared>> -> memref<10000x128xf32, #tpu.memory_space<vmem_shared>>
        tpu.wait_indirect_dma semaphore(%run_scoped3A_34 : memref<!tpu.dma_semaphore, #tpu.memory_space<semaphore_mem>>) src(%arg10 : memref<80x128xf32, #tpu.memory_space<vmem>>) dst(%dma_wait3A_40 : memref<10000x128xf32, #tpu.memory_space<vmem_shared>>)
        tpu.yield
      }) : () -> ()
    }
    %scan3A_9 = arith.constant 125 : i32
    %barrier3A_10 = arith.constant 0 : index
    tpu.barrier barrier_id(%barrier3A_10)
    %lt3A = arith.constant 15 : i32
    %lt3A_11 = arith.cmpi slt, %arg1, %lt3A : i32
    %convert_element_type3A_12 = arith.extui %lt3A_11 : i1 to i32
    %cond3A_13 = arith.constant 0 : i32
    %cond3A_14 = arith.cmpi ne, %convert_element_type3A_12, %cond3A_13 : i32
    scf.if %cond3A_14 {
      %mul3A_20 = arith.constant 640 : i32
      %mul3A_21 = arith.muli %arg1, %mul3A_20 : i32
      %mul3A_22 = arith.constant 640 : i32
      %mul3A_23 = arith.muli %arg1, %mul3A_22 : i32
      "tpu.region"() ({
        %run_scoped3A = tpu.sem_alloc : memref<!tpu.dma_semaphore, #tpu.memory_space<semaphore_mem>>
        %dma_start3A = arith.constant 0 : i32
        %dma_start3A_24 = tpu.memref_slice %arg7[%arg0, %mul3A_23, %dma_start3A] : memref<2x10000x128xf32, #tpu.memory_space<hbm>> -> memref<1x640x128xf32, #tpu.memory_space<hbm>>
        %dma_start3A_25 = tpu.memref_squeeze %dma_start3A_24 : memref<1x640x128xf32, #tpu.memory_space<hbm>> -> memref<640x128xf32, #tpu.memory_space<hbm>>
        %dma_start3A_26 = arith.constant 0 : i32
        %dma_start3A_27 = tpu.memref_slice %arg12[%mul3A_21, %dma_start3A_26] : memref<10000x128xf32, #tpu.memory_space<vmem_shared>> -> memref<640x128xf32, #tpu.memory_space<vmem_shared>>
        tpu.enqueue_dma source(%dma_start3A_27 : memref<640x128xf32, #tpu.memory_space<vmem_shared>>) target(%dma_start3A_25 : memref<640x128xf32, #tpu.memory_space<hbm>>) target_semaphore(%run_scoped3A : memref<!tpu.dma_semaphore, #tpu.memory_space<semaphore_mem>>)
        %dma_wait3A = arith.constant 0 : i32
        %dma_wait3A_28 = tpu.memref_slice %arg7[%arg0, %mul3A_23, %dma_wait3A] : memref<2x10000x128xf32, #tpu.memory_space<hbm>> -> memref<1x640x128xf32, #tpu.memory_space<hbm>>
        %dma_wait3A_29 = tpu.memref_squeeze %dma_wait3A_28 : memref<1x640x128xf32, #tpu.memory_space<hbm>> -> memref<640x128xf32, #tpu.memory_space<hbm>>
        %dma_wait3A_30 = arith.constant 0 : i32
        %dma_wait3A_31 = tpu.memref_slice %arg12[%mul3A_21, %dma_wait3A_30] : memref<10000x128xf32, #tpu.memory_space<vmem_shared>> -> memref<640x128xf32, #tpu.memory_space<vmem_shared>>
        tpu.wait_dma2 semaphore(%run_scoped3A : memref<!tpu.dma_semaphore, #tpu.memory_space<semaphore_mem>>) src(%dma_wait3A_31 : memref<640x128xf32, #tpu.memory_space<vmem_shared>>) dst(%dma_wait3A_29 : memref<640x128xf32, #tpu.memory_space<hbm>>)
        tpu.yield
      }) : () -> ()
    } else {
    }
    %eq3A_15 = arith.constant 15 : i32
    %eq3A_16 = arith.cmpi eq, %arg1, %eq3A_15 : i32
    %convert_element_type3A_17 = arith.extui %eq3A_16 : i1 to i32
    %cond3A_18 = arith.constant 0 : i32
    %cond3A_19 = arith.cmpi ne, %convert_element_type3A_17, %cond3A_18 : i32
    scf.if %cond3A_19 {
      "tpu.region"() ({
        %run_scoped3A = tpu.sem_alloc : memref<!tpu.dma_semaphore, #tpu.memory_space<semaphore_mem>>
        %dma_start3A = arith.constant 9600 : i32
        %dma_start3A_20 = arith.constant 0 : i32
        %dma_start3A_21 = tpu.memref_slice %arg7[%arg0, %dma_start3A, %dma_start3A_20] : memref<2x10000x128xf32, #tpu.memory_space<hbm>> -> memref<1x400x128xf32, #tpu.memory_space<hbm>>
        %dma_start3A_22 = tpu.memref_squeeze %dma_start3A_21 : memref<1x400x128xf32, #tpu.memory_space<hbm>> -> memref<400x128xf32, #tpu.memory_space<hbm>>
        %dma_start3A_23 = arith.constant 9600 : i32
        %dma_start3A_24 = arith.constant 0 : i32
        %dma_start3A_25 = tpu.memref_slice %arg12[%dma_start3A_23, %dma_start3A_24] : memref<10000x128xf32, #tpu.memory_space<vmem_shared>> -> memref<400x128xf32, #tpu.memory_space<vmem_shared>>
        tpu.enqueue_dma source(%dma_start3A_25 : memref<400x128xf32, #tpu.memory_space<vmem_shared>>) target(%dma_start3A_22 : memref<400x128xf32, #tpu.memory_space<hbm>>) target_semaphore(%run_scoped3A : memref<!tpu.dma_semaphore, #tpu.memory_space<semaphore_mem>>)
        %dma_wait3A = arith.constant 9600 : i32
        %dma_wait3A_26 = arith.constant 0 : i32
        %dma_wait3A_27 = tpu.memref_slice %arg7[%arg0, %dma_wait3A, %dma_wait3A_26] : memref<2x10000x128xf32, #tpu.memory_space<hbm>> -> memref<1x400x128xf32, #tpu.memory_space<hbm>>
        %dma_wait3A_28 = tpu.memref_squeeze %dma_wait3A_27 : memref<1x400x128xf32, #tpu.memory_space<hbm>> -> memref<400x128xf32, #tpu.memory_space<hbm>>
        %dma_wait3A_29 = arith.constant 9600 : i32
        %dma_wait3A_30 = arith.constant 0 : i32
        %dma_wait3A_31 = tpu.memref_slice %arg12[%dma_wait3A_29, %dma_wait3A_30] : memref<10000x128xf32, #tpu.memory_space<vmem_shared>> -> memref<400x128xf32, #tpu.memory_space<vmem_shared>>
        tpu.wait_dma2 semaphore(%run_scoped3A : memref<!tpu.dma_semaphore, #tpu.memory_space<semaphore_mem>>) src(%dma_wait3A_31 : memref<400x128xf32, #tpu.memory_space<vmem_shared>>) dst(%dma_wait3A_28 : memref<400x128xf32, #tpu.memory_space<hbm>>)
        tpu.yield
      }) : () -> ()
    } else {
    }
    return
  }
}

module attributes {stable_mosaic.version = 14 : i64} {
  func.func @_tc_embed_body(%arg0: i32, %arg1: memref<1000x1xi32, #tpu.memory_space<vmem>>, %arg2: memref<128x128xf32, #tpu.memory_space<vmem>>, %arg3: memref<128x128xf32, #tpu.memory_space<vmem>>, %arg4: memref<1000x128xf32, #tpu.memory_space<vmem>>, %arg5: memref<1000x128xf32, #tpu.memory_space<vmem>>) attributes {dimension_semantics = [#tpu.dimension_semantics<arbitrary>], iteration_bounds = array<i64: 10>, scalar_prefetch = 0 : i64, scratch_operands = 0 : i64, tpu.core_type = #tpu.core_type<tc>, window_params = [{transform_indices = @transform_0, window_bounds = array<i64: 1000, 1>}, {pipeline_mode = #tpu.pipeline_mode<synchronous>, transform_indices = @transform_1, window_bounds = array<i64: 128, 128>}, {pipeline_mode = #tpu.pipeline_mode<synchronous>, transform_indices = @transform_2, window_bounds = array<i64: 128, 128>}, {transform_indices = @transform_3, window_bounds = array<i64: 1000, 128>}, {transform_indices = @transform_4, window_bounds = array<i64: 1000, 128>}]} {
    %get3A = arith.constant 0 : index
    %get3A_0 = arith.constant 0 : index
    %get3A_1 = vector.load %arg1[%get3A, %get3A_0] : memref<1000x1xi32, #tpu.memory_space<vmem>>, vector<1000x1xi32>
    %iota3A = tpu.iota {dimensions = array<i32: 1>} : vector<1000x128xi32>
    %eq3A = vector.broadcast %get3A_1 : vector<1000x1xi32> to vector<1000x128xi32>
    %eq3A_2 = arith.cmpi eq, %iota3A, %eq3A : vector<1000x128xi32>
    %convert_element_type3A = arith.extui %eq3A_2 : vector<1000x128xi1> to vector<1000x128xi32>
    %convert_element_type3A_3 = arith.sitofp %convert_element_type3A : vector<1000x128xi32> to vector<1000x128xf32>
    %get3A_4 = arith.constant 0 : index
    %get3A_5 = arith.constant 0 : index
    %get3A_6 = vector.load %arg2[%get3A_4, %get3A_5] : memref<128x128xf32, #tpu.memory_space<vmem>>, vector<128x128xf32>
    %dot_general3A = arith.constant dense<0.000000e+00> : vector<1000x128xf32>
    %dot_general3A_7 = tpu.matmul %convert_element_type3A_3, %get3A_6, %dot_general3A {dimension_numbers = #tpu.dot_dimension_numbers<[1], [0], [0], [1], [0, 0, 1, 1], [], []>, transpose_lhs_hint = false} : vector<1000x128xf32>, vector<128x128xf32>, vector<1000x128xf32> -> vector<1000x128xf32>
    %swap3A = arith.constant 0 : index
    %swap3A_8 = arith.constant 0 : index
    %swap3A_9 = vector.load %arg4[%swap3A, %swap3A_8] : memref<1000x128xf32, #tpu.memory_space<vmem>>, vector<1000x128xf32>
    tpu.vector_store %arg4[%swap3A, %swap3A_8], %dot_general3A_7 {strides = array<i32>} : memref<1000x128xf32, #tpu.memory_space<vmem>>, vector<1000x128xf32>,
    %get3A_10 = arith.constant 0 : index
    %get3A_11 = arith.constant 0 : index
    %get3A_12 = vector.load %arg3[%get3A_10, %get3A_11] : memref<128x128xf32, #tpu.memory_space<vmem>>, vector<128x128xf32>
    %dot_general3A_13 = arith.constant dense<0.000000e+00> : vector<1000x128xf32>
    %dot_general3A_14 = tpu.matmul %dot_general3A_7, %get3A_12, %dot_general3A_13 {dimension_numbers = #tpu.dot_dimension_numbers<[1], [0], [0], [1], [0, 0, 1, 1], [], []>, transpose_lhs_hint = false} : vector<1000x128xf32>, vector<128x128xf32>, vector<1000x128xf32> -> vector<1000x128xf32>
    %swap3A_15 = arith.constant 0 : index
    %swap3A_16 = arith.constant 0 : index
    %swap3A_17 = vector.load %arg5[%swap3A_15, %swap3A_16] : memref<1000x128xf32, #tpu.memory_space<vmem>>, vector<1000x128xf32>
    tpu.vector_store %arg5[%swap3A_15, %swap3A_16], %dot_general3A_14 {strides = array<i32>} : memref<1000x128xf32, #tpu.memory_space<vmem>>, vector<1000x128xf32>,
    return
  }
  func.func @transform_0(%arg0: i32) -> (i32, i32) {
    %c0_i32 = arith.constant 0 : i32
    %c0_i32_0 = arith.constant 0 : i32
    return %arg0, %c0_i32 : i32, i32
  }
  func.func @transform_1(%arg0: i32) -> (i32, i32) {
    %c0_i32 = arith.constant 0 : i32
    %c0_i32_0 = arith.constant 0 : i32
    %c0_i32_1 = arith.constant 0 : i32
    return %c0_i32, %c0_i32_0 : i32, i32
  }
  func.func @transform_2(%arg0: i32) -> (i32, i32) {
    %c0_i32 = arith.constant 0 : i32
    %c0_i32_0 = arith.constant 0 : i32
    %c0_i32_1 = arith.constant 0 : i32
    return %c0_i32, %c0_i32_0 : i32, i32
  }
  func.func @transform_3(%arg0: i32) -> (i32, i32) {
    %c0_i32 = arith.constant 0 : i32
    %c0_i32_0 = arith.constant 0 : i32
    return %arg0, %c0_i32 : i32, i32
  }
  func.func @transform_4(%arg0: i32) -> (i32, i32) {
    %c0_i32 = arith.constant 0 : i32
    %c0_i32_0 = arith.constant 0 : i32
    return %arg0, %c0_i32 : i32, i32
  }
}

module attributes {stable_mosaic.version = 14 : i64} {
  func.func @_tc_filter_body(%arg0: i32, %arg1: i32, %arg2: memref<1000x1xf32, #tpu.memory_space<vmem>>, %arg3: memref<1x128x128xf32, #tpu.memory_space<vmem>>, %arg4: memref<1x1x128xf32, #tpu.memory_space<vmem>>, %arg5: memref<1x128x128xf32, #tpu.memory_space<vmem>>, %arg6: memref<1x1x128xf32, #tpu.memory_space<vmem>>, %arg7: memref<1x1000x128xf32, #tpu.memory_space<vmem>>) attributes {dimension_semantics = [#tpu.dimension_semantics<arbitrary>, #tpu.dimension_semantics<arbitrary>], iteration_bounds = array<i64: 3, 320>, scalar_prefetch = 0 : i64, scratch_operands = 0 : i64, tpu.core_type = #tpu.core_type<tc>, window_params = [{transform_indices = @transform_0, window_bounds = array<i64: 1000, 1>}, {transform_indices = @transform_1, window_bounds = array<i64: 1, 128, 128>}, {transform_indices = @transform_2, window_bounds = array<i64: 1, 1, 128>}, {transform_indices = @transform_3, window_bounds = array<i64: 1, 128, 128>}, {transform_indices = @transform_4, window_bounds = array<i64: 1, 1, 128>}, {transform_indices = @transform_5, window_bounds = array<i64: 1, 1000, 128>}]} {
    %get3A = arith.constant 0 : index
    %get3A_0 = arith.constant 0 : index
    %get3A_1 = vector.load %arg2[%get3A, %get3A_0] : memref<1000x1xf32, #tpu.memory_space<vmem>>, vector<1000x1xf32>
    %sqrt3A = math.sqrt %get3A_1 : vector<1000x1xf32>
    %iota3A = tpu.iota {dimensions = array<i32: 1>} : vector<1x128xi32>
    %convert_element_type3A = arith.sitofp %iota3A : vector<1x128xi32> to vector<1x128xf32>
    %mul3A = arith.constant 0.208333328 : f32
    %mul3A_2 = vector.broadcast %mul3A : f32 to vector<1x128xf32>
    %mul3A_3 = arith.mulf %convert_element_type3A, %mul3A_2 : vector<1x128xf32>
    %sub3A = vector.broadcast %sqrt3A : vector<1000x1xf32> to vector<1000x128xf32>
    %sub3A_4 = vector.broadcast %mul3A_3 : vector<1x128xf32> to vector<1000x128xf32>
    %sub3A_5 = arith.subf %sub3A, %sub3A_4 : vector<1000x128xf32>
    %mul3A_6 = arith.constant -1.152000e+01 : f32
    %mul3A_7 = vector.broadcast %mul3A_6 : f32 to vector<1000x128xf32>
    %mul3A_8 = arith.mulf %mul3A_7, %sub3A_5 : vector<1000x128xf32>
    %mul3A_9 = arith.mulf %mul3A_8, %sub3A_5 : vector<1000x128xf32>
    %exp3A = math.exp %mul3A_9 : vector<1000x128xf32>
    %get3A_10 = arith.constant 0 : index
    %get3A_11 = arith.constant 0 : index
    %get3A_12 = arith.constant 0 : index
    %get3A_13 = vector.load %arg3[%get3A_10, %get3A_11, %get3A_12] : memref<1x128x128xf32, #tpu.memory_space<vmem>>, vector<1x128x128xf32>
    %get3A_14 = vector.shape_cast %get3A_13 : vector<1x128x128xf32> to vector<128x128xf32>
    %dot_general3A = arith.constant dense<0.000000e+00> : vector<1000x128xf32>
    %dot_general3A_15 = tpu.matmul %exp3A, %get3A_14, %dot_general3A {dimension_numbers = #tpu.dot_dimension_numbers<[1], [0], [0], [1], [0, 0, 1, 1], [], []>, transpose_lhs_hint = false} : vector<1000x128xf32>, vector<128x128xf32>, vector<1000x128xf32> -> vector<1000x128xf32>
    %get3A_16 = arith.constant 0 : index
    %get3A_17 = arith.constant 0 : index
    %get3A_18 = arith.constant 0 : index
    %get3A_19 = vector.load %arg4[%get3A_16, %get3A_17, %get3A_18] : memref<1x1x128xf32, #tpu.memory_space<vmem>>, vector<1x1x128xf32>
    %get3A_20 = vector.shape_cast %get3A_19 : vector<1x1x128xf32> to vector<1x128xf32>
    %add3A = vector.broadcast %get3A_20 : vector<1x128xf32> to vector<1000x128xf32>
    %add3A_21 = arith.addf %dot_general3A_15, %add3A : vector<1000x128xf32>
    %custom_jvp_call3A = arith.constant 0.000000e+00 : f32
    %max3A = vector.broadcast %custom_jvp_call3A : f32 to vector<1000x128xf32>
    %max3A_22 = arith.maximumf %add3A_21, %max3A : vector<1000x128xf32>
    %sub3A_23 = vector.broadcast %custom_jvp_call3A : f32 to vector<1000x128xf32>
    %sub3A_24 = arith.subf %add3A_21, %sub3A_23 : vector<1000x128xf32>
    %ne3A = arith.cmpf one, %sub3A_24, %sub3A_24 : vector<1000x128xf32>
    %add3A_25 = vector.broadcast %custom_jvp_call3A : f32 to vector<1000x128xf32>
    %add3A_26 = arith.addf %add3A_21, %add3A_25 : vector<1000x128xf32>
    %abs3A = math.absf %sub3A_24 : vector<1000x128xf32>
    %neg3A = arith.constant 0.000000e+00 : f32
    %neg3A_27 = vector.broadcast %neg3A : f32 to vector<1000x128xf32>
    %neg3A_28 = arith.subf %neg3A_27, %abs3A : vector<1000x128xf32>
    %exp3A_29 = math.exp %neg3A_28 : vector<1000x128xf32>
    %log1p3A = math.log1p %exp3A_29 : vector<1000x128xf32>
    %add3A_30 = arith.addf %max3A_22, %log1p3A : vector<1000x128xf32>
    %select_n3A = arith.select %ne3A, %add3A_26, %add3A_30 : vector<1000x128xi1>, vector<1000x128xf32>
    %log3A = arith.constant 2.000000e+00 : f32
    %log3A_31 = math.log %log3A : f32
    %sub3A_32 = vector.broadcast %log3A_31 : f32 to vector<1000x128xf32>
    %sub3A_33 = arith.subf %select_n3A, %sub3A_32 : vector<1000x128xf32>
    %get3A_34 = arith.constant 0 : index
    %get3A_35 = arith.constant 0 : index
    %get3A_36 = arith.constant 0 : index
    %get3A_37 = vector.load %arg5[%get3A_34, %get3A_35, %get3A_36] : memref<1x128x128xf32, #tpu.memory_space<vmem>>, vector<1x128x128xf32>
    %get3A_38 = vector.shape_cast %get3A_37 : vector<1x128x128xf32> to vector<128x128xf32>
    %dot_general3A_39 = arith.constant dense<0.000000e+00> : vector<1000x128xf32>
    %dot_general3A_40 = tpu.matmul %sub3A_33, %get3A_38, %dot_general3A_39 {dimension_numbers = #tpu.dot_dimension_numbers<[1], [0], [0], [1], [0, 0, 1, 1], [], []>, transpose_lhs_hint = false} : vector<1000x128xf32>, vector<128x128xf32>, vector<1000x128xf32> -> vector<1000x128xf32>
    %get3A_41 = arith.constant 0 : index
    %get3A_42 = arith.constant 0 : index
    %get3A_43 = arith.constant 0 : index
    %get3A_44 = vector.load %arg6[%get3A_41, %get3A_42, %get3A_43] : memref<1x1x128xf32, #tpu.memory_space<vmem>>, vector<1x1x128xf32>
    %get3A_45 = vector.shape_cast %get3A_44 : vector<1x1x128xf32> to vector<1x128xf32>
    %add3A_46 = vector.broadcast %get3A_45 : vector<1x128xf32> to vector<1000x128xf32>
    %add3A_47 = arith.addf %dot_general3A_40, %add3A_46 : vector<1000x128xf32>
    %mul3A_48 = arith.constant 0.628318548 : f32
    %mul3A_49 = vector.broadcast %mul3A_48 : f32 to vector<1000x1xf32>
    %mul3A_50 = arith.mulf %mul3A_49, %sqrt3A : vector<1000x1xf32>
    %cos3A = math.cos %mul3A_50 : vector<1000x1xf32>
    %add3A_51 = arith.constant 1.000000e+00 : f32
    %add3A_52 = vector.broadcast %add3A_51 : f32 to vector<1000x1xf32>
    %add3A_53 = arith.addf %cos3A, %add3A_52 : vector<1000x1xf32>
    %mul3A_54 = arith.constant 5.000000e-01 : f32
    %mul3A_55 = vector.broadcast %mul3A_54 : f32 to vector<1000x1xf32>
    %mul3A_56 = arith.mulf %mul3A_55, %add3A_53 : vector<1000x1xf32>
    %lt3A = arith.constant 5.000000e+00 : f32
    %lt3A_57 = vector.broadcast %lt3A : f32 to vector<1000x1xf32>
    %lt3A_58 = arith.cmpf olt, %sqrt3A, %lt3A_57 : vector<1000x1xf32>
    %convert_element_type3A_59 = arith.extui %lt3A_58 : vector<1000x1xi1> to vector<1000x1xi32>
    %convert_element_type3A_60 = arith.sitofp %convert_element_type3A_59 : vector<1000x1xi32> to vector<1000x1xf32>
    %mul3A_61 = arith.mulf %mul3A_56, %convert_element_type3A_60 : vector<1000x1xf32>
    %mul3A_62 = vector.broadcast %mul3A_61 : vector<1000x1xf32> to vector<1000x128xf32>
    %mul3A_63 = arith.mulf %add3A_47, %mul3A_62 : vector<1000x128xf32>
    %swap3A = arith.constant 0 : index
    %swap3A_64 = arith.constant 0 : index
    %swap3A_65 = arith.constant 0 : index
    %swap3A_66 = vector.load %arg7[%swap3A, %swap3A_64, %swap3A_65] : memref<1x1000x128xf32, #tpu.memory_space<vmem>>, vector<1x1000x128xf32>
    %swap3A_67 = vector.shape_cast %swap3A_66 : vector<1x1000x128xf32> to vector<1000x128xf32>
    %swap3A_68 = vector.shape_cast %mul3A_63 : vector<1000x128xf32> to vector<1x1000x128xf32>
    tpu.vector_store %arg7[%swap3A, %swap3A_64, %swap3A_65], %swap3A_68 {strides = array<i32>} : memref<1x1000x128xf32, #tpu.memory_space<vmem>>, vector<1x1000x128xf32>,
    return
  }
  func.func @transform_0(%arg0: i32, %arg1: i32) -> (i32, i32) {
    %c0_i32 = arith.constant 0 : i32
    %c0_i32_0 = arith.constant 0 : i32
    return %arg1, %c0_i32 : i32, i32
  }
  func.func @transform_1(%arg0: i32, %arg1: i32) -> (i32, i32, i32) {
    %c0_i32 = arith.constant 0 : i32
    %c0_i32_0 = arith.constant 0 : i32
    %c0_i32_1 = arith.constant 0 : i32
    return %arg0, %c0_i32, %c0_i32_0 : i32, i32, i32
  }
  func.func @transform_2(%arg0: i32, %arg1: i32) -> (i32, i32, i32) {
    %c0_i32 = arith.constant 0 : i32
    %c0_i32_0 = arith.constant 0 : i32
    %c0_i32_1 = arith.constant 0 : i32
    return %arg0, %c0_i32, %c0_i32_0 : i32, i32, i32
  }
  func.func @transform_3(%arg0: i32, %arg1: i32) -> (i32, i32, i32) {
    %c0_i32 = arith.constant 0 : i32
    %c0_i32_0 = arith.constant 0 : i32
    %c0_i32_1 = arith.constant 0 : i32
    return %arg0, %c0_i32, %c0_i32_0 : i32, i32, i32
  }
  func.func @transform_4(%arg0: i32, %arg1: i32) -> (i32, i32, i32) {
    %c0_i32 = arith.constant 0 : i32
    %c0_i32_0 = arith.constant 0 : i32
    %c0_i32_1 = arith.constant 0 : i32
    return %arg0, %c0_i32, %c0_i32_0 : i32, i32, i32
  }
  func.func @transform_5(%arg0: i32, %arg1: i32) -> (i32, i32, i32) {
    %c0_i32 = arith.constant 0 : i32
    %c0_i32_0 = arith.constant 0 : i32
    return %arg0, %arg1, %c0_i32 : i32, i32, i32
  }
}

module attributes {stable_mosaic.version = 14 : i64} {
  func.func @_tc_update_body(%arg0: i32, %arg1: memref<1x1000x128xf32, #tpu.memory_space<vmem>>, %arg2: memref<1x1000x128xf32, #tpu.memory_space<vmem>>, %arg3: memref<1000x128xf32, #tpu.memory_space<vmem>>, %arg4: memref<128x128xf32, #tpu.memory_space<vmem>>, %arg5: memref<1x128xf32, #tpu.memory_space<vmem>>, %arg6: memref<128x128xf32, #tpu.memory_space<vmem>>, %arg7: memref<1x128xf32, #tpu.memory_space<vmem>>, %arg8: memref<128x128xf32, #tpu.memory_space<vmem>>, %arg9: memref<1000x128xf32, #tpu.memory_space<vmem>>, %arg10: memref<1000x128xf32, #tpu.memory_space<vmem>>) attributes {dimension_semantics = [#tpu.dimension_semantics<arbitrary>], iteration_bounds = array<i64: 10>, scalar_prefetch = 0 : i64, scratch_operands = 0 : i64, tpu.core_type = #tpu.core_type<tc>, window_params = [{transform_indices = @transform_0, window_bounds = array<i64: 1, 1000, 128>}, {transform_indices = @transform_1, window_bounds = array<i64: 1, 1000, 128>}, {transform_indices = @transform_2, window_bounds = array<i64: 1000, 128>}, {pipeline_mode = #tpu.pipeline_mode<synchronous>, transform_indices = @transform_3, window_bounds = array<i64: 128, 128>}, {pipeline_mode = #tpu.pipeline_mode<synchronous>, transform_indices = @transform_4, window_bounds = array<i64: 1, 128>}, {pipeline_mode = #tpu.pipeline_mode<synchronous>, transform_indices = @transform_5, window_bounds = array<i64: 128, 128>}, {pipeline_mode = #tpu.pipeline_mode<synchronous>, transform_indices = @transform_6, window_bounds = array<i64: 1, 128>}, {pipeline_mode = #tpu.pipeline_mode<synchronous>, transform_indices = @transform_7, window_bounds = array<i64: 128, 128>}, {transform_indices = @transform_8, window_bounds = array<i64: 1000, 128>}, {transform_indices = @transform_9, window_bounds = array<i64: 1000, 128>}]} {
    %get3A = arith.constant 0 : index
    %get3A_0 = arith.constant 0 : index
    %get3A_1 = arith.constant 0 : index
    %get3A_2 = vector.load %arg1[%get3A, %get3A_0, %get3A_1] : memref<1x1000x128xf32, #tpu.memory_space<vmem>>, vector<1x1000x128xf32>
    %get3A_3 = vector.shape_cast %get3A_2 : vector<1x1000x128xf32> to vector<1000x128xf32>
    %get3A_4 = arith.constant 0 : index
    %get3A_5 = arith.constant 0 : index
    %get3A_6 = arith.constant 0 : index
    %get3A_7 = vector.load %arg2[%get3A_4, %get3A_5, %get3A_6] : memref<1x1000x128xf32, #tpu.memory_space<vmem>>, vector<1x1000x128xf32>
    %get3A_8 = vector.shape_cast %get3A_7 : vector<1x1000x128xf32> to vector<1000x128xf32>
    %add3A = arith.addf %get3A_3, %get3A_8 : vector<1000x128xf32>
    %get3A_9 = arith.constant 0 : index
    %get3A_10 = arith.constant 0 : index
    %get3A_11 = vector.load %arg4[%get3A_9, %get3A_10] : memref<128x128xf32, #tpu.memory_space<vmem>>, vector<128x128xf32>
    %dot_general3A = arith.constant dense<0.000000e+00> : vector<1000x128xf32>
    %dot_general3A_12 = tpu.matmul %add3A, %get3A_11, %dot_general3A {dimension_numbers = #tpu.dot_dimension_numbers<[1], [0], [0], [1], [0, 0, 1, 1], [], []>, transpose_lhs_hint = false} : vector<1000x128xf32>, vector<128x128xf32>, vector<1000x128xf32> -> vector<1000x128xf32>
    %get3A_13 = arith.constant 0 : index
    %get3A_14 = arith.constant 0 : index
    %get3A_15 = vector.load %arg5[%get3A_13, %get3A_14] : memref<1x128xf32, #tpu.memory_space<vmem>>, vector<1x128xf32>
    %add3A_16 = vector.broadcast %get3A_15 : vector<1x128xf32> to vector<1000x128xf32>
    %add3A_17 = arith.addf %dot_general3A_12, %add3A_16 : vector<1000x128xf32>
    %custom_jvp_call3A = arith.constant 0.000000e+00 : f32
    %max3A = vector.broadcast %custom_jvp_call3A : f32 to vector<1000x128xf32>
    %max3A_18 = arith.maximumf %add3A_17, %max3A : vector<1000x128xf32>
    %sub3A = vector.broadcast %custom_jvp_call3A : f32 to vector<1000x128xf32>
    %sub3A_19 = arith.subf %add3A_17, %sub3A : vector<1000x128xf32>
    %ne3A = arith.cmpf one, %sub3A_19, %sub3A_19 : vector<1000x128xf32>
    %add3A_20 = vector.broadcast %custom_jvp_call3A : f32 to vector<1000x128xf32>
    %add3A_21 = arith.addf %add3A_17, %add3A_20 : vector<1000x128xf32>
    %abs3A = math.absf %sub3A_19 : vector<1000x128xf32>
    %neg3A = arith.constant 0.000000e+00 : f32
    %neg3A_22 = vector.broadcast %neg3A : f32 to vector<1000x128xf32>
    %neg3A_23 = arith.subf %neg3A_22, %abs3A : vector<1000x128xf32>
    %exp3A = math.exp %neg3A_23 : vector<1000x128xf32>
    %log1p3A = math.log1p %exp3A : vector<1000x128xf32>
    %add3A_24 = arith.addf %max3A_18, %log1p3A : vector<1000x128xf32>
    %select_n3A = arith.select %ne3A, %add3A_21, %add3A_24 : vector<1000x128xi1>, vector<1000x128xf32>
    %log3A = arith.constant 2.000000e+00 : f32
    %log3A_25 = math.log %log3A : f32
    %sub3A_26 = vector.broadcast %log3A_25 : f32 to vector<1000x128xf32>
    %sub3A_27 = arith.subf %select_n3A, %sub3A_26 : vector<1000x128xf32>
    %get3A_28 = arith.constant 0 : index
    %get3A_29 = arith.constant 0 : index
    %get3A_30 = vector.load %arg6[%get3A_28, %get3A_29] : memref<128x128xf32, #tpu.memory_space<vmem>>, vector<128x128xf32>
    %dot_general3A_31 = arith.constant dense<0.000000e+00> : vector<1000x128xf32>
    %dot_general3A_32 = tpu.matmul %sub3A_27, %get3A_30, %dot_general3A_31 {dimension_numbers = #tpu.dot_dimension_numbers<[1], [0], [0], [1], [0, 0, 1, 1], [], []>, transpose_lhs_hint = false} : vector<1000x128xf32>, vector<128x128xf32>, vector<1000x128xf32> -> vector<1000x128xf32>
    %get3A_33 = arith.constant 0 : index
    %get3A_34 = arith.constant 0 : index
    %get3A_35 = vector.load %arg7[%get3A_33, %get3A_34] : memref<1x128xf32, #tpu.memory_space<vmem>>, vector<1x128xf32>
    %add3A_36 = vector.broadcast %get3A_35 : vector<1x128xf32> to vector<1000x128xf32>
    %add3A_37 = arith.addf %dot_general3A_32, %add3A_36 : vector<1000x128xf32>
    %get3A_38 = arith.constant 0 : index
    %get3A_39 = arith.constant 0 : index
    %get3A_40 = vector.load %arg3[%get3A_38, %get3A_39] : memref<1000x128xf32, #tpu.memory_space<vmem>>, vector<1000x128xf32>
    %add3A_41 = arith.addf %get3A_40, %add3A_37 : vector<1000x128xf32>
    %swap3A = arith.constant 0 : index
    %swap3A_42 = arith.constant 0 : index
    %swap3A_43 = vector.load %arg9[%swap3A, %swap3A_42] : memref<1000x128xf32, #tpu.memory_space<vmem>>, vector<1000x128xf32>
    tpu.vector_store %arg9[%swap3A, %swap3A_42], %add3A_41 {strides = array<i32>} : memref<1000x128xf32, #tpu.memory_space<vmem>>, vector<1000x128xf32>,
    %get3A_44 = arith.constant 0 : index
    %get3A_45 = arith.constant 0 : index
    %get3A_46 = vector.load %arg8[%get3A_44, %get3A_45] : memref<128x128xf32, #tpu.memory_space<vmem>>, vector<128x128xf32>
    %dot_general3A_47 = arith.constant dense<0.000000e+00> : vector<1000x128xf32>
    %dot_general3A_48 = tpu.matmul %add3A_41, %get3A_46, %dot_general3A_47 {dimension_numbers = #tpu.dot_dimension_numbers<[1], [0], [0], [1], [0, 0, 1, 1], [], []>, transpose_lhs_hint = false} : vector<1000x128xf32>, vector<128x128xf32>, vector<1000x128xf32> -> vector<1000x128xf32>
    %swap3A_49 = arith.constant 0 : index
    %swap3A_50 = arith.constant 0 : index
    %swap3A_51 = vector.load %arg10[%swap3A_49, %swap3A_50] : memref<1000x128xf32, #tpu.memory_space<vmem>>, vector<1000x128xf32>
    tpu.vector_store %arg10[%swap3A_49, %swap3A_50], %dot_general3A_48 {strides = array<i32>} : memref<1000x128xf32, #tpu.memory_space<vmem>>, vector<1000x128xf32>,
    return
  }
  func.func @transform_0(%arg0: i32) -> (i32, i32, i32) {
    %c0_i32 = arith.constant 0 : i32
    %c0_i32_0 = arith.constant 0 : i32
    %c0_i32_1 = arith.constant 0 : i32
    return %c0_i32, %arg0, %c0_i32_0 : i32, i32, i32
  }
  func.func @transform_1(%arg0: i32) -> (i32, i32, i32) {
    %c1_i32 = arith.constant 1 : i32
    %c0_i32 = arith.constant 0 : i32
    %c0_i32_0 = arith.constant 0 : i32
    return %c1_i32, %arg0, %c0_i32 : i32, i32, i32
  }
  func.func @transform_2(%arg0: i32) -> (i32, i32) {
    %c0_i32 = arith.constant 0 : i32
    %c0_i32_0 = arith.constant 0 : i32
    return %arg0, %c0_i32 : i32, i32
  }
  func.func @transform_3(%arg0: i32) -> (i32, i32) {
    %c0_i32 = arith.constant 0 : i32
    %c0_i32_0 = arith.constant 0 : i32
    %c0_i32_1 = arith.constant 0 : i32
    return %c0_i32, %c0_i32_0 : i32, i32
  }
  func.func @transform_4(%arg0: i32) -> (i32, i32) {
    %c0_i32 = arith.constant 0 : i32
    %c0_i32_0 = arith.constant 0 : i32
    %c0_i32_1 = arith.constant 0 : i32
    return %c0_i32, %c0_i32_0 : i32, i32
  }
  func.func @transform_5(%arg0: i32) -> (i32, i32) {
    %c0_i32 = arith.constant 0 : i32
    %c0_i32_0 = arith.constant 0 : i32
    %c0_i32_1 = arith.constant 0 : i32
    return %c0_i32, %c0_i32_0 : i32, i32
  }
  func.func @transform_6(%arg0: i32) -> (i32, i32) {
    %c0_i32 = arith.constant 0 : i32
    %c0_i32_0 = arith.constant 0 : i32
    %c0_i32_1 = arith.constant 0 : i32
    return %c0_i32, %c0_i32_0 : i32, i32
  }
  func.func @transform_7(%arg0: i32) -> (i32, i32) {
    %c0_i32 = arith.constant 0 : i32
    %c0_i32_0 = arith.constant 0 : i32
    %c0_i32_1 = arith.constant 0 : i32
    return %c0_i32, %c0_i32_0 : i32, i32
  }
  func.func @transform_8(%arg0: i32) -> (i32, i32) {
    %c0_i32 = arith.constant 0 : i32
    %c0_i32_0 = arith.constant 0 : i32
    return %arg0, %c0_i32 : i32, i32
  }
  func.func @transform_9(%arg0: i32) -> (i32, i32) {
    %c0_i32 = arith.constant 0 : i32
    %c0_i32_0 = arith.constant 0 : i32
    return %arg0, %c0_i32 : i32, i32
  }
}

module attributes {stable_mosaic.version = 14 : i64} {
  func.func @_tc_update_body(%arg0: i32, %arg1: memref<1x1000x128xf32, #tpu.memory_space<vmem>>, %arg2: memref<1x1000x128xf32, #tpu.memory_space<vmem>>, %arg3: memref<1000x128xf32, #tpu.memory_space<vmem>>, %arg4: memref<128x128xf32, #tpu.memory_space<vmem>>, %arg5: memref<1x128xf32, #tpu.memory_space<vmem>>, %arg6: memref<128x128xf32, #tpu.memory_space<vmem>>, %arg7: memref<1x128xf32, #tpu.memory_space<vmem>>, %arg8: memref<128x128xf32, #tpu.memory_space<vmem>>, %arg9: memref<1000x128xf32, #tpu.memory_space<vmem>>, %arg10: memref<1000x128xf32, #tpu.memory_space<vmem>>) attributes {dimension_semantics = [#tpu.dimension_semantics<arbitrary>], iteration_bounds = array<i64: 10>, scalar_prefetch = 0 : i64, scratch_operands = 0 : i64, tpu.core_type = #tpu.core_type<tc>, window_params = [{transform_indices = @transform_0, window_bounds = array<i64: 1, 1000, 128>}, {transform_indices = @transform_1, window_bounds = array<i64: 1, 1000, 128>}, {transform_indices = @transform_2, window_bounds = array<i64: 1000, 128>}, {pipeline_mode = #tpu.pipeline_mode<synchronous>, transform_indices = @transform_3, window_bounds = array<i64: 128, 128>}, {pipeline_mode = #tpu.pipeline_mode<synchronous>, transform_indices = @transform_4, window_bounds = array<i64: 1, 128>}, {pipeline_mode = #tpu.pipeline_mode<synchronous>, transform_indices = @transform_5, window_bounds = array<i64: 128, 128>}, {pipeline_mode = #tpu.pipeline_mode<synchronous>, transform_indices = @transform_6, window_bounds = array<i64: 1, 128>}, {pipeline_mode = #tpu.pipeline_mode<synchronous>, transform_indices = @transform_7, window_bounds = array<i64: 128, 128>}, {transform_indices = @transform_8, window_bounds = array<i64: 1000, 128>}, {transform_indices = @transform_9, window_bounds = array<i64: 1000, 128>}]} {
    %get3A = arith.constant 0 : index
    %get3A_0 = arith.constant 0 : index
    %get3A_1 = arith.constant 0 : index
    %get3A_2 = vector.load %arg1[%get3A, %get3A_0, %get3A_1] : memref<1x1000x128xf32, #tpu.memory_space<vmem>>, vector<1x1000x128xf32>
    %get3A_3 = vector.shape_cast %get3A_2 : vector<1x1000x128xf32> to vector<1000x128xf32>
    %get3A_4 = arith.constant 0 : index
    %get3A_5 = arith.constant 0 : index
    %get3A_6 = arith.constant 0 : index
    %get3A_7 = vector.load %arg2[%get3A_4, %get3A_5, %get3A_6] : memref<1x1000x128xf32, #tpu.memory_space<vmem>>, vector<1x1000x128xf32>
    %get3A_8 = vector.shape_cast %get3A_7 : vector<1x1000x128xf32> to vector<1000x128xf32>
    %add3A = arith.addf %get3A_3, %get3A_8 : vector<1000x128xf32>
    %get3A_9 = arith.constant 0 : index
    %get3A_10 = arith.constant 0 : index
    %get3A_11 = vector.load %arg4[%get3A_9, %get3A_10] : memref<128x128xf32, #tpu.memory_space<vmem>>, vector<128x128xf32>
    %dot_general3A = arith.constant dense<0.000000e+00> : vector<1000x128xf32>
    %dot_general3A_12 = tpu.matmul %add3A, %get3A_11, %dot_general3A {dimension_numbers = #tpu.dot_dimension_numbers<[1], [0], [0], [1], [0, 0, 1, 1], [], []>, transpose_lhs_hint = false} : vector<1000x128xf32>, vector<128x128xf32>, vector<1000x128xf32> -> vector<1000x128xf32>
    %get3A_13 = arith.constant 0 : index
    %get3A_14 = arith.constant 0 : index
    %get3A_15 = vector.load %arg5[%get3A_13, %get3A_14] : memref<1x128xf32, #tpu.memory_space<vmem>>, vector<1x128xf32>
    %add3A_16 = vector.broadcast %get3A_15 : vector<1x128xf32> to vector<1000x128xf32>
    %add3A_17 = arith.addf %dot_general3A_12, %add3A_16 : vector<1000x128xf32>
    %custom_jvp_call3A = arith.constant 0.000000e+00 : f32
    %max3A = vector.broadcast %custom_jvp_call3A : f32 to vector<1000x128xf32>
    %max3A_18 = arith.maximumf %add3A_17, %max3A : vector<1000x128xf32>
    %sub3A = vector.broadcast %custom_jvp_call3A : f32 to vector<1000x128xf32>
    %sub3A_19 = arith.subf %add3A_17, %sub3A : vector<1000x128xf32>
    %ne3A = arith.cmpf one, %sub3A_19, %sub3A_19 : vector<1000x128xf32>
    %add3A_20 = vector.broadcast %custom_jvp_call3A : f32 to vector<1000x128xf32>
    %add3A_21 = arith.addf %add3A_17, %add3A_20 : vector<1000x128xf32>
    %abs3A = math.absf %sub3A_19 : vector<1000x128xf32>
    %neg3A = arith.constant 0.000000e+00 : f32
    %neg3A_22 = vector.broadcast %neg3A : f32 to vector<1000x128xf32>
    %neg3A_23 = arith.subf %neg3A_22, %abs3A : vector<1000x128xf32>
    %exp3A = math.exp %neg3A_23 : vector<1000x128xf32>
    %log1p3A = math.log1p %exp3A : vector<1000x128xf32>
    %add3A_24 = arith.addf %max3A_18, %log1p3A : vector<1000x128xf32>
    %select_n3A = arith.select %ne3A, %add3A_21, %add3A_24 : vector<1000x128xi1>, vector<1000x128xf32>
    %log3A = arith.constant 2.000000e+00 : f32
    %log3A_25 = math.log %log3A : f32
    %sub3A_26 = vector.broadcast %log3A_25 : f32 to vector<1000x128xf32>
    %sub3A_27 = arith.subf %select_n3A, %sub3A_26 : vector<1000x128xf32>
    %get3A_28 = arith.constant 0 : index
    %get3A_29 = arith.constant 0 : index
    %get3A_30 = vector.load %arg6[%get3A_28, %get3A_29] : memref<128x128xf32, #tpu.memory_space<vmem>>, vector<128x128xf32>
    %dot_general3A_31 = arith.constant dense<0.000000e+00> : vector<1000x128xf32>
    %dot_general3A_32 = tpu.matmul %sub3A_27, %get3A_30, %dot_general3A_31 {dimension_numbers = #tpu.dot_dimension_numbers<[1], [0], [0], [1], [0, 0, 1, 1], [], []>, transpose_lhs_hint = false} : vector<1000x128xf32>, vector<128x128xf32>, vector<1000x128xf32> -> vector<1000x128xf32>
    %get3A_33 = arith.constant 0 : index
    %get3A_34 = arith.constant 0 : index
    %get3A_35 = vector.load %arg7[%get3A_33, %get3A_34] : memref<1x128xf32, #tpu.memory_space<vmem>>, vector<1x128xf32>
    %add3A_36 = vector.broadcast %get3A_35 : vector<1x128xf32> to vector<1000x128xf32>
    %add3A_37 = arith.addf %dot_general3A_32, %add3A_36 : vector<1000x128xf32>
    %get3A_38 = arith.constant 0 : index
    %get3A_39 = arith.constant 0 : index
    %get3A_40 = vector.load %arg3[%get3A_38, %get3A_39] : memref<1000x128xf32, #tpu.memory_space<vmem>>, vector<1000x128xf32>
    %add3A_41 = arith.addf %get3A_40, %add3A_37 : vector<1000x128xf32>
    %swap3A = arith.constant 0 : index
    %swap3A_42 = arith.constant 0 : index
    %swap3A_43 = vector.load %arg9[%swap3A, %swap3A_42] : memref<1000x128xf32, #tpu.memory_space<vmem>>, vector<1000x128xf32>
    tpu.vector_store %arg9[%swap3A, %swap3A_42], %add3A_41 {strides = array<i32>} : memref<1000x128xf32, #tpu.memory_space<vmem>>, vector<1000x128xf32>,
    %get3A_44 = arith.constant 0 : index
    %get3A_45 = arith.constant 0 : index
    %get3A_46 = vector.load %arg8[%get3A_44, %get3A_45] : memref<128x128xf32, #tpu.memory_space<vmem>>, vector<128x128xf32>
    %dot_general3A_47 = arith.constant dense<0.000000e+00> : vector<1000x128xf32>
    %dot_general3A_48 = tpu.matmul %add3A_41, %get3A_46, %dot_general3A_47 {dimension_numbers = #tpu.dot_dimension_numbers<[1], [0], [0], [1], [0, 0, 1, 1], [], []>, transpose_lhs_hint = false} : vector<1000x128xf32>, vector<128x128xf32>, vector<1000x128xf32> -> vector<1000x128xf32>
    %swap3A_49 = arith.constant 0 : index
    %swap3A_50 = arith.constant 0 : index
    %swap3A_51 = vector.load %arg10[%swap3A_49, %swap3A_50] : memref<1000x128xf32, #tpu.memory_space<vmem>>, vector<1000x128xf32>
    tpu.vector_store %arg10[%swap3A_49, %swap3A_50], %dot_general3A_48 {strides = array<i32>} : memref<1000x128xf32, #tpu.memory_space<vmem>>, vector<1000x128xf32>,
    return
  }
  func.func @transform_0(%arg0: i32) -> (i32, i32, i32) {
    %c0_i32 = arith.constant 0 : i32
    %c0_i32_0 = arith.constant 0 : i32
    %c0_i32_1 = arith.constant 0 : i32
    return %c0_i32, %arg0, %c0_i32_0 : i32, i32, i32
  }
  func.func @transform_1(%arg0: i32) -> (i32, i32, i32) {
    %c1_i32 = arith.constant 1 : i32
    %c0_i32 = arith.constant 0 : i32
    %c0_i32_0 = arith.constant 0 : i32
    return %c1_i32, %arg0, %c0_i32 : i32, i32, i32
  }
  func.func @transform_2(%arg0: i32) -> (i32, i32) {
    %c0_i32 = arith.constant 0 : i32
    %c0_i32_0 = arith.constant 0 : i32
    return %arg0, %c0_i32 : i32, i32
  }
  func.func @transform_3(%arg0: i32) -> (i32, i32) {
    %c0_i32 = arith.constant 0 : i32
    %c0_i32_0 = arith.constant 0 : i32
    %c0_i32_1 = arith.constant 0 : i32
    return %c0_i32, %c0_i32_0 : i32, i32
  }
  func.func @transform_4(%arg0: i32) -> (i32, i32) {
    %c0_i32 = arith.constant 0 : i32
    %c0_i32_0 = arith.constant 0 : i32
    %c0_i32_1 = arith.constant 0 : i32
    return %c0_i32, %c0_i32_0 : i32, i32
  }
  func.func @transform_5(%arg0: i32) -> (i32, i32) {
    %c0_i32 = arith.constant 0 : i32
    %c0_i32_0 = arith.constant 0 : i32
    %c0_i32_1 = arith.constant 0 : i32
    return %c0_i32, %c0_i32_0 : i32, i32
  }
  func.func @transform_6(%arg0: i32) -> (i32, i32) {
    %c0_i32 = arith.constant 0 : i32
    %c0_i32_0 = arith.constant 0 : i32
    %c0_i32_1 = arith.constant 0 : i32
    return %c0_i32, %c0_i32_0 : i32, i32
  }
  func.func @transform_7(%arg0: i32) -> (i32, i32) {
    %c0_i32 = arith.constant 0 : i32
    %c0_i32_0 = arith.constant 0 : i32
    %c0_i32_1 = arith.constant 0 : i32
    return %c0_i32, %c0_i32_0 : i32, i32
  }
  func.func @transform_8(%arg0: i32) -> (i32, i32) {
    %c0_i32 = arith.constant 0 : i32
    %c0_i32_0 = arith.constant 0 : i32
    return %arg0, %c0_i32 : i32, i32
  }
  func.func @transform_9(%arg0: i32) -> (i32, i32) {
    %c0_i32 = arith.constant 0 : i32
    %c0_i32_0 = arith.constant 0 : i32
    return %arg0, %c0_i32 : i32, i32
  }
}

module attributes {stable_mosaic.version = 14 : i64} {
  func.func @_tc_head_body(%arg0: i32, %arg1: memref<1000x128xf32, #tpu.memory_space<vmem>>, %arg2: memref<128x64xf32, #tpu.memory_space<vmem>>, %arg3: memref<1x64xf32, #tpu.memory_space<vmem>>, %arg4: memref<64x1xf32, #tpu.memory_space<vmem>>, %arg5: memref<1x1xf32, #tpu.memory_space<vmem>>, %arg6: memref<1x1xi32, #tpu.memory_space<vmem>>, %arg7: memref<2x1xf32, #tpu.memory_space<vmem>>) attributes {dimension_semantics = [#tpu.dimension_semantics<arbitrary>], iteration_bounds = array<i64: 10>, scalar_prefetch = 0 : i64, scratch_operands = 0 : i64, tpu.core_type = #tpu.core_type<tc>, window_params = [{transform_indices = @transform_0, window_bounds = array<i64: 1000, 128>}, {pipeline_mode = #tpu.pipeline_mode<synchronous>, transform_indices = @transform_1, window_bounds = array<i64: 128, 64>}, {pipeline_mode = #tpu.pipeline_mode<synchronous>, transform_indices = @transform_2, window_bounds = array<i64: 1, 64>}, {pipeline_mode = #tpu.pipeline_mode<synchronous>, transform_indices = @transform_3, window_bounds = array<i64: 64, 1>}, {pipeline_mode = #tpu.pipeline_mode<synchronous>, transform_indices = @transform_4, window_bounds = array<i64: 1, 1>}, {pipeline_mode = #tpu.pipeline_mode<synchronous>, transform_indices = @transform_5, window_bounds = array<i64: 1, 1>}, {pipeline_mode = #tpu.pipeline_mode<synchronous>, transform_indices = @transform_6, window_bounds = array<i64: 2, 1>}]} {
    %eq3A = arith.constant 0 : i32
    %eq3A_0 = arith.cmpi eq, %arg0, %eq3A : i32
    %convert_element_type3A = arith.extui %eq3A_0 : i1 to i32
    %cond3A = arith.constant 0 : i32
    %cond3A_1 = arith.cmpi ne, %convert_element_type3A, %cond3A : i32
    scf.if %cond3A_1 {
      %broadcast_in_dim3A_55 = arith.constant 0.000000e+00 : f32
      %broadcast_in_dim3A_56 = vector.broadcast %broadcast_in_dim3A_55 : f32 to vector<2x1xf32>
      %swap3A_57 = arith.constant 0 : index
      %swap3A_58 = arith.constant 0 : index
      %swap3A_59 = vector.load %arg7[%swap3A_57, %swap3A_58] : memref<2x1xf32, #tpu.memory_space<vmem>>, vector<2x1xf32>
      tpu.vector_store %arg7[%swap3A_57, %swap3A_58], %broadcast_in_dim3A_56 {strides = array<i32>} : memref<2x1xf32, #tpu.memory_space<vmem>>, vector<2x1xf32>,
    } else {
    }
    %get3A = arith.constant 0 : index
    %get3A_2 = arith.constant 0 : index
    %get3A_3 = vector.load %arg1[%get3A, %get3A_2] : memref<1000x128xf32, #tpu.memory_space<vmem>>, vector<1000x128xf32>
    %get3A_4 = arith.constant 0 : index
    %get3A_5 = arith.constant 0 : index
    %get3A_6 = vector.load %arg2[%get3A_4, %get3A_5] : memref<128x64xf32, #tpu.memory_space<vmem>>, vector<128x64xf32>
    %dot_general3A = arith.constant dense<0.000000e+00> : vector<1000x64xf32>
    %dot_general3A_7 = tpu.matmul %get3A_3, %get3A_6, %dot_general3A {dimension_numbers = #tpu.dot_dimension_numbers<[1], [0], [0], [1], [0, 0, 1, 1], [], []>, transpose_lhs_hint = false} : vector<1000x128xf32>, vector<128x64xf32>, vector<1000x64xf32> -> vector<1000x64xf32>
    %get3A_8 = arith.constant 0 : index
    %get3A_9 = arith.constant 0 : index
    %get3A_10 = vector.load %arg3[%get3A_8, %get3A_9] : memref<1x64xf32, #tpu.memory_space<vmem>>, vector<1x64xf32>
    %add3A = vector.broadcast %get3A_10 : vector<1x64xf32> to vector<1000x64xf32>
    %add3A_11 = arith.addf %dot_general3A_7, %add3A : vector<1000x64xf32>
    %custom_jvp_call3A = arith.constant 0.000000e+00 : f32
    %max3A = vector.broadcast %custom_jvp_call3A : f32 to vector<1000x64xf32>
    %max3A_12 = arith.maximumf %add3A_11, %max3A : vector<1000x64xf32>
    %sub3A = vector.broadcast %custom_jvp_call3A : f32 to vector<1000x64xf32>
    %sub3A_13 = arith.subf %add3A_11, %sub3A : vector<1000x64xf32>
    %ne3A = arith.cmpf one, %sub3A_13, %sub3A_13 : vector<1000x64xf32>
    %add3A_14 = vector.broadcast %custom_jvp_call3A : f32 to vector<1000x64xf32>
    %add3A_15 = arith.addf %add3A_11, %add3A_14 : vector<1000x64xf32>
    %abs3A = math.absf %sub3A_13 : vector<1000x64xf32>
    %neg3A = arith.constant 0.000000e+00 : f32
    %neg3A_16 = vector.broadcast %neg3A : f32 to vector<1000x64xf32>
    %neg3A_17 = arith.subf %neg3A_16, %abs3A : vector<1000x64xf32>
    %exp3A = math.exp %neg3A_17 : vector<1000x64xf32>
    %log1p3A = math.log1p %exp3A : vector<1000x64xf32>
    %add3A_18 = arith.addf %max3A_12, %log1p3A : vector<1000x64xf32>
    %select_n3A = arith.select %ne3A, %add3A_15, %add3A_18 : vector<1000x64xi1>, vector<1000x64xf32>
    %log3A = arith.constant 2.000000e+00 : f32
    %log3A_19 = math.log %log3A : f32
    %sub3A_20 = vector.broadcast %log3A_19 : f32 to vector<1000x64xf32>
    %sub3A_21 = arith.subf %select_n3A, %sub3A_20 : vector<1000x64xf32>
    %get3A_22 = arith.constant 0 : index
    %get3A_23 = arith.constant 0 : index
    %get3A_24 = vector.load %arg4[%get3A_22, %get3A_23] : memref<64x1xf32, #tpu.memory_space<vmem>>, vector<64x1xf32>
    %dot_general3A_25 = arith.constant dense<0.000000e+00> : vector<1000x1xf32>
    %dot_general3A_26 = tpu.matmul %sub3A_21, %get3A_24, %dot_general3A_25 {dimension_numbers = #tpu.dot_dimension_numbers<[1], [0], [0], [1], [0, 0, 1, 1], [], []>, transpose_lhs_hint = false} : vector<1000x64xf32>, vector<64x1xf32>, vector<1000x1xf32> -> vector<1000x1xf32>
    %mul3A = arith.constant 1000 : i32
    %mul3A_27 = arith.muli %arg0, %mul3A : i32
    %iota3A = tpu.iota {dimensions = array<i32: 0>} : vector<1000x1xi32>
    %add3A_28 = vector.broadcast %mul3A_27 : i32 to vector<1000x1xi32>
    %add3A_29 = arith.addi %add3A_28, %iota3A : vector<1000x1xi32>
    %get3A_30 = arith.constant 0 : index
    %get3A_31 = arith.constant 0 : index
    %get3A_32 = vector.load %arg6[%get3A_30, %get3A_31] : memref<1x1xi32, #tpu.memory_space<vmem>>, vector<1x1xi32>
    %get3A_33 = vector.extract %get3A_32[0, 0] : i32 from vector<1x1xi32>
    %lt3A = vector.broadcast %get3A_33 : i32 to vector<1000x1xi32>
    %lt3A_34 = arith.cmpi slt, %add3A_29, %lt3A : vector<1000x1xi32>
    %convert_element_type3A_35 = arith.extui %lt3A_34 : vector<1000x1xi1> to vector<1000x1xi32>
    %convert_element_type3A_36 = arith.sitofp %convert_element_type3A_35 : vector<1000x1xi32> to vector<1000x1xf32>
    %reduce_sum3A = vector.shape_cast %dot_general3A_26 : vector<1000x1xf32> to vector<1x1000x1xf32>
    %reduce_sum3A_37 = arith.constant dense<0.000000e+00> : vector<1xf32>
    %reduce_sum3A_38 = vector.multi_reduction <add>, %reduce_sum3A, %reduce_sum3A_37 [1, 2] : vector<1x1000x1xf32> to vector<1xf32>
    %reduce_sum3A_39 = vector.shape_cast %reduce_sum3A_38 : vector<1xf32> to vector<1x1x1xf32>
    %reduce_sum3A_40 = vector.extract %reduce_sum3A_39[0, 0, 0] : f32 from vector<1x1x1xf32>
    %mul3A_41 = arith.mulf %dot_general3A_26, %convert_element_type3A_36 : vector<1000x1xf32>
    %reduce_sum3A_42 = vector.shape_cast %mul3A_41 : vector<1000x1xf32> to vector<1x1000x1xf32>
    %reduce_sum3A_43 = arith.constant dense<0.000000e+00> : vector<1xf32>
    %reduce_sum3A_44 = vector.multi_reduction <add>, %reduce_sum3A_42, %reduce_sum3A_43 [1, 2] : vector<1x1000x1xf32> to vector<1xf32>
    %reduce_sum3A_45 = vector.shape_cast %reduce_sum3A_44 : vector<1xf32> to vector<1x1x1xf32>
    %reduce_sum3A_46 = vector.extract %reduce_sum3A_45[0, 0, 0] : f32 from vector<1x1x1xf32>
    %broadcast_in_dim3A = vector.broadcast %reduce_sum3A_46 : f32 to vector<1x1xf32>
    %sub3A_47 = arith.subf %reduce_sum3A_40, %reduce_sum3A_46 : f32
    %broadcast_in_dim3A_48 = vector.broadcast %sub3A_47 : f32 to vector<1x1xf32>
    %concatenate3A = tpu.concatenate %broadcast_in_dim3A, %broadcast_in_dim3A_48 in 0 : vector<1x1xf32>, vector<1x1xf32> -> vector<2x1xf32>
    %get3A_49 = arith.constant 0 : index
    %get3A_50 = arith.constant 0 : index
    %get3A_51 = vector.load %arg7[%get3A_49, %get3A_50] : memref<2x1xf32, #tpu.memory_space<vmem>>, vector<2x1xf32>
    %add3A_52 = arith.addf %get3A_51, %concatenate3A : vector<2x1xf32>
    %swap3A = arith.constant 0 : index
    %swap3A_53 = arith.constant 0 : index
    %swap3A_54 = vector.load %arg7[%swap3A, %swap3A_53] : memref<2x1xf32, #tpu.memory_space<vmem>>, vector<2x1xf32>
    tpu.vector_store %arg7[%swap3A, %swap3A_53], %add3A_52 {strides = array<i32>} : memref<2x1xf32, #tpu.memory_space<vmem>>, vector<2x1xf32>,
    return
  }
  func.func @transform_0(%arg0: i32) -> (i32, i32) {
    %c0_i32 = arith.constant 0 : i32
    %c0_i32_0 = arith.constant 0 : i32
    return %arg0, %c0_i32 : i32, i32
  }
  func.func @transform_1(%arg0: i32) -> (i32, i32) {
    %c0_i32 = arith.constant 0 : i32
    %c0_i32_0 = arith.constant 0 : i32
    %c0_i32_1 = arith.constant 0 : i32
    return %c0_i32, %c0_i32_0 : i32, i32
  }
  func.func @transform_2(%arg0: i32) -> (i32, i32) {
    %c0_i32 = arith.constant 0 : i32
    %c0_i32_0 = arith.constant 0 : i32
    %c0_i32_1 = arith.constant 0 : i32
    return %c0_i32, %c0_i32_0 : i32, i32
  }
  func.func @transform_3(%arg0: i32) -> (i32, i32) {
    %c0_i32 = arith.constant 0 : i32
    %c0_i32_0 = arith.constant 0 : i32
    %c0_i32_1 = arith.constant 0 : i32
    return %c0_i32, %c0_i32_0 : i32, i32
  }
  func.func @transform_4(%arg0: i32) -> (i32, i32) {
    %c0_i32 = arith.constant 0 : i32
    %c0_i32_0 = arith.constant 0 : i32
    %c0_i32_1 = arith.constant 0 : i32
    return %c0_i32, %c0_i32_0 : i32, i32
  }
  func.func @transform_5(%arg0: i32) -> (i32, i32) {
    %c0_i32 = arith.constant 0 : i32
    %c0_i32_0 = arith.constant 0 : i32
    %c0_i32_1 = arith.constant 0 : i32
    return %c0_i32, %c0_i32_0 : i32, i32
  }
  func.func @transform_6(%arg0: i32) -> (i32, i32) {
    %c0_i32 = arith.constant 0 : i32
    %c0_i32_0 = arith.constant 0 : i32
    %c0_i32_1 = arith.constant 0 : i32
    return %c0_i32, %c0_i32_0 : i32, i32
  }
}

</mosaic_0001>

<sc_bundles>
// kernel: kernel.12.cloned.1.call-start
scs
__scs_entry_jumppad:
0x0: {  	(pc) =	sbr.rel $0x88, $3  }
0x1: {  	(tag) =	ssettag $0x0;
	lr =	simm.s32 $0x1  }
0x2: {  	[smem:$0x3F8F] =	sst lr;
	_ =	strace $0xD0000000  }
0x3: {  	_ = 	snop  }
0x4: {  	_ = 	snop  }
0x5: {  	_ = 	snop  }
0x6: {  	_ = 	snop  }
0x7: {  	_ = 	snop  }
__scs_overlays_trampoline_lowered:
0x8: {  	[smem:$0x3F9E] =	sst s0  }
0x9: {  	[smem:$0x3F9F] =	sst s1  }
0xa: {  	[smem:$0x3FA0] =	sst s2  }
0xb: {  	[smem:$0x3FA1] =	sst s3  }
0xc: {  	[smem:$0x3FA2] =	sst s4  }
0xd: {  	[smem:$0x3FA3] =	sst s5  }
0xe: {  	[smem:$0x3FA4] =	sst s6  }
0xf: {  	[smem:$0x3FA5] =	sst s7  }
0x10: {  	[smem:$0x3FA6] =	sst s8  }
0x11: {  	[smem:$0x3FA7] =	sst s9;
	s0 =	simm.s32 @!p0 $0x0  }
0x12: {  	s1 =	sld [smem:$0x3F8D];
	s0 =	simm.s32 @p0 $0x1  }
0x13: {  	[smem:$0x3FA8] =	sst s0;
	s0 =	simm.s32 @!p1 $0x0  }
0x14: {  	s2 =	sld [smem:$0x3F8C];
	s0 =	simm.s32 @p1 $0x1  }
0x15: {  	[smem:$0x3FA9] =	sst s0;
	s0 =	simm.s32 @!p2 $0x0  }
0x16: {  	s3 =	sld [smem:$0x3FDB];
	s0 =	simm.s32 @p2 $0x1  }
0x17: {  	s4 =	simm.s32 $0x1BF5;
	[smem:$0x3FAB] =	sst s0  }
0x18: {  	s0 =	sld [smem:$0x3F8E];
	_ =	swait.ge [sflag:s4], $0x0  }
0x19: {  	s7 =	sld [smem:$0x3F8F]  }
0x1a: {  	s8 =	sadd.s32 $0xFFFFE003, lr  }
0x1b: {  	s9 =	sadd.s32 $0xFFFFFEF7, lr;
	s5 =	simm.s32 $0xFFFFFFFF;
	p2 =	slt.u32 s8, $0xFFFFF086  }
0x1c: {  	p1 =	slt.u32 s9, $0xF7A;
	s5 =	simm.s32 @!p2 $0x0  }
0x1d: {  	s5 =	simm.s32 @p1 $0x1;
	p0 =	seq.s32 s7, s2  }
0x1e: {  	s7 =	smul.u32 @!p0 $0xF7A, s2;
	p2 =	seq.s32 @!p0 s5, $0x0  }
0x1f: {  	s9 =	smul.u32 $0xF7A, s1;
	s8 =	simm.s32 @!p0 $0x1BF5;
	p2 =	por !p2, p0  }
0x20: {  	[sflag:s8] =	ssyncset.s32 @!p0 $0xFFFFF086;
	s6 =	sadd.s32 @!p0 s3, s7;
	s7 =	simm.s32 @!p0 $0x108  }
0x21: {  	s3 =	sadd.s32 s3, s9;
	s6 =	sadd.s32 @!p0 $0x88, s6;
	s7 =	simm.s32 @p2 $0x1082  }
0x22: {  	[simem:s7], [sflag:s8] =	dma.local @!p0 [hbm:s6], $0xF7A  }
0x23: {  	s9 =	sor.u32 $0xD0000000, s2;
	s6 =	simm.s32 $0x108;
	_ =	swait.ge @!p0 [sflag:s8], $0x0  }
0x24: {  	s3 =	sadd.s32 $0x88, s3;
	s6 =	simm.s32 @!p1 $0x1082;
	[sflag:s4] =	ssyncset.s32 $0xFFFFF086  }
0x25: {  	[simem:s6], [sflag:s4] =	dma.local [hbm:s3], $0xF7A  }
0x26: {  	[smem:$0x3F8F] =	sst s1;
	(tag) =	ssettag s2;
	_ =	strace s9  }
0x27: {  	s1 =	sld [smem:$0x3F9F]  }
0x28: {  	s2 =	sld [smem:$0x3FA0]  }
0x29: {  	s4 =	sld [smem:$0x3FA2]  }
0x2a: {  	p0 =	seq.s32 s5, $0x0;
	s5 =	sld [smem:$0x3FA3]  }
0x2b: {  	s6 =	sld [smem:$0x3FA4]  }
0x2c: {  	s7 =	sld [smem:$0x3FA5]  }
0x2d: {  	s3 =	simm.s32 $0x108;
	s8 =	sld [smem:$0x3FA6]  }
0x2e: {  	s3 =	simm.s32 @!p0 $0x1082;
	s9 =	sld [smem:$0x3FA7]  }
0x2f: {  	lr =	sadd.s32 s0, s3;
	s0 =	sld [smem:$0x3F9E]  }
0x30: {  	s3 =	sld [smem:$0x3FA1]  }
0x31: {  	[smem:$0x3FAA] =	sst s10  }
0x32: {  	s10 =	sld [smem:$0x3FA8];
	_ =	sdelay $0x3  }
0x33: {  	p0 =	seq.s32 s10, $0x1;
	s10 =	sld [smem:$0x3FAA];
	_ =	sdelay $0x3  }
0x34: {  	[smem:$0x3FAA] =	sst s10  }
0x35: {  	s10 =	sld [smem:$0x3FA9];
	_ =	sdelay $0x3  }
0x36: {  	p1 =	seq.s32 s10, $0x1;
	s10 =	sld [smem:$0x3FAA];
	_ =	sdelay $0x3  }
0x37: {  	[smem:$0x3FAA] =	sst s10  }
0x38: {  	s10 =	sld [smem:$0x3FAB]  }
0x39: {  	_ = 	snop;
	(pc) =	sbr.ind lr, $3  }
0x3a: {  	_ = 	snop  }
0x3b: {  	_ = 	snop  }
0x3c: {  	p2 =	seq.s32 s10, $0x1;
	s10 =	sld [smem:$0x3FAA]  }
0x3d: {  	_ =	shalt  }
0x3e: {  	_ =	shalt  }
0x3f: {  	_ =	shalt  }
0x40: {  	_ =	shalt  }
0x41: {  	_ =	shalt  }
0x42: {  	_ =	shalt  }
0x43: {  	_ =	shalt  }
0x44: {  	_ =	shalt  }
0x45: {  	_ =	shalt  }
0x46: {  	_ =	shalt  }
0x47: {  	_ =	shalt  }
0x48: {  	_ =	shalt  }
0x49: {  	_ =	shalt  }
0x4a: {  	_ =	shalt  }
0x4b: {  	_ =	shalt  }
0x4c: {  	_ =	shalt  }
0x4d: {  	_ =	shalt  }
0x4e: {  	_ =	shalt  }
0x4f: {  	_ =	shalt  }
0x50: {  	_ =	shalt  }
0x51: {  	_ =	shalt  }
0x52: {  	_ =	shalt  }
0x53: {  	_ =	shalt  }
0x54: {  	_ =	shalt  }
0x55: {  	_ =	shalt  }
0x56: {  	_ =	shalt  }
0x57: {  	_ =	shalt  }
0x58: {  	_ =	shalt  }
0x59: {  	_ =	shalt  }
0x5a: {  	_ =	shalt  }
0x5b: {  	_ =	shalt  }
0x5c: {  	_ =	shalt  }
0x5d: {  	_ =	shalt  }
0x5e: {  	_ =	shalt  }
0x5f: {  	_ =	shalt  }
0x60: {  	_ =	shalt  }
0x61: {  	_ =	shalt  }
0x62: {  	_ =	shalt  }
0x63: {  	_ =	shalt  }
0x64: {  	_ =	shalt  }
0x65: {  	_ =	shalt  }
0x66: {  	_ =	shalt  }
0x67: {  	_ =	shalt  }
0x68: {  	_ =	shalt  }
0x69: {  	_ =	shalt  }
0x6a: {  	_ =	shalt  }
0x6b: {  	_ =	shalt  }
0x6c: {  	_ =	shalt  }
0x6d: {  	_ =	shalt  }
0x6e: {  	_ =	shalt  }
0x6f: {  	_ =	shalt  }
0x70: {  	_ =	shalt  }
0x71: {  	_ =	shalt  }
0x72: {  	_ =	shalt  }
0x73: {  	_ =	shalt  }
0x74: {  	_ =	shalt  }
0x75: {  	_ =	shalt  }
0x76: {  	_ =	shalt  }
0x77: {  	_ =	shalt  }
0x78: {  	_ =	shalt  }
0x79: {  	_ =	shalt  }
0x7a: {  	_ =	shalt  }
0x7b: {  	_ =	shalt  }
0x7c: {  	_ =	shalt  }
0x7d: {  	_ =	shalt  }
0x7e: {  	_ =	shalt  }
0x7f: {  	_ =	shalt  }
0x80: {  	_ =	shalt  }
0x81: {  	_ =	shalt  }
0x82: {  	_ =	shalt  }
0x83: {  	_ =	shalt  }
0x84: {  	_ =	shalt  }
0x85: {  	_ =	shalt  }
0x86: {  	_ =	shalt  }
0x87: {  	_ =	shalt  }
.Lfunc_end0:
.L_simem_size_0:
called_computation_lowered:
.L_overlay_start_0:
0x88: {  	s2 =	sld [smem:$0x3FD9]  }
0x89: {  	s3 =	sld [smem:$0x3FFE];
	_ =	sdelay $0x1  }
0x8a: {  	s1 =	srdreg.scid  }
0x8b: {  	s0 =	sand.u32 $0x1, s1  }
0x8c: {  	s16 =	sshll.u32 s0, $0xA;
	s2 =	sadd.s32 s3, s2  }
0x8d: {  	s2 =	sadd.s32 s2, s16  }
0x8e: {  	[smem:$0x3FB6] =	sst s2  }
0x8f: {  	_ = 	snop  }
0x90: {  	(tm) =	ssettm $0x1  }
0x91: {  	s17 =	sld [smem:$0x3FFB];
	_ =	sdelay $0x3  }
0x92: {  	_ =	strace s17  }
0x93: {  	s2 =	sld [smem:$0x3FFC];
	_ =	sdelay $0x3  }
0x94: {  	_ =	strace s2  }
0x95: {  	s2 =	sld [smem:$0x3FFD];
	_ =	sdelay $0x3  }
0x96: {  	_ =	strace s2  }
0x97: {  	_ =	strace $0x8FFFFFFF  }
0x98: {  	s18 =	sld [smem:$0x3FDB];
	_ =	sdelay $0x1  }
0x99: {  	s19 =	simm.s32 $_scs_section_size  }
0x9a: {  	s4 =	simm.s32 $_size__tile_overlayer_lowered;
	s5 =	simm.s32 $_tile_overlayer_lowered  }
0x9b: {  	s22 =	simm.s32 $0x1BFF;
	s21 =	sshll.u32 s5, $0x1;
	s2 =	sadd.s32 s19, s18  }
0x9c: {  	s6 =	simm.s32 $0x0;
	s20 =	sshll.u32 s4, $0x1;
	s4 =	sadd.s32 s21, s2  }
0x9d: {  	[timem:s6], [sflag:s22] =	dma.local [hbm:s4], s20  }
0x9e: {  	_ =	swait.ge [sflag:s22], s20  }
0x9f: {  	s3 =	ssub.s32 $0x0, s20;
	[sflag:s22] =	ssyncset.done $0x0  }
0xa0: {  	[sflag:s22] =	ssyncadd.s32 s3;
	_ =	sdelay $0x1  }
0xa1: {  	s23 =	simm.s32 $0x1B8B  }
0xa2: {  	_ =	swait.ge [sflag:s23], $0x1  }
0xa3: {  	[sflag:s23] =	ssyncset.done $0x0  }
0xa4: {  	s25 =	simm.s32 $0x1B8E;
	s24 =	sld [smem:$0x3FFE];
	[sflag:s23] =	ssyncadd.s32 $0xFFFFFFFF  }
0xa5: {  	s26 =	simm.s32 $execute0_lowered;
	[smem:$0x3FD2] =	sst s25  }
0xa6: {  	s4 =	sshll.u32 s26, $0x1;
	_ =	strace $0x80000046;
	[dreg:$0x1] =	wrdreg $0xFFFFFFFF  }
0xa7: {  	s28 =	simm.s32 $_size_execute0_lowered;
	s2 =	sadd.s32 s2, s4;
	[dreg:$0x0] =	wrdreg $0x0  }
0xa8: {  	s4 =	sshll.u32 s28, $0x1;
	[dreg:$0x2] =	wrdreg s2  }
0xa9: {  	[dreg:$0x3] =	wrdreg s4  }
0xaa: {  	[dreg:$0x4] =	wrdreg $0xC0  }
0xab: {  	_ =	task [dreg:s6], $0x5FFFF  }
0xac: {  	[dreg:$0x1] =	wrdreg $0xFFFFFFFF  }
0xad: {  	[dreg:$0x0] =	wrdreg $0x60  }
0xae: {  	[dreg:$0x2] =	wrdreg s24  }
0xaf: {  	[dreg:$0x3] =	wrdreg $0x9  }
0xb0: {  	_ =	task.clear_ibuf [dreg:s6], $0x4FFFF;
	_ =	strace $0x90000046  }
0xb1: {  	s29 =	simm.s32 $0x9;
	_ =	strace $0x80000048  }
0xb2: {  	_ =	swait.ge [sflag:s29], $0x1  }
0xb3: {  	[sflag:s29] =	ssyncadd.s32 $0xFFFFFFFF  }
0xb4: {  	_ =	strace $0x90000048  }
0xb5: {  	_ =	sfence  }
0xb6: {  	s30 =	sld [smem:$0x0];
	_ =	sdelay $0x2  }
0xb7: {  	s31 =	sshll.u32 s1, $0xD;
	s1 =	sshrl.u32 s1, $0x2  }
0xb8: {  	s3 =	sand.u32 $0x4000, s31;
	s1 =	sadd.s32 s1, s30  }
0xb9: {  	s0 =	sor.u32 s3, s0;
	s1 =	sshll.u32 s1, $0x11  }
0xba: {  	s0 =	sor.u32 s1, s0  }
0xbb: {  	s0 =	sadd.s32 $0x8F2B, s0  }
0xbc: {  	[sflag:s0] =	ssyncadd.remote.s32 $0x1  }
0xbd: {  	_ =	sfence.sel $0xFFFF  }
0xbe: {  	[dreg:$0x0] =	wrdreg $0xFFFFFFFF;
	(pc) =	sbr.abs _section_cstart, $3  }
0xbf: {  	[dreg:$0x1] =	wrdreg $0xFFFFFFFF  }
0xc0: {  	_ =	task.clear_ibuf [dreg:s6], $0x2FFFF;
	_ =	strace $0x9FFFFFFF  }
0xc1: {  	(tm) =	ssettm $0x7FFFFFFF  }
tec
execute0_lowered:
.L_overlay_start_1:
0x0: {  	(tag) =	ssettag $0x1  }
0x1: {  	s8 =	rddreg [dreg:$0x0]  }
0x2: {  	s0 =	rddreg [dreg:$0x1];
	s1 =	simm.s32 $0x0;
	s5 =	srdreg.scid  }
0x3: {  	s12 =	simm.s32 $0x2780;
	s13 =	simm.s32 $0x4F00;
	s14 =	simm.s32 $0x7680  }
0x4: {  	s15 =	simm.s32 $0x7E80;
	s16 =	simm.s32 $0x8680;
	s17 =	simm.s32 $0x0  }
0x5: {  	[smem:$0x7FF] =	sst s1;
	s2 =	sadd.s32 $0x19800, s8;
	s3 =	sadd.s32 $0x19200, s8  }
0x6: {  	s4 =	sadd.s32 $0x18C00, s8;
	s9 =	sand.u32 $0x1, s5;
	s6 =	sadd.s32 $0xEE00, s8  }
0x7: {  	s7 =	sadd.s32 $0x5000, s8;
	s5 =	stileid.u32;
	s10 =	ssub.s32 $0x2, s9  }
0x8: {  	s8 =	sadd.s32 $0x19E00, s8;
	s9 =	sshll.u32 s9, $0x4;
	s11 =	sshrl.u32 s10, $0x1  }
0x9: {  	_ =	strace $0x80000047;
	s9 =	sor.u32 s5, s9;
	s10 =	ssub.s32 s10, s11  }
0xa: {  	s9 =	smul.u32 $0x2710, s9;
	s11 =	simm.s32 $0x1;
	s10 =	smax.u32 s10, $0x1  }
.LBB2_1:
0xb: {  	[tilespmem:s1], [sflag:$0x1] =	stream.linear.gather [hbm4b:s2+s1], $0x2780, $0x38;
	[tilespmem:$0x8E80] =	vst v63  }
0xc: {  	_ =	swait.ge [sflag:s11], $0x2780  }
0xd: {  	[sflag:s11] =	ssyncset.done $0x0  }
0xe: {  	[sflag:s11] =	ssyncadd.s32 $0xFFFFD880  }
0xf: {  	[tilespmem:s12], [sflag:$0x1] =	stream.linear.gather [hbm4b:s3+s1], $0x2780, $0x38;
	[tilespmem:$0x8E80] =	vst v63  }
0x10: {  	_ =	swait.ge [sflag:s11], $0x2780  }
0x11: {  	[sflag:s11] =	ssyncset.done $0x0  }
0x12: {  	[sflag:s11] =	ssyncadd.s32 $0xFFFFD880  }
0x13: {  	[tilespmem:s13], [sflag:$0x1] =	stream.linear.gather [hbm4b:s4+s1], $0x2780, $0x38;
	[tilespmem:$0x8E80] =	vst v63  }
0x14: {  	_ =	swait.ge [sflag:s11], $0x2780  }
0x15: {  	[sflag:s11] =	ssyncset.done $0x0  }
0x16: {  	s18 =	simm.s32 $0x0;
	[sflag:s11] =	ssyncadd.s32 $0xFFFFD880  }
.LBB2_2:
0x17: {  	s19 =	smul.u32 $0x7D0, s18;
	_ =	sdelay $0x1  }
0x18: {  	s19 =	sadd.s32 s9, s19  }
0x19: {  	s19 =	sshrl.u32 s19, $0x3  }
0x1a: {  	s21 =	simm.s32 $0x0;
	s20 =	sadd.s32 s6, s19  }
0x1b: {  	[tilespmem:s14], [sflag:$0x1] =	stream.linear.gather [hbm4b:s20+s21], $0x7D0, $0x38;
	[tilespmem:$0x8E80] =	vst v63  }
0x1c: {  	_ =	swait.ge [sflag:s11], $0x7D0  }
0x1d: {  	[sflag:s11] =	ssyncset.done $0x0  }
0x1e: {  	s31 =	sadd.s32 s7, s19;
	[sflag:s11] =	ssyncadd.s32 $0xFFFFF830  }
0x1f: {  	[tilespmem:s15], [sflag:$0x1] =	stream.linear.gather [hbm4b:s31+s21], $0x7D0, $0x38;
	[tilespmem:$0x8E80] =	vst v63  }
0x20: {  	_ =	swait.ge [sflag:s11], $0x7D0  }
0x21: {  	[sflag:s11] =	ssyncset.done $0x0  }
0x22: {  	s20 =	simm.s32 $0x0;
	[sflag:s11] =	ssyncadd.s32 $0xFFFFF830  }
0x23: {  	v0 =	vld [tilespmem:s20+$0x7680]  }
0x24: {  	v1 =	vld [tilespmem:s20+$0x7E80];
	_ =	sdelay $0x6  }
0x25: {  	v2 =	vld.idx.msk [tilespmem:v0+s1+$0x0], $0xffff  }
0x26: {  	v3 =	vld.idx.msk [tilespmem:v1+s1+$0x0], $0xffff  }
0x27: {  	v4 =	vld.idx.msk [tilespmem:v1+s12+$0x0], $0xffff  }
0x28: {  	v5 =	vld.idx.msk [tilespmem:v0+s12+$0x0], $0xffff  }
0x29: {  	v6 =	vld.idx.msk [tilespmem:v1+s13+$0x0], $0xffff  }
0x2a: {  	v7 =	vld.idx.msk [tilespmem:v0+s13+$0x0], $0xffff;
	_ =	sdelay $0x2  }
0x2b: {  	s21 =	simm.s32 $0x10;
	v3 =	vsub.f32 v3, v2;
	v4 =	vsub.f32 v4, v5  }
0x2c: {  	v0 =	vld [tilespmem:s21+$0x7680]  }
0x2d: {  	v1 =	vld [tilespmem:s21+$0x7E80];
	v2 =	vsub.f32 v6, v7;
	v3 =	vmul.f32 v3, v3;
	v4 =	vmul.f32 v4, v4  }
0x2e: {  	s22 =	simm.s32 $0x80  }
.LBB2_3:
0x2f: {  	p0 =	sne.s32 s22, $0x1F00;
	v3 =	vadd.f32 v4, v3;
	v2 =	vmul.f32 v2, v2;
	_ =	sdelay $0x1  }
0x30: {  	v2 =	vadd.f32 v2, v3;
	_ =	sdelay $0x1  }
0x31: {  	[tilespmem:s20+$0x8680] =	vst v2;
	s20 =	smov.u32 s21  }
0x32: {  	v2 =	vld.idx.msk [tilespmem:v0+s1+$0x0], $0xffff  }
0x33: {  	v3 =	vld.idx.msk [tilespmem:v1+s1+$0x0], $0xffff  }
0x34: {  	v4 =	vld.idx.msk [tilespmem:v1+s12+$0x0], $0xffff  }
0x35: {  	v5 =	vld.idx.msk [tilespmem:v0+s12+$0x0], $0xffff  }
0x36: {  	v6 =	vld.idx.msk [tilespmem:v1+s13+$0x0], $0xffff  }
0x37: {  	v7 =	vld.idx.msk [tilespmem:v0+s13+$0x0], $0xffff;
	_ =	sdelay $0x2  }
.Ltmp0:
0x38: {  	(pc) =	sbr.rel @p0 .LBB2_3-.Ltmp0, $4  }
0x39: {  	s21 =	sshra.s32 s22, $0x2;
	v3 =	vsub.f32 v3, v2;
	v4 =	vsub.f32 v4, v5  }
0x3a: {  	v0 =	vld [tilespmem:s21+$0x7680]  }
0x3b: {  	v3 =	vmul.f32 v3, v3;
	v2 =	vsub.f32 v6, v7;
	v4 =	vmul.f32 v4, v4;
	v1 =	vld [tilespmem:s21+$0x7E80]  }
0x3c: {  	s22 =	sadd.s32 $0x40, s22  }
0x3d: {  	_ = 	snop  }
0x3e: {  	v3 =	vadd.f32 v4, v3;
	v2 =	vmul.f32 v2, v2;
	_ =	sdelay $0x1  }
0x3f: {  	v2 =	vadd.f32 v2, v3;
	_ =	sdelay $0x1  }
0x40: {  	[tilespmem:s20+$0x8680] =	vst v2  }
0x41: {  	v2 =	vld.idx.msk [tilespmem:v0+s1+$0x0], $0xffff  }
0x42: {  	v57 =	vld.idx.msk [tilespmem:v1+s1+$0x0], $0xffff  }
0x43: {  	v58 =	vld.idx.msk [tilespmem:v1+s12+$0x0], $0xffff  }
0x44: {  	v5 =	vld.idx.msk [tilespmem:v0+s12+$0x0], $0xffff  }
0x45: {  	v59 =	vld.idx.msk [tilespmem:v1+s13+$0x0], $0xffff  }
0x46: {  	v60 =	vld.idx.msk [tilespmem:v0+s13+$0x0], $0xffff;
	_ =	sdelay $0x2  }
0x47: {  	v2 =	vsub.f32 v57, v2;
	v61 =	vsub.f32 v58, v5;
	_ =	sdelay $0x1  }
0x48: {  	v0 =	vsub.f32 v59, v60;
	v62 =	vmul.f32 v2, v2;
	v63 =	vmul.f32 v61, v61;
	_ =	sdelay $0x1  }
0x49: {  	v0 =	vmul.f32 v0, v0;
	v1 =	vadd.f32 v63, v62;
	_ =	sdelay $0x1  }
0x4a: {  	s18 =	sadd.s32 $0x1, s18;
	v0 =	vadd.f32 v0, v1  }
0x4b: {  	p0 =	sne.s32 s18, $0x5  }
.Ltmp1:
0x4c: {  	s19 =	sadd.s32 s8, s19;
	[tilespmem:s21+$0x8680] =	vst v0;
	(pc) =	sbr.rel @p0 .LBB2_2-.Ltmp1, $4  }
0x4d: {  	[hbm4b:s19+s1] =	stream.linear.scatter [tilespmem:s16], [sflag:$0x1], $0x7D0, $0x38;
	[tilespmem:$0x8E80] =	vst v63  }
0x4e: {  	_ =	swait.ge [sflag:s11], $0x7D0  }
0x4f: {  	[sflag:s11] =	ssyncset.done $0x0  }
0x50: {  	[sflag:s11] =	ssyncadd.s32 $0xFFFFF830  }
0x51: {  	s17 =	sadd.s32 $0x1, s17  }
0x52: {  	p0 =	sne.s32 s17, s10  }
.Ltmp2:
0x53: {  	_ = 	snop;
	(pc) =	sbr.rel @p0 .LBB2_1-.Ltmp2, $1  }
0x54: {  	_ =	sdelay $0x3  }
0x55: {  	_ =	sfence.sel $0x180000  }
0x56: {  	[bflag:$0x0] =	sbarrier.arrive $0xFFFF  }
0x57: {  	p0 =	sne.s32 s5, $0x0;
	_ =	strace $0x90000047  }
0x58: {  	s0 =	sadd.s32 @!p0 $0x100000, s0;
	[bflag:$0x2] =	sbarrier.arrive $0xFFFF  }
0x59: {  	[sflag:s0] =	ssyncadd.tile.s32 @!p0 $0x1;
	_ =	shalt  }
.Lfunc_end2:
_tile_overlayer_lowered:
.L_overlay_start_2:
0x5a: {  	(tag) =	ssettag $0x2  }
0x5b: {  	s0 =	rddreg [dreg:$0x0];
	s2 =	stileid.u32  }
0x5c: {  	s1 =	rddreg [dreg:$0x1];
	p0 =	sne.s32 s2, $0x0  }
0x5d: {  	s3 =	rddreg [dreg:$0x2];
	[bflag:$0x3] =	sbarrier.arrive $0xFFFF;
	s2 =	simm.s32 @!p0 $0x1C01  }
0x5e: {  	[timem:s3], [sflag:s2] =	dma.local @!p0 [hbm:s0], s1  }
0x5f: {  	s0 =	simm.s32 @!p0 $0x1  }
0x60: {  	_ =	swait.ge @!p0 [sflag:s0], s1  }
0x61: {  	s1 =	ssub.s32 @!p0 $0x0, s1;
	[sflag:s0] =	ssyncset.done @!p0 $0x0  }
0x62: {  	[sflag:s0] =	ssyncadd.s32 @!p0 s1  }
0x63: {  	[bflag:$0x3] =	sbarrier.arrive $0xFFFF  }
0x64: {  	_ =	shalt  }

// kernel: kernel.15.cloned.1.call-start
scs
__scs_entry_jumppad:
0x0: {  	(pc) =	sbr.rel $0x88, $3  }
0x1: {  	(tag) =	ssettag $0x0;
	lr =	simm.s32 $0x1  }
0x2: {  	[smem:$0x3F8F] =	sst lr;
	_ =	strace $0xD0000000  }
0x3: {  	_ = 	snop  }
0x4: {  	_ = 	snop  }
0x5: {  	_ = 	snop  }
0x6: {  	_ = 	snop  }
0x7: {  	_ = 	snop  }
__scs_overlays_trampoline_lowered:
0x8: {  	[smem:$0x3F9E] =	sst s0  }
0x9: {  	[smem:$0x3F9F] =	sst s1  }
0xa: {  	[smem:$0x3FA0] =	sst s2  }
0xb: {  	[smem:$0x3FA1] =	sst s3  }
0xc: {  	[smem:$0x3FA2] =	sst s4  }
0xd: {  	[smem:$0x3FA3] =	sst s5  }
0xe: {  	[smem:$0x3FA4] =	sst s6  }
0xf: {  	[smem:$0x3FA5] =	sst s7  }
0x10: {  	[smem:$0x3FA6] =	sst s8  }
0x11: {  	[smem:$0x3FA7] =	sst s9;
	s0 =	simm.s32 @!p0 $0x0  }
0x12: {  	s1 =	sld [smem:$0x3F8D];
	s0 =	simm.s32 @p0 $0x1  }
0x13: {  	[smem:$0x3FA8] =	sst s0;
	s0 =	simm.s32 @!p1 $0x0  }
0x14: {  	s2 =	sld [smem:$0x3F8C];
	s0 =	simm.s32 @p1 $0x1  }
0x15: {  	[smem:$0x3FA9] =	sst s0;
	s0 =	simm.s32 @!p2 $0x0  }
0x16: {  	s3 =	sld [smem:$0x3FDB];
	s0 =	simm.s32 @p2 $0x1  }
0x17: {  	s4 =	simm.s32 $0x1BF5;
	[smem:$0x3FAB] =	sst s0  }
0x18: {  	s0 =	sld [smem:$0x3F8E];
	_ =	swait.ge [sflag:s4], $0x0  }
0x19: {  	s7 =	sld [smem:$0x3F8F]  }
0x1a: {  	s8 =	sadd.s32 $0xFFFFE003, lr  }
0x1b: {  	s9 =	sadd.s32 $0xFFFFFEF7, lr;
	s5 =	simm.s32 $0xFFFFFFFF;
	p2 =	slt.u32 s8, $0xFFFFF086  }
0x1c: {  	p1 =	slt.u32 s9, $0xF7A;
	s5 =	simm.s32 @!p2 $0x0  }
0x1d: {  	s5 =	simm.s32 @p1 $0x1;
	p0 =	seq.s32 s7, s2  }
0x1e: {  	s7 =	smul.u32 @!p0 $0xF7A, s2;
	p2 =	seq.s32 @!p0 s5, $0x0  }
0x1f: {  	s9 =	smul.u32 $0xF7A, s1;
	s8 =	simm.s32 @!p0 $0x1BF5;
	p2 =	por !p2, p0  }
0x20: {  	[sflag:s8] =	ssyncset.s32 @!p0 $0xFFFFF086;
	s6 =	sadd.s32 @!p0 s3, s7;
	s7 =	simm.s32 @!p0 $0x108  }
0x21: {  	s3 =	sadd.s32 s3, s9;
	s6 =	sadd.s32 @!p0 $0x88, s6;
	s7 =	simm.s32 @p2 $0x1082  }
0x22: {  	[simem:s7], [sflag:s8] =	dma.local @!p0 [hbm:s6], $0xF7A  }
0x23: {  	s9 =	sor.u32 $0xD0000000, s2;
	s6 =	simm.s32 $0x108;
	_ =	swait.ge @!p0 [sflag:s8], $0x0  }
0x24: {  	s3 =	sadd.s32 $0x88, s3;
	s6 =	simm.s32 @!p1 $0x1082;
	[sflag:s4] =	ssyncset.s32 $0xFFFFF086  }
0x25: {  	[simem:s6], [sflag:s4] =	dma.local [hbm:s3], $0xF7A  }
0x26: {  	[smem:$0x3F8F] =	sst s1;
	(tag) =	ssettag s2;
	_ =	strace s9  }
0x27: {  	s1 =	sld [smem:$0x3F9F]  }
0x28: {  	s2 =	sld [smem:$0x3FA0]  }
0x29: {  	s4 =	sld [smem:$0x3FA2]  }
0x2a: {  	p0 =	seq.s32 s5, $0x0;
	s5 =	sld [smem:$0x3FA3]  }
0x2b: {  	s6 =	sld [smem:$0x3FA4]  }
0x2c: {  	s7 =	sld [smem:$0x3FA5]  }
0x2d: {  	s3 =	simm.s32 $0x108;
	s8 =	sld [smem:$0x3FA6]  }
0x2e: {  	s3 =	simm.s32 @!p0 $0x1082;
	s9 =	sld [smem:$0x3FA7]  }
0x2f: {  	lr =	sadd.s32 s0, s3;
	s0 =	sld [smem:$0x3F9E]  }
0x30: {  	s3 =	sld [smem:$0x3FA1]  }
0x31: {  	[smem:$0x3FAA] =	sst s10  }
0x32: {  	s10 =	sld [smem:$0x3FA8];
	_ =	sdelay $0x3  }
0x33: {  	p0 =	seq.s32 s10, $0x1;
	s10 =	sld [smem:$0x3FAA];
	_ =	sdelay $0x3  }
0x34: {  	[smem:$0x3FAA] =	sst s10  }
0x35: {  	s10 =	sld [smem:$0x3FA9];
	_ =	sdelay $0x3  }
0x36: {  	p1 =	seq.s32 s10, $0x1;
	s10 =	sld [smem:$0x3FAA];
	_ =	sdelay $0x3  }
0x37: {  	[smem:$0x3FAA] =	sst s10  }
0x38: {  	s10 =	sld [smem:$0x3FAB]  }
0x39: {  	_ = 	snop;
	(pc) =	sbr.ind lr, $3  }
0x3a: {  	_ = 	snop  }
0x3b: {  	_ = 	snop  }
0x3c: {  	p2 =	seq.s32 s10, $0x1;
	s10 =	sld [smem:$0x3FAA]  }
0x3d: {  	_ =	shalt  }
0x3e: {  	_ =	shalt  }
0x3f: {  	_ =	shalt  }
0x40: {  	_ =	shalt  }
0x41: {  	_ =	shalt  }
0x42: {  	_ =	shalt  }
0x43: {  	_ =	shalt  }
0x44: {  	_ =	shalt  }
0x45: {  	_ =	shalt  }
0x46: {  	_ =	shalt  }
0x47: {  	_ =	shalt  }
0x48: {  	_ =	shalt  }
0x49: {  	_ =	shalt  }
0x4a: {  	_ =	shalt  }
0x4b: {  	_ =	shalt  }
0x4c: {  	_ =	shalt  }
0x4d: {  	_ =	shalt  }
0x4e: {  	_ =	shalt  }
0x4f: {  	_ =	shalt  }
0x50: {  	_ =	shalt  }
0x51: {  	_ =	shalt  }
0x52: {  	_ =	shalt  }
0x53: {  	_ =	shalt  }
0x54: {  	_ =	shalt  }
0x55: {  	_ =	shalt  }
0x56: {  	_ =	shalt  }
0x57: {  	_ =	shalt  }
0x58: {  	_ =	shalt  }
0x59: {  	_ =	shalt  }
0x5a: {  	_ =	shalt  }
0x5b: {  	_ =	shalt  }
0x5c: {  	_ =	shalt  }
0x5d: {  	_ =	shalt  }
0x5e: {  	_ =	shalt  }
0x5f: {  	_ =	shalt  }
0x60: {  	_ =	shalt  }
0x61: {  	_ =	shalt  }
0x62: {  	_ =	shalt  }
0x63: {  	_ =	shalt  }
0x64: {  	_ =	shalt  }
0x65: {  	_ =	shalt  }
0x66: {  	_ =	shalt  }
0x67: {  	_ =	shalt  }
0x68: {  	_ =	shalt  }
0x69: {  	_ =	shalt  }
0x6a: {  	_ =	shalt  }
0x6b: {  	_ =	shalt  }
0x6c: {  	_ =	shalt  }
0x6d: {  	_ =	shalt  }
0x6e: {  	_ =	shalt  }
0x6f: {  	_ =	shalt  }
0x70: {  	_ =	shalt  }
0x71: {  	_ =	shalt  }
0x72: {  	_ =	shalt  }
0x73: {  	_ =	shalt  }
0x74: {  	_ =	shalt  }
0x75: {  	_ =	shalt  }
0x76: {  	_ =	shalt  }
0x77: {  	_ =	shalt  }
0x78: {  	_ =	shalt  }
0x79: {  	_ =	shalt  }
0x7a: {  	_ =	shalt  }
0x7b: {  	_ =	shalt  }
0x7c: {  	_ =	shalt  }
0x7d: {  	_ =	shalt  }
0x7e: {  	_ =	shalt  }
0x7f: {  	_ =	shalt  }
0x80: {  	_ =	shalt  }
0x81: {  	_ =	shalt  }
0x82: {  	_ =	shalt  }
0x83: {  	_ =	shalt  }
0x84: {  	_ =	shalt  }
0x85: {  	_ =	shalt  }
0x86: {  	_ =	shalt  }
0x87: {  	_ =	shalt  }
.Lfunc_end0:
.L_simem_size_0:
called_computation.1_lowered:
.L_overlay_start_0:
0x88: {  	s2 =	sld [smem:$0x3FD9]  }
0x89: {  	s3 =	sld [smem:$0x3FFE];
	_ =	sdelay $0x1  }
0x8a: {  	s1 =	srdreg.scid  }
0x8b: {  	s0 =	sand.u32 $0x1, s1  }
0x8c: {  	s16 =	sshll.u32 s0, $0xA;
	s2 =	sadd.s32 s3, s2  }
0x8d: {  	s2 =	sadd.s32 s2, s16  }
0x8e: {  	[smem:$0x3FB6] =	sst s2  }
0x8f: {  	_ = 	snop  }
0x90: {  	(tm) =	ssettm $0x1  }
0x91: {  	s17 =	sld [smem:$0x3FFB];
	_ =	sdelay $0x3  }
0x92: {  	_ =	strace s17  }
0x93: {  	s2 =	sld [smem:$0x3FFC];
	_ =	sdelay $0x3  }
0x94: {  	_ =	strace s2  }
0x95: {  	s2 =	sld [smem:$0x3FFD];
	_ =	sdelay $0x3  }
0x96: {  	_ =	strace s2  }
0x97: {  	_ =	strace $0x8FFFFFFF  }
0x98: {  	s18 =	sld [smem:$0x3FDB];
	_ =	sdelay $0x1  }
0x99: {  	s19 =	simm.s32 $_scs_section_size  }
0x9a: {  	s4 =	simm.s32 $_size__tile_overlayer_lowered;
	s5 =	simm.s32 $_tile_overlayer_lowered  }
0x9b: {  	s22 =	simm.s32 $0x1BFF;
	s21 =	sshll.u32 s5, $0x1;
	s2 =	sadd.s32 s19, s18  }
0x9c: {  	s6 =	simm.s32 $0x0;
	s20 =	sshll.u32 s4, $0x1;
	s4 =	sadd.s32 s21, s2  }
0x9d: {  	[timem:s6], [sflag:s22] =	dma.local [hbm:s4], s20  }
0x9e: {  	_ =	swait.ge [sflag:s22], s20  }
0x9f: {  	s3 =	ssub.s32 $0x0, s20;
	[sflag:s22] =	ssyncset.done $0x0  }
0xa0: {  	[sflag:s22] =	ssyncadd.s32 s3;
	_ =	sdelay $0x1  }
0xa1: {  	s23 =	simm.s32 $0x1B8B  }
0xa2: {  	_ =	swait.ge [sflag:s23], $0x1  }
0xa3: {  	[sflag:s23] =	ssyncset.done $0x0  }
0xa4: {  	s25 =	simm.s32 $0x1B8E;
	s24 =	sld [smem:$0x3FFE];
	[sflag:s23] =	ssyncadd.s32 $0xFFFFFFFF  }
0xa5: {  	s26 =	simm.s32 $execute0_lowered;
	[smem:$0x3FD2] =	sst s25  }
0xa6: {  	s4 =	sshll.u32 s26, $0x1;
	_ =	strace $0x80000049;
	[dreg:$0x1] =	wrdreg $0xFFFFFFFF  }
0xa7: {  	s28 =	simm.s32 $_size_execute0_lowered;
	s2 =	sadd.s32 s2, s4;
	[dreg:$0x0] =	wrdreg $0x0  }
0xa8: {  	s4 =	sshll.u32 s28, $0x1;
	[dreg:$0x2] =	wrdreg s2  }
0xa9: {  	[dreg:$0x3] =	wrdreg s4  }
0xaa: {  	[dreg:$0x4] =	wrdreg $0xC0  }
0xab: {  	_ =	task [dreg:s6], $0x5FFFF  }
0xac: {  	[dreg:$0x1] =	wrdreg $0xFFFFFFFF  }
0xad: {  	[dreg:$0x0] =	wrdreg $0x60  }
0xae: {  	[dreg:$0x2] =	wrdreg s24  }
0xaf: {  	[dreg:$0x3] =	wrdreg $0x51000  }
0xb0: {  	[dreg:$0x4] =	wrdreg $0x9  }
0xb1: {  	_ =	task.clear_ibuf [dreg:s6], $0x5FFFF;
	_ =	strace $0x90000049  }
0xb2: {  	s29 =	simm.s32 $0x9;
	_ =	strace $0x8000004B  }
0xb3: {  	_ =	swait.ge [sflag:s29], $0x1  }
0xb4: {  	[sflag:s29] =	ssyncadd.s32 $0xFFFFFFFF  }
0xb5: {  	_ =	strace $0x9000004B  }
0xb6: {  	_ =	sfence  }
0xb7: {  	s30 =	sld [smem:$0x0];
	_ =	sdelay $0x2  }
0xb8: {  	s31 =	sshll.u32 s1, $0xD;
	s1 =	sshrl.u32 s1, $0x2  }
0xb9: {  	s3 =	sand.u32 $0x4000, s31;
	s1 =	sadd.s32 s1, s30  }
0xba: {  	s0 =	sor.u32 s3, s0;
	s1 =	sshll.u32 s1, $0x11  }
0xbb: {  	s0 =	sor.u32 s1, s0  }
0xbc: {  	s0 =	sadd.s32 $0x8F2B, s0  }
0xbd: {  	[sflag:s0] =	ssyncadd.remote.s32 $0x1  }
0xbe: {  	_ =	sfence.sel $0xFFFF  }
0xbf: {  	[dreg:$0x0] =	wrdreg $0xFFFFFFFF;
	(pc) =	sbr.abs _section_cstart, $3  }
0xc0: {  	[dreg:$0x1] =	wrdreg $0xFFFFFFFF  }
0xc1: {  	_ =	task.clear_ibuf [dreg:s6], $0x2FFFF;
	_ =	strace $0x9FFFFFFF  }
0xc2: {  	(tm) =	ssettm $0x7FFFFFFF  }
0xc3: {  	_ =	shalt  }
tec
execute0_lowered:
.L_overlay_start_1:
0x0: {  	(tag) =	ssettag $0x1  }
0x1: {  	s8 =	rddreg [dreg:$0x0]  }
0x2: {  	s1 =	rddreg [dreg:$0x1]  }
0x3: {  	s0 =	rddreg [dreg:$0x2]  }
0x4: {  	s2 =	simm.s32 $0x0;
	s9 =	srdreg.scid;
	s19 =	stileid.u32  }
0x5: {  	s15 =	simm.s32 $0x50;
	s16 =	simm.s32 $0x2900;
	s17 =	simm.s32 $0x100  }
0x6: {  	s18 =	simm.s32 $0x1;
	s26 =	simm.s32 $0x0;
	[smem:$0x7FF] =	sst s2  }
0x7: {  	s3 =	sadd.s32 $0x25400, s8;
	s4 =	sadd.s32 $0x555800, s8;
	s5 =	sadd.s32 $0xEE00, s8  }
0x8: {  	s6 =	sadd.s32 $0x5000, s8;
	s7 =	sadd.s32 $0x73800, s8;
	s13 =	smul.u32 $0x14000, s19  }
0x9: {  	s10 =	sadd.s32 $0x9AA00, s8;
	s30 =	sand.u32 $0x1, s9;
	s31 =	smul.u32 $0x50000, s19  }
0xa: {  	s20 =	sadd.s32 $0x12C000, s1;
	p0 =	sne.s32 s19, $0x0;
	p1 =	seq.s32 s19, $0xF  }
0xb: {  	_ =	strace $0x8000004A;
	s9 =	ssub.s32 $0x2, s30;
	s11 =	smul.u32 $0x138800, s30  }
0xc: {  	s8 =	sshll.u32 s30, $0x4;
	s22 =	sshll.u32 @!p1 s19, $0x6;
	s12 =	sshrl.u32 s9, $0x1  }
0xd: {  	s8 =	sor.u32 s19, s8;
	s14 =	sshrl.u32 s31, $0x2;
	s19 =	sshrl.u32 @p1 s20, $0x3  }
0xe: {  	s20 =	sor.u32 @!p1 $0x1C02, s22;
	s12 =	ssub.s32 s9, s12;
	s8 =	smul.u32 $0x2710, s8  }
0xf: {  	s13 =	sadd.s32 s13, s11;
	s11 =	sshrl.u32 s11, $0x3;
	s21 =	sadd.s32 s14, s1  }
0x10: {  	s14 =	simm.s32 $0x80;
	s13 =	sshrl.u32 s13, $0x3;
	s11 =	sadd.s32 s10, s11  }
0x11: {  	s21 =	sshrl.u32 @!p1 s21, $0x3;
	s9 =	sadd.s32 s10, s13;
	s10 =	sadd.s32 $0x25800, s11  }
0x12: {  	s11 =	smax.u32 s12, $0x1;
	s12 =	sshrl.u32 @!p0 s1, $0x3;
	s13 =	simm.s32 $0x2  }
.LBB2_1:
0x13: {  	s22 =	simm.s32 @!p0 $0x1C02  }
0x14: {  	[spmem:s12], [sflag:s22] =	dma.local @!p0 [hbm:s7], $0x27100  }
0x15: {  	s22 =	simm.s32 @!p0 $0x2  }
0x16: {  	_ =	swait.ge @!p0 [sflag:s22], $0x27100  }
0x17: {  	[sflag:s22] =	ssyncset.done @!p0 $0x0  }
0x18: {  	[sflag:s22] =	ssyncadd.s32 @!p0 $0xFFFD8F00  }
0x19: {  	s22 =	simm.s32 $0x0;
	[bflag:$0x0] =	sbarrier.arrive $0xFFFF  }
.LBB2_2:
0x1a: {  	s23 =	smul.u32 $0x50, s22;
	_ =	sdelay $0x1  }
0x1b: {  	s23 =	sadd.s32 s8, s23  }
0x1c: {  	s24 =	sshrl.u32 s23, $0x3  }
0x1d: {  	s25 =	sadd.s32 s5, s24  }
0x1e: {  	[tilespmem:s26], [sflag:$0x2] =	stream.linear.gather [hbm4b:s25+s26], $0x50, $0x38;
	[tilespmem:$0x18980] =	vst v63  }
0x1f: {  	_ =	swait.ge [sflag:s13], $0x50  }
0x20: {  	[sflag:s13] =	ssyncset.done $0x0  }
0x21: {  	s24 =	sadd.s32 s6, s24;
	[sflag:s13] =	ssyncadd.s32 $0xFFFFFFB0  }
0x22: {  	[tilespmem:s14], [sflag:$0x2] =	stream.linear.gather [hbm4b:s24+s26], $0x50, $0x38;
	[tilespmem:$0x18980] =	vst v63  }
0x23: {  	_ =	swait.ge [sflag:s13], $0x50  }
0x24: {  	[sflag:s13] =	ssyncset.done $0x0  }
0x25: {  	s23 =	sshll.u32 s23, $0x4;
	[sflag:s13] =	ssyncadd.s32 $0xFFFFFFB0  }
0x26: {  	[tilespmem:s16], [sflag:$0x1] =	stream.indirect.gather [hbm4b:s3+s15], $0x80, s26, s15, $0xb8;
	[tilespmem:$0x18980] =	vst v63  }
0x27: {  	s23 =	sadd.s32 s4, s23  }
0x28: {  	[tilespmem:s17], [sflag:$0x2] =	stream.linear.gather [hbm4b:s23+s26], $0x2800, $0x38;
	[tilespmem:$0x18980] =	vst v63  }
0x29: {  	_ =	swait.ge [sflag:s13], $0x2800  }
0x2a: {  	[sflag:s13] =	ssyncset.done $0x0  }
0x2b: {  	[sflag:s13] =	ssyncadd.s32 $0xFFFFD800  }
0x2c: {  	_ =	swait.ge [sflag:s18], $0x2800  }
0x2d: {  	[sflag:s18] =	ssyncset.done $0x0  }
0x2e: {  	s23 =	simm.s32 $0x0;
	[sflag:s18] =	ssyncadd.s32 $0xFFFFD800  }
0x2f: {  	v7 =	vld [tilespmem:s23+$0x2900]  }
0x30: {  	v11 =	vld [tilespmem:s23+$0x2910]  }
0x31: {  	v5 =	vld [tilespmem:s23+$0x2920]  }
0x32: {  	v4 =	vld [tilespmem:s23+$0x2930]  }
0x33: {  	v3 =	vld [tilespmem:s23+$0x2940]  }
0x34: {  	v2 =	vld [tilespmem:s23+$0x2950]  }
0x35: {  	v1 =	vld [tilespmem:s23+$0x2960]  }
0x36: {  	v0 =	vld [tilespmem:s23+$0x2970]  }
0x37: {  	v12 =	vld [tilespmem:s23+$0x100]  }
0x38: {  	v13 =	vld [tilespmem:s23+$0x110]  }
0x39: {  	v10 =	vld [tilespmem:s23+$0x120]  }
0x3a: {  	v9 =	vld [tilespmem:s23+$0x130]  }
0x3b: {  	v8 =	vld [tilespmem:s23+$0x140]  }
0x3c: {  	v6 =	vld [tilespmem:s23+$0x150];
	v12 =	vmul.f32 v7, v12  }
0x3d: {  	s24 =	simm.s32 $0x200;
	v11 =	vmul.f32 v11, v13;
	v7 =	vld [tilespmem:s23+$0x160]  }
.LBB2_3:
0x3e: {  	s25 =	sshra.s32 s24, $0x2;
	p2 =	sne.s32 s24, $0x9E00;
	[tilespmem:s23+$0x100] =	vst v12;
	v5 =	vmul.f32 v5, v10;
	v10 =	vld [tilespmem:s23+$0x170]  }
0x3f: {  	v12 =	vld [tilespmem:s25+$0x2900];
	[tilespmem:s23+$0x110] =	vst v11;
	v4 =	vmul.f32 v4, v9  }
0x40: {  	v11 =	vld [tilespmem:s25+$0x2910];
	[tilespmem:s23+$0x120] =	vst v5;
	v3 =	vmul.f32 v3, v8  }
0x41: {  	v5 =	vld [tilespmem:s25+$0x2920];
	[tilespmem:s23+$0x130] =	vst v4;
	v2 =	vmul.f32 v2, v6  }
0x42: {  	v4 =	vld [tilespmem:s25+$0x2930];
	[tilespmem:s23+$0x140] =	vst v3;
	v1 =	vmul.f32 v1, v7  }
0x43: {  	v3 =	vld [tilespmem:s25+$0x2940];
	[tilespmem:s23+$0x150] =	vst v2;
	v0 =	vmul.f32 v0, v10  }
0x44: {  	v2 =	vld [tilespmem:s25+$0x2950];
	[tilespmem:s23+$0x160] =	vst v1  }
0x45: {  	v1 =	vld [tilespmem:s25+$0x2960];
	[tilespmem:s23+$0x170] =	vst v0;
	s23 =	smov.u32 s25  }
0x46: {  	v0 =	vld [tilespmem:s23+$0x2970]  }
0x47: {  	v6 =	vld [tilespmem:s23+$0x100]  }
0x48: {  	v7 =	vld [tilespmem:s23+$0x110]  }
.Ltmp0:
0x49: {  	v10 =	vld [tilespmem:s23+$0x120];
	(pc) =	sbr.rel @p2 .LBB2_3-.Ltmp0, $4  }
0x4a: {  	v9 =	vld [tilespmem:s23+$0x130]  }
0x4b: {  	v8 =	vld [tilespmem:s23+$0x140]  }
0x4c: {  	v12 =	vmul.f32 v12, v6;
	v6 =	vld [tilespmem:s23+$0x150]  }
0x4d: {  	s24 =	sadd.s32 $0x200, s24;
	v11 =	vmul.f32 v11, v7;
	v7 =	vld [tilespmem:s23+$0x160]  }
0x4e: {  	[tilespmem:s23+$0x100] =	vst v12;
	v5 =	vmul.f32 v5, v10;
	v63 =	vld [tilespmem:s23+$0x170]  }
0x4f: {  	[tilespmem:s23+$0x110] =	vst v11;
	v4 =	vmul.f32 v4, v9  }
0x50: {  	[tilespmem:s23+$0x120] =	vst v5;
	v3 =	vmul.f32 v3, v8  }
0x51: {  	[tilespmem:s23+$0x130] =	vst v4;
	v2 =	vmul.f32 v2, v6  }
0x52: {  	[tilespmem:s23+$0x140] =	vst v3;
	v1 =	vmul.f32 v1, v7  }
0x53: {  	s22 =	sadd.s32 $0x1, s22;
	[tilespmem:s23+$0x150] =	vst v2;
	v0 =	vmul.f32 v0, v63  }
0x54: {  	p2 =	sne.s32 s22, $0x7D;
	[tilespmem:s23+$0x160] =	vst v1  }
.Ltmp1:
0x55: {  	[tilespmem:s23+$0x170] =	vst v0;
	(pc) =	sbr.rel @p2 .LBB2_2-.Ltmp1, $4  }
0x56: {  	[spmem:s1] =	stream.indirect.scatter.add.f32 [tilespmem:s17], [sflag:$0x2], $0x80, s14, s15, $0xb8;
	[tilespmem:$0x18980] =	vst v63  }
0x57: {  	_ =	swait.ge [sflag:s13], $0x2800  }
0x58: {  	[sflag:s13] =	ssyncset.done $0x0  }
0x59: {  	[sflag:s13] =	ssyncadd.s32 $0xFFFFD800  }
0x5a: {  	[bflag:$0x0] =	sbarrier.arrive $0xFFFF;
	s22 =	simm.s32 @p1 $0x1FC2  }
0x5b: {  	[hbm:s10], [sflag:s22] =	dma.local @p1 [spmem:s19], $0x1900  }
0x5c: {  	s22 =	simm.s32 @p1 $0x2  }
0x5d: {  	s2 =	sadd.s32 $0x1, s2;
	_ =	swait.ge @p1 [sflag:s22], $0x1900  }
0x5e: {  	p2 =	sne.s32 s2, s11;
	[sflag:s22] =	ssyncset.done @p1 $0x0  }
.Ltmp2:
0x5f: {  	[sflag:s22] =	ssyncadd.s32 @p1 $0xFFFFE700;
	s22 =	simm.s32 @!p1 $0x2;
	(pc) =	sbr.rel @p2 .LBB2_1-.Ltmp2, $4  }
0x60: {  	[hbm:s9], [sflag:s20] =	dma.local @!p1 [spmem:s21], $0x2800  }
0x61: {  	_ =	swait.ge @!p1 [sflag:s22], $0x2800  }
0x62: {  	[sflag:s22] =	ssyncset.done @!p1 $0x0  }
0x63: {  	[sflag:s22] =	ssyncadd.s32 @!p1 $0xFFFFD800  }
0x64: {  	_ =	sfence.sel $0x180000  }
0x65: {  	[bflag:$0x0] =	sbarrier.arrive $0xFFFF  }
0x66: {  	_ =	strace $0x9000004A  }
0x67: {  	s0 =	sadd.s32 @!p0 $0x100000, s0;
	[bflag:$0x2] =	sbarrier.arrive $0xFFFF  }
0x68: {  	[sflag:s0] =	ssyncadd.tile.s32 @!p0 $0x1;
	_ =	shalt  }
.Lfunc_end2:
_tile_overlayer_lowered:
.L_overlay_start_2:
0x69: {  	(tag) =	ssettag $0x2  }
0x6a: {  	s0 =	rddreg [dreg:$0x0];
	s2 =	stileid.u32  }
0x6b: {  	s1 =	rddreg [dreg:$0x1];
	p0 =	sne.s32 s2, $0x0  }
0x6c: {  	s3 =	rddreg [dreg:$0x2];
	[bflag:$0x3] =	sbarrier.arrive $0xFFFF;
	s2 =	simm.s32 @!p0 $0x1C02  }
0x6d: {  	[timem:s3], [sflag:s2] =	dma.local @!p0 [hbm:s0], s1  }
0x6e: {  	s0 =	simm.s32 @!p0 $0x2  }
0x6f: {  	_ =	swait.ge @!p0 [sflag:s0], s1  }
0x70: {  	s1 =	ssub.s32 @!p0 $0x0, s1;
	[sflag:s0] =	ssyncset.done @!p0 $0x0  }
0x71: {  	[sflag:s0] =	ssyncadd.s32 @!p0 s1  }
0x72: {  	[bflag:$0x3] =	sbarrier.arrive $0xFFFF  }
0x73: {  	_ =	shalt  }

// kernel: kernel.18.cloned.1.call-start
scs
__scs_entry_jumppad:
0x0: {  	(pc) =	sbr.rel $0x88, $3  }
0x1: {  	(tag) =	ssettag $0x0;
	lr =	simm.s32 $0x1  }
0x2: {  	[smem:$0x3F8F] =	sst lr;
	_ =	strace $0xD0000000  }
0x3: {  	_ = 	snop  }
0x4: {  	_ = 	snop  }
0x5: {  	_ = 	snop  }
0x6: {  	_ = 	snop  }
0x7: {  	_ = 	snop  }
__scs_overlays_trampoline_lowered:
0x8: {  	[smem:$0x3F9E] =	sst s0  }
0x9: {  	[smem:$0x3F9F] =	sst s1  }
0xa: {  	[smem:$0x3FA0] =	sst s2  }
0xb: {  	[smem:$0x3FA1] =	sst s3  }
0xc: {  	[smem:$0x3FA2] =	sst s4  }
0xd: {  	[smem:$0x3FA3] =	sst s5  }
0xe: {  	[smem:$0x3FA4] =	sst s6  }
0xf: {  	[smem:$0x3FA5] =	sst s7  }
0x10: {  	[smem:$0x3FA6] =	sst s8  }
0x11: {  	[smem:$0x3FA7] =	sst s9;
	s0 =	simm.s32 @!p0 $0x0  }
0x12: {  	s1 =	sld [smem:$0x3F8D];
	s0 =	simm.s32 @p0 $0x1  }
0x13: {  	[smem:$0x3FA8] =	sst s0;
	s0 =	simm.s32 @!p1 $0x0  }
0x14: {  	s2 =	sld [smem:$0x3F8C];
	s0 =	simm.s32 @p1 $0x1  }
0x15: {  	[smem:$0x3FA9] =	sst s0;
	s0 =	simm.s32 @!p2 $0x0  }
0x16: {  	s3 =	sld [smem:$0x3FDB];
	s0 =	simm.s32 @p2 $0x1  }
0x17: {  	s4 =	simm.s32 $0x1BF5;
	[smem:$0x3FAB] =	sst s0  }
0x18: {  	s0 =	sld [smem:$0x3F8E];
	_ =	swait.ge [sflag:s4], $0x0  }
0x19: {  	s7 =	sld [smem:$0x3F8F]  }
0x1a: {  	s8 =	sadd.s32 $0xFFFFE003, lr  }
0x1b: {  	s9 =	sadd.s32 $0xFFFFFEF7, lr;
	s5 =	simm.s32 $0xFFFFFFFF;
	p2 =	slt.u32 s8, $0xFFFFF086  }
0x1c: {  	p1 =	slt.u32 s9, $0xF7A;
	s5 =	simm.s32 @!p2 $0x0  }
0x1d: {  	s5 =	simm.s32 @p1 $0x1;
	p0 =	seq.s32 s7, s2  }
0x1e: {  	s7 =	smul.u32 @!p0 $0xF7A, s2;
	p2 =	seq.s32 @!p0 s5, $0x0  }
0x1f: {  	s9 =	smul.u32 $0xF7A, s1;
	s8 =	simm.s32 @!p0 $0x1BF5;
	p2 =	por !p2, p0  }
0x20: {  	[sflag:s8] =	ssyncset.s32 @!p0 $0xFFFFF086;
	s6 =	sadd.s32 @!p0 s3, s7;
	s7 =	simm.s32 @!p0 $0x108  }
0x21: {  	s3 =	sadd.s32 s3, s9;
	s6 =	sadd.s32 @!p0 $0x88, s6;
	s7 =	simm.s32 @p2 $0x1082  }
0x22: {  	[simem:s7], [sflag:s8] =	dma.local @!p0 [hbm:s6], $0xF7A  }
0x23: {  	s9 =	sor.u32 $0xD0000000, s2;
	s6 =	simm.s32 $0x108;
	_ =	swait.ge @!p0 [sflag:s8], $0x0  }
0x24: {  	s3 =	sadd.s32 $0x88, s3;
	s6 =	simm.s32 @!p1 $0x1082;
	[sflag:s4] =	ssyncset.s32 $0xFFFFF086  }
0x25: {  	[simem:s6], [sflag:s4] =	dma.local [hbm:s3], $0xF7A  }
0x26: {  	[smem:$0x3F8F] =	sst s1;
	(tag) =	ssettag s2;
	_ =	strace s9  }
0x27: {  	s1 =	sld [smem:$0x3F9F]  }
0x28: {  	s2 =	sld [smem:$0x3FA0]  }
0x29: {  	s4 =	sld [smem:$0x3FA2]  }
0x2a: {  	p0 =	seq.s32 s5, $0x0;
	s5 =	sld [smem:$0x3FA3]  }
0x2b: {  	s6 =	sld [smem:$0x3FA4]  }
0x2c: {  	s7 =	sld [smem:$0x3FA5]  }
0x2d: {  	s3 =	simm.s32 $0x108;
	s8 =	sld [smem:$0x3FA6]  }
0x2e: {  	s3 =	simm.s32 @!p0 $0x1082;
	s9 =	sld [smem:$0x3FA7]  }
0x2f: {  	lr =	sadd.s32 s0, s3;
	s0 =	sld [smem:$0x3F9E]  }
0x30: {  	s3 =	sld [smem:$0x3FA1]  }
0x31: {  	[smem:$0x3FAA] =	sst s10  }
0x32: {  	s10 =	sld [smem:$0x3FA8];
	_ =	sdelay $0x3  }
0x33: {  	p0 =	seq.s32 s10, $0x1;
	s10 =	sld [smem:$0x3FAA];
	_ =	sdelay $0x3  }
0x34: {  	[smem:$0x3FAA] =	sst s10  }
0x35: {  	s10 =	sld [smem:$0x3FA9];
	_ =	sdelay $0x3  }
0x36: {  	p1 =	seq.s32 s10, $0x1;
	s10 =	sld [smem:$0x3FAA];
	_ =	sdelay $0x3  }
0x37: {  	[smem:$0x3FAA] =	sst s10  }
0x38: {  	s10 =	sld [smem:$0x3FAB]  }
0x39: {  	_ = 	snop;
	(pc) =	sbr.ind lr, $3  }
0x3a: {  	_ = 	snop  }
0x3b: {  	_ = 	snop  }
0x3c: {  	p2 =	seq.s32 s10, $0x1;
	s10 =	sld [smem:$0x3FAA]  }
0x3d: {  	_ =	shalt  }
0x3e: {  	_ =	shalt  }
0x3f: {  	_ =	shalt  }
0x40: {  	_ =	shalt  }
0x41: {  	_ =	shalt  }
0x42: {  	_ =	shalt  }
0x43: {  	_ =	shalt  }
0x44: {  	_ =	shalt  }
0x45: {  	_ =	shalt  }
0x46: {  	_ =	shalt  }
0x47: {  	_ =	shalt  }
0x48: {  	_ =	shalt  }
0x49: {  	_ =	shalt  }
0x4a: {  	_ =	shalt  }
0x4b: {  	_ =	shalt  }
0x4c: {  	_ =	shalt  }
0x4d: {  	_ =	shalt  }
0x4e: {  	_ =	shalt  }
0x4f: {  	_ =	shalt  }
0x50: {  	_ =	shalt  }
0x51: {  	_ =	shalt  }
0x52: {  	_ =	shalt  }
0x53: {  	_ =	shalt  }
0x54: {  	_ =	shalt  }
0x55: {  	_ =	shalt  }
0x56: {  	_ =	shalt  }
0x57: {  	_ =	shalt  }
0x58: {  	_ =	shalt  }
0x59: {  	_ =	shalt  }
0x5a: {  	_ =	shalt  }
0x5b: {  	_ =	shalt  }
0x5c: {  	_ =	shalt  }
0x5d: {  	_ =	shalt  }
0x5e: {  	_ =	shalt  }
0x5f: {  	_ =	shalt  }
0x60: {  	_ =	shalt  }
0x61: {  	_ =	shalt  }
0x62: {  	_ =	shalt  }
0x63: {  	_ =	shalt  }
0x64: {  	_ =	shalt  }
0x65: {  	_ =	shalt  }
0x66: {  	_ =	shalt  }
0x67: {  	_ =	shalt  }
0x68: {  	_ =	shalt  }
0x69: {  	_ =	shalt  }
0x6a: {  	_ =	shalt  }
0x6b: {  	_ =	shalt  }
0x6c: {  	_ =	shalt  }
0x6d: {  	_ =	shalt  }
0x6e: {  	_ =	shalt  }
0x6f: {  	_ =	shalt  }
0x70: {  	_ =	shalt  }
0x71: {  	_ =	shalt  }
0x72: {  	_ =	shalt  }
0x73: {  	_ =	shalt  }
0x74: {  	_ =	shalt  }
0x75: {  	_ =	shalt  }
0x76: {  	_ =	shalt  }
0x77: {  	_ =	shalt  }
0x78: {  	_ =	shalt  }
0x79: {  	_ =	shalt  }
0x7a: {  	_ =	shalt  }
0x7b: {  	_ =	shalt  }
0x7c: {  	_ =	shalt  }
0x7d: {  	_ =	shalt  }
0x7e: {  	_ =	shalt  }
0x7f: {  	_ =	shalt  }
0x80: {  	_ =	shalt  }
0x81: {  	_ =	shalt  }
0x82: {  	_ =	shalt  }
0x83: {  	_ =	shalt  }
0x84: {  	_ =	shalt  }
0x85: {  	_ =	shalt  }
0x86: {  	_ =	shalt  }
0x87: {  	_ =	shalt  }
.Lfunc_end0:
.L_simem_size_0:
called_computation.2_lowered:
.L_overlay_start_0:
0x88: {  	s2 =	sld [smem:$0x3FD9]  }
0x89: {  	s3 =	sld [smem:$0x3FFE];
	_ =	sdelay $0x1  }
0x8a: {  	s1 =	srdreg.scid  }
0x8b: {  	s0 =	sand.u32 $0x1, s1  }
0x8c: {  	s16 =	sshll.u32 s0, $0xA;
	s2 =	sadd.s32 s3, s2  }
0x8d: {  	s2 =	sadd.s32 s2, s16  }
0x8e: {  	[smem:$0x3FB6] =	sst s2  }
0x8f: {  	_ = 	snop  }
0x90: {  	(tm) =	ssettm $0x1  }
0x91: {  	s17 =	sld [smem:$0x3FFB];
	_ =	sdelay $0x3  }
0x92: {  	_ =	strace s17  }
0x93: {  	s2 =	sld [smem:$0x3FFC];
	_ =	sdelay $0x3  }
0x94: {  	_ =	strace s2  }
0x95: {  	s2 =	sld [smem:$0x3FFD];
	_ =	sdelay $0x3  }
0x96: {  	_ =	strace s2  }
0x97: {  	_ =	strace $0x8FFFFFFF  }
0x98: {  	s18 =	sld [smem:$0x3FDB];
	_ =	sdelay $0x1  }
0x99: {  	s19 =	simm.s32 $_scs_section_size  }
0x9a: {  	s4 =	simm.s32 $_size__tile_overlayer_lowered;
	s5 =	simm.s32 $_tile_overlayer_lowered  }
0x9b: {  	s22 =	simm.s32 $0x1BFF;
	s21 =	sshll.u32 s5, $0x1;
	s2 =	sadd.s32 s19, s18  }
0x9c: {  	s6 =	simm.s32 $0x0;
	s20 =	sshll.u32 s4, $0x1;
	s4 =	sadd.s32 s21, s2  }
0x9d: {  	[timem:s6], [sflag:s22] =	dma.local [hbm:s4], s20  }
0x9e: {  	_ =	swait.ge [sflag:s22], s20  }
0x9f: {  	s3 =	ssub.s32 $0x0, s20;
	[sflag:s22] =	ssyncset.done $0x0  }
0xa0: {  	[sflag:s22] =	ssyncadd.s32 s3;
	_ =	sdelay $0x1  }
0xa1: {  	s23 =	simm.s32 $0x1B8B  }
0xa2: {  	_ =	swait.ge [sflag:s23], $0x1  }
0xa3: {  	[sflag:s23] =	ssyncset.done $0x0  }
0xa4: {  	s25 =	simm.s32 $0x1B8E;
	s24 =	sld [smem:$0x3FFE];
	[sflag:s23] =	ssyncadd.s32 $0xFFFFFFFF  }
0xa5: {  	s26 =	simm.s32 $execute0_lowered;
	[smem:$0x3FD2] =	sst s25  }
0xa6: {  	s4 =	sshll.u32 s26, $0x1;
	_ =	strace $0x8000004C;
	[dreg:$0x1] =	wrdreg $0xFFFFFFFF  }
0xa7: {  	s28 =	simm.s32 $_size_execute0_lowered;
	s2 =	sadd.s32 s2, s4;
	[dreg:$0x0] =	wrdreg $0x0  }
0xa8: {  	s4 =	sshll.u32 s28, $0x1;
	[dreg:$0x2] =	wrdreg s2  }
0xa9: {  	[dreg:$0x3] =	wrdreg s4  }
0xaa: {  	[dreg:$0x4] =	wrdreg $0xC0  }
0xab: {  	_ =	task [dreg:s6], $0x5FFFF  }
0xac: {  	[dreg:$0x1] =	wrdreg $0xFFFFFFFF  }
0xad: {  	[dreg:$0x0] =	wrdreg $0x60  }
0xae: {  	[dreg:$0x2] =	wrdreg s24  }
0xaf: {  	[dreg:$0x3] =	wrdreg $0x51000  }
0xb0: {  	[dreg:$0x4] =	wrdreg $0x9  }
0xb1: {  	_ =	task.clear_ibuf [dreg:s6], $0x5FFFF;
	_ =	strace $0x9000004C  }
0xb2: {  	s29 =	simm.s32 $0x9;
	_ =	strace $0x8000004E  }
0xb3: {  	_ =	swait.ge [sflag:s29], $0x1  }
0xb4: {  	[sflag:s29] =	ssyncadd.s32 $0xFFFFFFFF  }
0xb5: {  	_ =	strace $0x9000004E  }
0xb6: {  	_ =	sfence  }
0xb7: {  	s30 =	sld [smem:$0x0];
	_ =	sdelay $0x2  }
0xb8: {  	s31 =	sshll.u32 s1, $0xD;
	s1 =	sshrl.u32 s1, $0x2  }
0xb9: {  	s3 =	sand.u32 $0x4000, s31;
	s1 =	sadd.s32 s1, s30  }
0xba: {  	s0 =	sor.u32 s3, s0;
	s1 =	sshll.u32 s1, $0x11  }
0xbb: {  	s0 =	sor.u32 s1, s0  }
0xbc: {  	s0 =	sadd.s32 $0x8F2B, s0  }
0xbd: {  	[sflag:s0] =	ssyncadd.remote.s32 $0x1  }
0xbe: {  	_ =	sfence.sel $0xFFFF  }
0xbf: {  	[dreg:$0x0] =	wrdreg $0xFFFFFFFF;
	(pc) =	sbr.abs _section_cstart, $3  }
0xc0: {  	[dreg:$0x1] =	wrdreg $0xFFFFFFFF  }
0xc1: {  	_ =	task.clear_ibuf [dreg:s6], $0x2FFFF;
	_ =	strace $0x9FFFFFFF  }
0xc2: {  	(tm) =	ssettm $0x7FFFFFFF  }
0xc3: {  	_ =	shalt  }
tec
execute0_lowered:
.L_overlay_start_1:
0x0: {  	(tag) =	ssettag $0x1  }
0x1: {  	s8 =	rddreg [dreg:$0x0]  }
0x2: {  	s1 =	rddreg [dreg:$0x1];
	s3 =	srdreg.scid  }
0x3: {  	s0 =	rddreg [dreg:$0x2];
	s2 =	simm.s32 $0x0;
	s19 =	stileid.u32  }
0x4: {  	s15 =	simm.s32 $0x50;
	s16 =	simm.s32 $0x2900;
	s17 =	simm.s32 $0x100  }
0x5: {  	s18 =	simm.s32 $0x1;
	s26 =	simm.s32 $0x0;
	s7 =	sand.u32 $0x1, s3  }
0x6: {  	[smem:$0x7FF] =	sst s2;
	s4 =	sadd.s32 $0xEE00, s8;
	s12 =	smul.u32 $0x14000, s19  }
0x7: {  	s6 =	sadd.s32 $0x5000, s8;
	s13 =	sadd.s32 $0x9AA00, s8;
	s31 =	smul.u32 $0x50000, s19  }
0x8: {  	s20 =	sadd.s32 $0x12C000, s1;
	p0 =	sne.s32 s19, $0x0;
	p1 =	seq.s32 s19, $0xF  }
0x9: {  	s3 =	sshll.u32 s7, $0x4;
	_ =	strace $0x8000004D;
	s9 =	ssub.s32 $0x2, s7  }
0xa: {  	s10 =	smul.u32 $0x138800, s7;
	s7 =	sadd.s32 $0x73800, s8;
	s22 =	sshll.u32 @!p1 s19, $0x6  }
0xb: {  	s5 =	sor.u32 s19, s3;
	s3 =	sadd.s32 $0x25400, s8;
	s11 =	sshrl.u32 s9, $0x1  }
0xc: {  	s8 =	sadd.s32 $0xA37800, s8;
	s14 =	sshrl.u32 s31, $0x2;
	s19 =	sshrl.u32 @p1 s20, $0x3  }
0xd: {  	s20 =	sor.u32 @!p1 $0x1C02, s22;
	s5 =	smul.u32 $0x2710, s5;
	s11 =	ssub.s32 s9, s11  }
0xe: {  	s12 =	sadd.s32 s12, s10;
	s10 =	sshrl.u32 s10, $0x3;
	s21 =	sadd.s32 s14, s1  }
0xf: {  	s14 =	simm.s32 $0x80;
	s12 =	sshrl.u32 s12, $0x3;
	s10 =	sadd.s32 s13, s10  }
0x10: {  	s11 =	smax.u32 s11, $0x1;
	s21 =	sshrl.u32 @!p1 s21, $0x3;
	s9 =	sadd.s32 s13, s12  }
0x11: {  	s10 =	sadd.s32 $0x25800, s10;
	s12 =	sshrl.u32 @!p0 s1, $0x3;
	s13 =	simm.s32 $0x2  }
.LBB2_1:
0x12: {  	s22 =	simm.s32 @!p0 $0x1C02  }
0x13: {  	[spmem:s12], [sflag:s22] =	dma.local @!p0 [hbm:s7], $0x27100  }
0x14: {  	s22 =	simm.s32 @!p0 $0x2  }
0x15: {  	_ =	swait.ge @!p0 [sflag:s22], $0x27100  }
0x16: {  	[sflag:s22] =	ssyncset.done @!p0 $0x0  }
0x17: {  	[sflag:s22] =	ssyncadd.s32 @!p0 $0xFFFD8F00  }
0x18: {  	s22 =	simm.s32 $0x0;
	[bflag:$0x0] =	sbarrier.arrive $0xFFFF  }
.LBB2_2:
0x19: {  	s23 =	smul.u32 $0x50, s22;
	_ =	sdelay $0x1  }
0x1a: {  	s23 =	sadd.s32 s5, s23  }
0x1b: {  	s24 =	sshrl.u32 s23, $0x3  }
0x1c: {  	s25 =	sadd.s32 s4, s24  }
0x1d: {  	[tilespmem:s26], [sflag:$0x2] =	stream.linear.gather [hbm4b:s25+s26], $0x50, $0x38;
	[tilespmem:$0x18980] =	vst v63  }
0x1e: {  	_ =	swait.ge [sflag:s13], $0x50  }
0x1f: {  	[sflag:s13] =	ssyncset.done $0x0  }
0x20: {  	s24 =	sadd.s32 s6, s24;
	[sflag:s13] =	ssyncadd.s32 $0xFFFFFFB0  }
0x21: {  	[tilespmem:s14], [sflag:$0x2] =	stream.linear.gather [hbm4b:s24+s26], $0x50, $0x38;
	[tilespmem:$0x18980] =	vst v63  }
0x22: {  	_ =	swait.ge [sflag:s13], $0x50  }
0x23: {  	[sflag:s13] =	ssyncset.done $0x0  }
0x24: {  	s23 =	sshll.u32 s23, $0x4;
	[sflag:s13] =	ssyncadd.s32 $0xFFFFFFB0  }
0x25: {  	[tilespmem:s16], [sflag:$0x1] =	stream.indirect.gather [hbm4b:s3+s15], $0x80, s26, s15, $0xb8;
	[tilespmem:$0x18980] =	vst v63  }
0x26: {  	s23 =	sadd.s32 s23, s8  }
0x27: {  	[tilespmem:s17], [sflag:$0x2] =	stream.linear.gather [hbm4b:s23+s26], $0x2800, $0x38;
	[tilespmem:$0x18980] =	vst v63  }
0x28: {  	_ =	swait.ge [sflag:s13], $0x2800  }
0x29: {  	[sflag:s13] =	ssyncset.done $0x0  }
0x2a: {  	[sflag:s13] =	ssyncadd.s32 $0xFFFFD800  }
0x2b: {  	_ =	swait.ge [sflag:s18], $0x2800  }
0x2c: {  	[sflag:s18] =	ssyncset.done $0x0  }
0x2d: {  	s23 =	simm.s32 $0x0;
	[sflag:s18] =	ssyncadd.s32 $0xFFFFD800  }
0x2e: {  	v7 =	vld [tilespmem:s23+$0x2900]  }
0x2f: {  	v11 =	vld [tilespmem:s23+$0x2910]  }
0x30: {  	v5 =	vld [tilespmem:s23+$0x2920]  }
0x31: {  	v4 =	vld [tilespmem:s23+$0x2930]  }
0x32: {  	v3 =	vld [tilespmem:s23+$0x2940]  }
0x33: {  	v2 =	vld [tilespmem:s23+$0x2950]  }
0x34: {  	v1 =	vld [tilespmem:s23+$0x2960]  }
0x35: {  	v0 =	vld [tilespmem:s23+$0x2970]  }
0x36: {  	v12 =	vld [tilespmem:s23+$0x100]  }
0x37: {  	v13 =	vld [tilespmem:s23+$0x110]  }
0x38: {  	v10 =	vld [tilespmem:s23+$0x120]  }
0x39: {  	v9 =	vld [tilespmem:s23+$0x130]  }
0x3a: {  	v8 =	vld [tilespmem:s23+$0x140]  }
0x3b: {  	v6 =	vld [tilespmem:s23+$0x150];
	v12 =	vmul.f32 v7, v12  }
0x3c: {  	s24 =	simm.s32 $0x200;
	v11 =	vmul.f32 v11, v13;
	v7 =	vld [tilespmem:s23+$0x160]  }
.LBB2_3:
0x3d: {  	s25 =	sshra.s32 s24, $0x2;
	p2 =	sne.s32 s24, $0x9E00;
	[tilespmem:s23+$0x100] =	vst v12;
	v5 =	vmul.f32 v5, v10;
	v10 =	vld [tilespmem:s23+$0x170]  }
0x3e: {  	v12 =	vld [tilespmem:s25+$0x2900];
	[tilespmem:s23+$0x110] =	vst v11;
	v4 =	vmul.f32 v4, v9  }
0x3f: {  	v11 =	vld [tilespmem:s25+$0x2910];
	[tilespmem:s23+$0x120] =	vst v5;
	v3 =	vmul.f32 v3, v8  }
0x40: {  	v5 =	vld [tilespmem:s25+$0x2920];
	[tilespmem:s23+$0x130] =	vst v4;
	v2 =	vmul.f32 v2, v6  }
0x41: {  	v4 =	vld [tilespmem:s25+$0x2930];
	[tilespmem:s23+$0x140] =	vst v3;
	v1 =	vmul.f32 v1, v7  }
0x42: {  	v3 =	vld [tilespmem:s25+$0x2940];
	[tilespmem:s23+$0x150] =	vst v2;
	v0 =	vmul.f32 v0, v10  }
0x43: {  	v2 =	vld [tilespmem:s25+$0x2950];
	[tilespmem:s23+$0x160] =	vst v1  }
0x44: {  	v1 =	vld [tilespmem:s25+$0x2960];
	[tilespmem:s23+$0x170] =	vst v0;
	s23 =	smov.u32 s25  }
0x45: {  	v0 =	vld [tilespmem:s23+$0x2970]  }
0x46: {  	v6 =	vld [tilespmem:s23+$0x100]  }
0x47: {  	v7 =	vld [tilespmem:s23+$0x110]  }
.Ltmp0:
0x48: {  	v10 =	vld [tilespmem:s23+$0x120];
	(pc) =	sbr.rel @p2 .LBB2_3-.Ltmp0, $4  }
0x49: {  	v9 =	vld [tilespmem:s23+$0x130]  }
0x4a: {  	v8 =	vld [tilespmem:s23+$0x140]  }
0x4b: {  	v12 =	vmul.f32 v12, v6;
	v6 =	vld [tilespmem:s23+$0x150]  }
0x4c: {  	s24 =	sadd.s32 $0x200, s24;
	v11 =	vmul.f32 v11, v7;
	v7 =	vld [tilespmem:s23+$0x160]  }
0x4d: {  	[tilespmem:s23+$0x100] =	vst v12;
	v5 =	vmul.f32 v5, v10;
	v63 =	vld [tilespmem:s23+$0x170]  }
0x4e: {  	[tilespmem:s23+$0x110] =	vst v11;
	v4 =	vmul.f32 v4, v9  }
0x4f: {  	[tilespmem:s23+$0x120] =	vst v5;
	v3 =	vmul.f32 v3, v8  }
0x50: {  	[tilespmem:s23+$0x130] =	vst v4;
	v2 =	vmul.f32 v2, v6  }
0x51: {  	[tilespmem:s23+$0x140] =	vst v3;
	v1 =	vmul.f32 v1, v7  }
0x52: {  	s22 =	sadd.s32 $0x1, s22;
	[tilespmem:s23+$0x150] =	vst v2;
	v0 =	vmul.f32 v0, v63  }
0x53: {  	p2 =	sne.s32 s22, $0x7D;
	[tilespmem:s23+$0x160] =	vst v1  }
.Ltmp1:
0x54: {  	[tilespmem:s23+$0x170] =	vst v0;
	(pc) =	sbr.rel @p2 .LBB2_2-.Ltmp1, $4  }
0x55: {  	[spmem:s1] =	stream.indirect.scatter.add.f32 [tilespmem:s17], [sflag:$0x2], $0x80, s14, s15, $0xb8;
	[tilespmem:$0x18980] =	vst v63  }
0x56: {  	_ =	swait.ge [sflag:s13], $0x2800  }
0x57: {  	[sflag:s13] =	ssyncset.done $0x0  }
0x58: {  	[sflag:s13] =	ssyncadd.s32 $0xFFFFD800  }
0x59: {  	[bflag:$0x0] =	sbarrier.arrive $0xFFFF;
	s22 =	simm.s32 @p1 $0x1FC2  }
0x5a: {  	[hbm:s10], [sflag:s22] =	dma.local @p1 [spmem:s19], $0x1900  }
0x5b: {  	s22 =	simm.s32 @p1 $0x2  }
0x5c: {  	s2 =	sadd.s32 $0x1, s2;
	_ =	swait.ge @p1 [sflag:s22], $0x1900  }
0x5d: {  	p2 =	sne.s32 s2, s11;
	[sflag:s22] =	ssyncset.done @p1 $0x0  }
.Ltmp2:
0x5e: {  	[sflag:s22] =	ssyncadd.s32 @p1 $0xFFFFE700;
	s22 =	simm.s32 @!p1 $0x2;
	(pc) =	sbr.rel @p2 .LBB2_1-.Ltmp2, $4  }
0x5f: {  	[hbm:s9], [sflag:s20] =	dma.local @!p1 [spmem:s21], $0x2800  }
0x60: {  	_ =	swait.ge @!p1 [sflag:s22], $0x2800  }
0x61: {  	[sflag:s22] =	ssyncset.done @!p1 $0x0  }
0x62: {  	[sflag:s22] =	ssyncadd.s32 @!p1 $0xFFFFD800  }
0x63: {  	_ =	sfence.sel $0x180000  }
0x64: {  	[bflag:$0x0] =	sbarrier.arrive $0xFFFF  }
0x65: {  	_ =	strace $0x9000004D  }
0x66: {  	s0 =	sadd.s32 @!p0 $0x100000, s0;
	[bflag:$0x2] =	sbarrier.arrive $0xFFFF  }
0x67: {  	[sflag:s0] =	ssyncadd.tile.s32 @!p0 $0x1;
	_ =	shalt  }
.Lfunc_end2:
_tile_overlayer_lowered:
.L_overlay_start_2:
0x68: {  	(tag) =	ssettag $0x2  }
0x69: {  	s0 =	rddreg [dreg:$0x0];
	s2 =	stileid.u32  }
0x6a: {  	s1 =	rddreg [dreg:$0x1];
	p0 =	sne.s32 s2, $0x0  }
0x6b: {  	s3 =	rddreg [dreg:$0x2];
	[bflag:$0x3] =	sbarrier.arrive $0xFFFF;
	s2 =	simm.s32 @!p0 $0x1C02  }
0x6c: {  	[timem:s3], [sflag:s2] =	dma.local @!p0 [hbm:s0], s1  }
0x6d: {  	s0 =	simm.s32 @!p0 $0x2  }
0x6e: {  	_ =	swait.ge @!p0 [sflag:s0], s1  }
0x6f: {  	s1 =	ssub.s32 @!p0 $0x0, s1;
	[sflag:s0] =	ssyncset.done @!p0 $0x0  }
0x70: {  	[sflag:s0] =	ssyncadd.s32 @!p0 s1  }
0x71: {  	[bflag:$0x3] =	sbarrier.arrive $0xFFFF  }
0x72: {  	_ =	shalt  }

// kernel: kernel.21.cloned.1.call-start
scs
__scs_entry_jumppad:
0x0: {  	(pc) =	sbr.rel $0x88, $3  }
0x1: {  	(tag) =	ssettag $0x0;
	lr =	simm.s32 $0x1  }
0x2: {  	[smem:$0x3F8F] =	sst lr;
	_ =	strace $0xD0000000  }
0x3: {  	_ = 	snop  }
0x4: {  	_ = 	snop  }
0x5: {  	_ = 	snop  }
0x6: {  	_ = 	snop  }
0x7: {  	_ = 	snop  }
__scs_overlays_trampoline_lowered:
0x8: {  	[smem:$0x3F9E] =	sst s0  }
0x9: {  	[smem:$0x3F9F] =	sst s1  }
0xa: {  	[smem:$0x3FA0] =	sst s2  }
0xb: {  	[smem:$0x3FA1] =	sst s3  }
0xc: {  	[smem:$0x3FA2] =	sst s4  }
0xd: {  	[smem:$0x3FA3] =	sst s5  }
0xe: {  	[smem:$0x3FA4] =	sst s6  }
0xf: {  	[smem:$0x3FA5] =	sst s7  }
0x10: {  	[smem:$0x3FA6] =	sst s8  }
0x11: {  	[smem:$0x3FA7] =	sst s9;
	s0 =	simm.s32 @!p0 $0x0  }
0x12: {  	s1 =	sld [smem:$0x3F8D];
	s0 =	simm.s32 @p0 $0x1  }
0x13: {  	[smem:$0x3FA8] =	sst s0;
	s0 =	simm.s32 @!p1 $0x0  }
0x14: {  	s2 =	sld [smem:$0x3F8C];
	s0 =	simm.s32 @p1 $0x1  }
0x15: {  	[smem:$0x3FA9] =	sst s0;
	s0 =	simm.s32 @!p2 $0x0  }
0x16: {  	s3 =	sld [smem:$0x3FDB];
	s0 =	simm.s32 @p2 $0x1  }
0x17: {  	s4 =	simm.s32 $0x1BF5;
	[smem:$0x3FAB] =	sst s0  }
0x18: {  	s0 =	sld [smem:$0x3F8E];
	_ =	swait.ge [sflag:s4], $0x0  }
0x19: {  	s7 =	sld [smem:$0x3F8F]  }
0x1a: {  	s8 =	sadd.s32 $0xFFFFE003, lr  }
0x1b: {  	s9 =	sadd.s32 $0xFFFFFEF7, lr;
	s5 =	simm.s32 $0xFFFFFFFF;
	p2 =	slt.u32 s8, $0xFFFFF086  }
0x1c: {  	p1 =	slt.u32 s9, $0xF7A;
	s5 =	simm.s32 @!p2 $0x0  }
0x1d: {  	s5 =	simm.s32 @p1 $0x1;
	p0 =	seq.s32 s7, s2  }
0x1e: {  	s7 =	smul.u32 @!p0 $0xF7A, s2;
	p2 =	seq.s32 @!p0 s5, $0x0  }
0x1f: {  	s9 =	smul.u32 $0xF7A, s1;
	s8 =	simm.s32 @!p0 $0x1BF5;
	p2 =	por !p2, p0  }
0x20: {  	[sflag:s8] =	ssyncset.s32 @!p0 $0xFFFFF086;
	s6 =	sadd.s32 @!p0 s3, s7;
	s7 =	simm.s32 @!p0 $0x108  }
0x21: {  	s3 =	sadd.s32 s3, s9;
	s6 =	sadd.s32 @!p0 $0x88, s6;
	s7 =	simm.s32 @p2 $0x1082  }
0x22: {  	[simem:s7], [sflag:s8] =	dma.local @!p0 [hbm:s6], $0xF7A  }
0x23: {  	s9 =	sor.u32 $0xD0000000, s2;
	s6 =	simm.s32 $0x108;
	_ =	swait.ge @!p0 [sflag:s8], $0x0  }
0x24: {  	s3 =	sadd.s32 $0x88, s3;
	s6 =	simm.s32 @!p1 $0x1082;
	[sflag:s4] =	ssyncset.s32 $0xFFFFF086  }
0x25: {  	[simem:s6], [sflag:s4] =	dma.local [hbm:s3], $0xF7A  }
0x26: {  	[smem:$0x3F8F] =	sst s1;
	(tag) =	ssettag s2;
	_ =	strace s9  }
0x27: {  	s1 =	sld [smem:$0x3F9F]  }
0x28: {  	s2 =	sld [smem:$0x3FA0]  }
0x29: {  	s4 =	sld [smem:$0x3FA2]  }
0x2a: {  	p0 =	seq.s32 s5, $0x0;
	s5 =	sld [smem:$0x3FA3]  }
0x2b: {  	s6 =	sld [smem:$0x3FA4]  }
0x2c: {  	s7 =	sld [smem:$0x3FA5]  }
0x2d: {  	s3 =	simm.s32 $0x108;
	s8 =	sld [smem:$0x3FA6]  }
0x2e: {  	s3 =	simm.s32 @!p0 $0x1082;
	s9 =	sld [smem:$0x3FA7]  }
0x2f: {  	lr =	sadd.s32 s0, s3;
	s0 =	sld [smem:$0x3F9E]  }
0x30: {  	s3 =	sld [smem:$0x3FA1]  }
0x31: {  	[smem:$0x3FAA] =	sst s10  }
0x32: {  	s10 =	sld [smem:$0x3FA8];
	_ =	sdelay $0x3  }
0x33: {  	p0 =	seq.s32 s10, $0x1;
	s10 =	sld [smem:$0x3FAA];
	_ =	sdelay $0x3  }
0x34: {  	[smem:$0x3FAA] =	sst s10  }
0x35: {  	s10 =	sld [smem:$0x3FA9];
	_ =	sdelay $0x3  }
0x36: {  	p1 =	seq.s32 s10, $0x1;
	s10 =	sld [smem:$0x3FAA];
	_ =	sdelay $0x3  }
0x37: {  	[smem:$0x3FAA] =	sst s10  }
0x38: {  	s10 =	sld [smem:$0x3FAB]  }
0x39: {  	_ = 	snop;
	(pc) =	sbr.ind lr, $3  }
0x3a: {  	_ = 	snop  }
0x3b: {  	_ = 	snop  }
0x3c: {  	p2 =	seq.s32 s10, $0x1;
	s10 =	sld [smem:$0x3FAA]  }
0x3d: {  	_ =	shalt  }
0x3e: {  	_ =	shalt  }
0x3f: {  	_ =	shalt  }
0x40: {  	_ =	shalt  }
0x41: {  	_ =	shalt  }
0x42: {  	_ =	shalt  }
0x43: {  	_ =	shalt  }
0x44: {  	_ =	shalt  }
0x45: {  	_ =	shalt  }
0x46: {  	_ =	shalt  }
0x47: {  	_ =	shalt  }
0x48: {  	_ =	shalt  }
0x49: {  	_ =	shalt  }
0x4a: {  	_ =	shalt  }
0x4b: {  	_ =	shalt  }
0x4c: {  	_ =	shalt  }
0x4d: {  	_ =	shalt  }
0x4e: {  	_ =	shalt  }
0x4f: {  	_ =	shalt  }
0x50: {  	_ =	shalt  }
0x51: {  	_ =	shalt  }
0x52: {  	_ =	shalt  }
0x53: {  	_ =	shalt  }
0x54: {  	_ =	shalt  }
0x55: {  	_ =	shalt  }
0x56: {  	_ =	shalt  }
0x57: {  	_ =	shalt  }
0x58: {  	_ =	shalt  }
0x59: {  	_ =	shalt  }
0x5a: {  	_ =	shalt  }
0x5b: {  	_ =	shalt  }
0x5c: {  	_ =	shalt  }
0x5d: {  	_ =	shalt  }
0x5e: {  	_ =	shalt  }
0x5f: {  	_ =	shalt  }
0x60: {  	_ =	shalt  }
0x61: {  	_ =	shalt  }
0x62: {  	_ =	shalt  }
0x63: {  	_ =	shalt  }
0x64: {  	_ =	shalt  }
0x65: {  	_ =	shalt  }
0x66: {  	_ =	shalt  }
0x67: {  	_ =	shalt  }
0x68: {  	_ =	shalt  }
0x69: {  	_ =	shalt  }
0x6a: {  	_ =	shalt  }
0x6b: {  	_ =	shalt  }
0x6c: {  	_ =	shalt  }
0x6d: {  	_ =	shalt  }
0x6e: {  	_ =	shalt  }
0x6f: {  	_ =	shalt  }
0x70: {  	_ =	shalt  }
0x71: {  	_ =	shalt  }
0x72: {  	_ =	shalt  }
0x73: {  	_ =	shalt  }
0x74: {  	_ =	shalt  }
0x75: {  	_ =	shalt  }
0x76: {  	_ =	shalt  }
0x77: {  	_ =	shalt  }
0x78: {  	_ =	shalt  }
0x79: {  	_ =	shalt  }
0x7a: {  	_ =	shalt  }
0x7b: {  	_ =	shalt  }
0x7c: {  	_ =	shalt  }
0x7d: {  	_ =	shalt  }
0x7e: {  	_ =	shalt  }
0x7f: {  	_ =	shalt  }
0x80: {  	_ =	shalt  }
0x81: {  	_ =	shalt  }
0x82: {  	_ =	shalt  }
0x83: {  	_ =	shalt  }
0x84: {  	_ =	shalt  }
0x85: {  	_ =	shalt  }
0x86: {  	_ =	shalt  }
0x87: {  	_ =	shalt  }
.Lfunc_end0:
.L_simem_size_0:
called_computation.3_lowered:
.L_overlay_start_0:
0x88: {  	s2 =	sld [smem:$0x3FD9]  }
0x89: {  	s3 =	sld [smem:$0x3FFE];
	_ =	sdelay $0x1  }
0x8a: {  	s1 =	srdreg.scid  }
0x8b: {  	s0 =	sand.u32 $0x1, s1  }
0x8c: {  	s16 =	sshll.u32 s0, $0xA;
	s2 =	sadd.s32 s3, s2  }
0x8d: {  	s2 =	sadd.s32 s2, s16  }
0x8e: {  	[smem:$0x3FB6] =	sst s2  }
0x8f: {  	_ = 	snop  }
0x90: {  	(tm) =	ssettm $0x1  }
0x91: {  	s17 =	sld [smem:$0x3FFB];
	_ =	sdelay $0x3  }
0x92: {  	_ =	strace s17  }
0x93: {  	s2 =	sld [smem:$0x3FFC];
	_ =	sdelay $0x3  }
0x94: {  	_ =	strace s2  }
0x95: {  	s2 =	sld [smem:$0x3FFD];
	_ =	sdelay $0x3  }
0x96: {  	_ =	strace s2  }
0x97: {  	_ =	strace $0x8FFFFFFF  }
0x98: {  	s18 =	sld [smem:$0x3FDB];
	_ =	sdelay $0x1  }
0x99: {  	s19 =	simm.s32 $_scs_section_size  }
0x9a: {  	s4 =	simm.s32 $_size__tile_overlayer_lowered;
	s5 =	simm.s32 $_tile_overlayer_lowered  }
0x9b: {  	s22 =	simm.s32 $0x1BFF;
	s21 =	sshll.u32 s5, $0x1;
	s2 =	sadd.s32 s19, s18  }
0x9c: {  	s6 =	simm.s32 $0x0;
	s20 =	sshll.u32 s4, $0x1;
	s4 =	sadd.s32 s21, s2  }
0x9d: {  	[timem:s6], [sflag:s22] =	dma.local [hbm:s4], s20  }
0x9e: {  	_ =	swait.ge [sflag:s22], s20  }
0x9f: {  	s3 =	ssub.s32 $0x0, s20;
	[sflag:s22] =	ssyncset.done $0x0  }
0xa0: {  	[sflag:s22] =	ssyncadd.s32 s3;
	_ =	sdelay $0x1  }
0xa1: {  	s23 =	simm.s32 $0x1B8B  }
0xa2: {  	_ =	swait.ge [sflag:s23], $0x1  }
0xa3: {  	[sflag:s23] =	ssyncset.done $0x0  }
0xa4: {  	s25 =	simm.s32 $0x1B8E;
	s24 =	sld [smem:$0x3FFE];
	[sflag:s23] =	ssyncadd.s32 $0xFFFFFFFF  }
0xa5: {  	s26 =	simm.s32 $execute0_lowered;
	[smem:$0x3FD2] =	sst s25  }
0xa6: {  	s4 =	sshll.u32 s26, $0x1;
	_ =	strace $0x8000004F;
	[dreg:$0x1] =	wrdreg $0xFFFFFFFF  }
0xa7: {  	s28 =	simm.s32 $_size_execute0_lowered;
	s2 =	sadd.s32 s2, s4;
	[dreg:$0x0] =	wrdreg $0x0  }
0xa8: {  	s4 =	sshll.u32 s28, $0x1;
	[dreg:$0x2] =	wrdreg s2  }
0xa9: {  	[dreg:$0x3] =	wrdreg s4  }
0xaa: {  	[dreg:$0x4] =	wrdreg $0xC0  }
0xab: {  	_ =	task [dreg:s6], $0x5FFFF  }
0xac: {  	[dreg:$0x1] =	wrdreg $0xFFFFFFFF  }
0xad: {  	[dreg:$0x0] =	wrdreg $0x60  }
0xae: {  	[dreg:$0x2] =	wrdreg s24  }
0xaf: {  	[dreg:$0x3] =	wrdreg $0x51000  }
0xb0: {  	[dreg:$0x4] =	wrdreg $0x9  }
0xb1: {  	_ =	task.clear_ibuf [dreg:s6], $0x5FFFF;
	_ =	strace $0x9000004F  }
0xb2: {  	s29 =	simm.s32 $0x9;
	_ =	strace $0x80000051  }
0xb3: {  	_ =	swait.ge [sflag:s29], $0x1  }
0xb4: {  	[sflag:s29] =	ssyncadd.s32 $0xFFFFFFFF  }
0xb5: {  	_ =	strace $0x90000051  }
0xb6: {  	_ =	sfence  }
0xb7: {  	s30 =	sld [smem:$0x0];
	_ =	sdelay $0x2  }
0xb8: {  	s31 =	sshll.u32 s1, $0xD;
	s1 =	sshrl.u32 s1, $0x2  }
0xb9: {  	s3 =	sand.u32 $0x4000, s31;
	s1 =	sadd.s32 s1, s30  }
0xba: {  	s0 =	sor.u32 s3, s0;
	s1 =	sshll.u32 s1, $0x11  }
0xbb: {  	s0 =	sor.u32 s1, s0  }
0xbc: {  	s0 =	sadd.s32 $0x8F2B, s0  }
0xbd: {  	[sflag:s0] =	ssyncadd.remote.s32 $0x1  }
0xbe: {  	_ =	sfence.sel $0xFFFF  }
0xbf: {  	[dreg:$0x0] =	wrdreg $0xFFFFFFFF;
	(pc) =	sbr.abs _section_cstart, $3  }
0xc0: {  	[dreg:$0x1] =	wrdreg $0xFFFFFFFF  }
0xc1: {  	_ =	task.clear_ibuf [dreg:s6], $0x2FFFF;
	_ =	strace $0x9FFFFFFF  }
0xc2: {  	(tm) =	ssettm $0x7FFFFFFF  }
0xc3: {  	_ =	shalt  }
tec
execute0_lowered:
.L_overlay_start_1:
0x0: {  	(tag) =	ssettag $0x1  }
0x1: {  	s8 =	rddreg [dreg:$0x0]  }
0x2: {  	s1 =	rddreg [dreg:$0x1];
	s3 =	srdreg.scid  }
0x3: {  	s0 =	rddreg [dreg:$0x2];
	s2 =	simm.s32 $0x0;
	s19 =	stileid.u32  }
0x4: {  	s15 =	simm.s32 $0x50;
	s16 =	simm.s32 $0x2900;
	s17 =	simm.s32 $0x100  }
0x5: {  	s18 =	simm.s32 $0x1;
	s26 =	simm.s32 $0x0;
	s7 =	sand.u32 $0x1, s3  }
0x6: {  	[smem:$0x7FF] =	sst s2;
	s4 =	sadd.s32 $0xEE00, s8;
	s12 =	smul.u32 $0x14000, s19  }
0x7: {  	s6 =	sadd.s32 $0x5000, s8;
	s13 =	sadd.s32 $0x9AA00, s8;
	s31 =	smul.u32 $0x50000, s19  }
0x8: {  	s20 =	sadd.s32 $0x12C000, s1;
	p0 =	sne.s32 s19, $0x0;
	p1 =	seq.s32 s19, $0xF  }
0x9: {  	s3 =	sshll.u32 s7, $0x4;
	_ =	strace $0x80000050;
	s9 =	ssub.s32 $0x2, s7  }
0xa: {  	s10 =	smul.u32 $0x138800, s7;
	s7 =	sadd.s32 $0x73800, s8;
	s22 =	sshll.u32 @!p1 s19, $0x6  }
0xb: {  	s5 =	sor.u32 s19, s3;
	s3 =	sadd.s32 $0x25400, s8;
	s11 =	sshrl.u32 s9, $0x1  }
0xc: {  	s8 =	sadd.s32 $0xF19800, s8;
	s14 =	sshrl.u32 s31, $0x2;
	s19 =	sshrl.u32 @p1 s20, $0x3  }
0xd: {  	s20 =	sor.u32 @!p1 $0x1C02, s22;
	s5 =	smul.u32 $0x2710, s5;
	s11 =	ssub.s32 s9, s11  }
0xe: {  	s12 =	sadd.s32 s12, s10;
	s10 =	sshrl.u32 s10, $0x3;
	s21 =	sadd.s32 s14, s1  }
0xf: {  	s14 =	simm.s32 $0x80;
	s12 =	sshrl.u32 s12, $0x3;
	s10 =	sadd.s32 s13, s10  }
0x10: {  	s11 =	smax.u32 s11, $0x1;
	s21 =	sshrl.u32 @!p1 s21, $0x3;
	s9 =	sadd.s32 s13, s12  }
0x11: {  	s10 =	sadd.s32 $0x25800, s10;
	s12 =	sshrl.u32 @!p0 s1, $0x3;
	s13 =	simm.s32 $0x2  }
.LBB2_1:
0x12: {  	s22 =	simm.s32 @!p0 $0x1C02  }
0x13: {  	[spmem:s12], [sflag:s22] =	dma.local @!p0 [hbm:s7], $0x27100  }
0x14: {  	s22 =	simm.s32 @!p0 $0x2  }
0x15: {  	_ =	swait.ge @!p0 [sflag:s22], $0x27100  }
0x16: {  	[sflag:s22] =	ssyncset.done @!p0 $0x0  }
0x17: {  	[sflag:s22] =	ssyncadd.s32 @!p0 $0xFFFD8F00  }
0x18: {  	s22 =	simm.s32 $0x0;
	[bflag:$0x0] =	sbarrier.arrive $0xFFFF  }
.LBB2_2:
0x19: {  	s23 =	smul.u32 $0x50, s22;
	_ =	sdelay $0x1  }
0x1a: {  	s23 =	sadd.s32 s5, s23  }
0x1b: {  	s24 =	sshrl.u32 s23, $0x3  }
0x1c: {  	s25 =	sadd.s32 s4, s24  }
0x1d: {  	[tilespmem:s26], [sflag:$0x2] =	stream.linear.gather [hbm4b:s25+s26], $0x50, $0x38;
	[tilespmem:$0x18980] =	vst v63  }
0x1e: {  	_ =	swait.ge [sflag:s13], $0x50  }
0x1f: {  	[sflag:s13] =	ssyncset.done $0x0  }
0x20: {  	s24 =	sadd.s32 s6, s24;
	[sflag:s13] =	ssyncadd.s32 $0xFFFFFFB0  }
0x21: {  	[tilespmem:s14], [sflag:$0x2] =	stream.linear.gather [hbm4b:s24+s26], $0x50, $0x38;
	[tilespmem:$0x18980] =	vst v63  }
0x22: {  	_ =	swait.ge [sflag:s13], $0x50  }
0x23: {  	[sflag:s13] =	ssyncset.done $0x0  }
0x24: {  	s23 =	sshll.u32 s23, $0x4;
	[sflag:s13] =	ssyncadd.s32 $0xFFFFFFB0  }
0x25: {  	[tilespmem:s16], [sflag:$0x1] =	stream.indirect.gather [hbm4b:s3+s15], $0x80, s26, s15, $0xb8;
	[tilespmem:$0x18980] =	vst v63  }
0x26: {  	s23 =	sadd.s32 s23, s8  }
0x27: {  	[tilespmem:s17], [sflag:$0x2] =	stream.linear.gather [hbm4b:s23+s26], $0x2800, $0x38;
	[tilespmem:$0x18980] =	vst v63  }
0x28: {  	_ =	swait.ge [sflag:s13], $0x2800  }
0x29: {  	[sflag:s13] =	ssyncset.done $0x0  }
0x2a: {  	[sflag:s13] =	ssyncadd.s32 $0xFFFFD800  }
0x2b: {  	_ =	swait.ge [sflag:s18], $0x2800  }
0x2c: {  	[sflag:s18] =	ssyncset.done $0x0  }
0x2d: {  	s23 =	simm.s32 $0x0;
	[sflag:s18] =	ssyncadd.s32 $0xFFFFD800  }
0x2e: {  	v7 =	vld [tilespmem:s23+$0x2900]  }
0x2f: {  	v11 =	vld [tilespmem:s23+$0x2910]  }
0x30: {  	v5 =	vld [tilespmem:s23+$0x2920]  }
0x31: {  	v4 =	vld [tilespmem:s23+$0x2930]  }
0x32: {  	v3 =	vld [tilespmem:s23+$0x2940]  }
0x33: {  	v2 =	vld [tilespmem:s23+$0x2950]  }
0x34: {  	v1 =	vld [tilespmem:s23+$0x2960]  }
0x35: {  	v0 =	vld [tilespmem:s23+$0x2970]  }
0x36: {  	v12 =	vld [tilespmem:s23+$0x100]  }
0x37: {  	v13 =	vld [tilespmem:s23+$0x110]  }
0x38: {  	v10 =	vld [tilespmem:s23+$0x120]  }
0x39: {  	v9 =	vld [tilespmem:s23+$0x130]  }
0x3a: {  	v8 =	vld [tilespmem:s23+$0x140]  }
0x3b: {  	v6 =	vld [tilespmem:s23+$0x150];
	v12 =	vmul.f32 v7, v12  }
0x3c: {  	s24 =	simm.s32 $0x200;
	v11 =	vmul.f32 v11, v13;
	v7 =	vld [tilespmem:s23+$0x160]  }
.LBB2_3:
0x3d: {  	s25 =	sshra.s32 s24, $0x2;
	p2 =	sne.s32 s24, $0x9E00;
	[tilespmem:s23+$0x100] =	vst v12;
	v5 =	vmul.f32 v5, v10;
	v10 =	vld [tilespmem:s23+$0x170]  }
0x3e: {  	v12 =	vld [tilespmem:s25+$0x2900];
	[tilespmem:s23+$0x110] =	vst v11;
	v4 =	vmul.f32 v4, v9  }
0x3f: {  	v11 =	vld [tilespmem:s25+$0x2910];
	[tilespmem:s23+$0x120] =	vst v5;
	v3 =	vmul.f32 v3, v8  }
0x40: {  	v5 =	vld [tilespmem:s25+$0x2920];
	[tilespmem:s23+$0x130] =	vst v4;
	v2 =	vmul.f32 v2, v6  }
0x41: {  	v4 =	vld [tilespmem:s25+$0x2930];
	[tilespmem:s23+$0x140] =	vst v3;
	v1 =	vmul.f32 v1, v7  }
0x42: {  	v3 =	vld [tilespmem:s25+$0x2940];
	[tilespmem:s23+$0x150] =	vst v2;
	v0 =	vmul.f32 v0, v10  }
0x43: {  	v2 =	vld [tilespmem:s25+$0x2950];
	[tilespmem:s23+$0x160] =	vst v1  }
0x44: {  	v1 =	vld [tilespmem:s25+$0x2960];
	[tilespmem:s23+$0x170] =	vst v0;
	s23 =	smov.u32 s25  }
0x45: {  	v0 =	vld [tilespmem:s23+$0x2970]  }
0x46: {  	v6 =	vld [tilespmem:s23+$0x100]  }
0x47: {  	v7 =	vld [tilespmem:s23+$0x110]  }
.Ltmp0:
0x48: {  	v10 =	vld [tilespmem:s23+$0x120];
	(pc) =	sbr.rel @p2 .LBB2_3-.Ltmp0, $4  }
0x49: {  	v9 =	vld [tilespmem:s23+$0x130]  }
0x4a: {  	v8 =	vld [tilespmem:s23+$0x140]  }
0x4b: {  	v12 =	vmul.f32 v12, v6;
	v6 =	vld [tilespmem:s23+$0x150]  }
0x4c: {  	s24 =	sadd.s32 $0x200, s24;
	v11 =	vmul.f32 v11, v7;
	v7 =	vld [tilespmem:s23+$0x160]  }
0x4d: {  	[tilespmem:s23+$0x100] =	vst v12;
	v5 =	vmul.f32 v5, v10;
	v63 =	vld [tilespmem:s23+$0x170]  }
0x4e: {  	[tilespmem:s23+$0x110] =	vst v11;
	v4 =	vmul.f32 v4, v9  }
0x4f: {  	[tilespmem:s23+$0x120] =	vst v5;
	v3 =	vmul.f32 v3, v8  }
0x50: {  	[tilespmem:s23+$0x130] =	vst v4;
	v2 =	vmul.f32 v2, v6  }
0x51: {  	[tilespmem:s23+$0x140] =	vst v3;
	v1 =	vmul.f32 v1, v7  }
0x52: {  	s22 =	sadd.s32 $0x1, s22;
	[tilespmem:s23+$0x150] =	vst v2;
	v0 =	vmul.f32 v0, v63  }
0x53: {  	p2 =	sne.s32 s22, $0x7D;
	[tilespmem:s23+$0x160] =	vst v1  }
.Ltmp1:
0x54: {  	[tilespmem:s23+$0x170] =	vst v0;
	(pc) =	sbr.rel @p2 .LBB2_2-.Ltmp1, $4  }
0x55: {  	[spmem:s1] =	stream.indirect.scatter.add.f32 [tilespmem:s17], [sflag:$0x2], $0x80, s14, s15, $0xb8;
	[tilespmem:$0x18980] =	vst v63  }
0x56: {  	_ =	swait.ge [sflag:s13], $0x2800  }
0x57: {  	[sflag:s13] =	ssyncset.done $0x0  }
0x58: {  	[sflag:s13] =	ssyncadd.s32 $0xFFFFD800  }
0x59: {  	[bflag:$0x0] =	sbarrier.arrive $0xFFFF;
	s22 =	simm.s32 @p1 $0x1FC2  }
0x5a: {  	[hbm:s10], [sflag:s22] =	dma.local @p1 [spmem:s19], $0x1900  }
0x5b: {  	s22 =	simm.s32 @p1 $0x2  }
0x5c: {  	s2 =	sadd.s32 $0x1, s2;
	_ =	swait.ge @p1 [sflag:s22], $0x1900  }
0x5d: {  	p2 =	sne.s32 s2, s11;
	[sflag:s22] =	ssyncset.done @p1 $0x0  }
.Ltmp2:
0x5e: {  	[sflag:s22] =	ssyncadd.s32 @p1 $0xFFFFE700;
	s22 =	simm.s32 @!p1 $0x2;
	(pc) =	sbr.rel @p2 .LBB2_1-.Ltmp2, $4  }
0x5f: {  	[hbm:s9], [sflag:s20] =	dma.local @!p1 [spmem:s21], $0x2800  }
0x60: {  	_ =	swait.ge @!p1 [sflag:s22], $0x2800  }
0x61: {  	[sflag:s22] =	ssyncset.done @!p1 $0x0  }
0x62: {  	[sflag:s22] =	ssyncadd.s32 @!p1 $0xFFFFD800  }
0x63: {  	_ =	sfence.sel $0x180000  }
0x64: {  	[bflag:$0x0] =	sbarrier.arrive $0xFFFF  }
0x65: {  	_ =	strace $0x90000050  }
0x66: {  	s0 =	sadd.s32 @!p0 $0x100000, s0;
	[bflag:$0x2] =	sbarrier.arrive $0xFFFF  }
0x67: {  	[sflag:s0] =	ssyncadd.tile.s32 @!p0 $0x1;
	_ =	shalt  }
.Lfunc_end2:
_tile_overlayer_lowered:
.L_overlay_start_2:
0x68: {  	(tag) =	ssettag $0x2  }
0x69: {  	s0 =	rddreg [dreg:$0x0];
	s2 =	stileid.u32  }
0x6a: {  	s1 =	rddreg [dreg:$0x1];
	p0 =	sne.s32 s2, $0x0  }
0x6b: {  	s3 =	rddreg [dreg:$0x2];
	[bflag:$0x3] =	sbarrier.arrive $0xFFFF;
	s2 =	simm.s32 @!p0 $0x1C02  }
0x6c: {  	[timem:s3], [sflag:s2] =	dma.local @!p0 [hbm:s0], s1  }
0x6d: {  	s0 =	simm.s32 @!p0 $0x2  }
0x6e: {  	_ =	swait.ge @!p0 [sflag:s0], s1  }
0x6f: {  	s1 =	ssub.s32 @!p0 $0x0, s1;
	[sflag:s0] =	ssyncset.done @!p0 $0x0  }
0x70: {  	[sflag:s0] =	ssyncadd.s32 @!p0 s1  }
0x71: {  	[bflag:$0x3] =	sbarrier.arrive $0xFFFF  }
0x72: {  	_ =	shalt  }

</sc_bundles>
